<compile_context>
chip_gen: v7x
topology: tpu7x:2x2x1
jax: 0.10.2.dev20260603
libtpu: 0.0.44.dev20260713+nightly
codegen_flags: <defaults>
</compile_context>

<pallas_src>
import functools

import jax
import jax.numpy as jnp
from jax import lax
from jax.experimental import pallas as pl
from jax.experimental.pallas import tpu as pltpu
from jax.experimental.pallas import tpu_sc as plsc

F32 = jnp.float32
BF16 = jnp.bfloat16
I32 = jnp.int32


def _mm(a, b_ref):
    return jnp.dot(a.astype(BF16), b_ref[...], preferred_element_type=F32)

N_PAD = 10240
BN = 1024
NT = N_PAD // BN
NSUB = 16
NCORE = 2
ROWS_PER_SUB = N_PAD // NSUB
EG = 128



def _sc_pass(x2, src2, dst16, n_groups):
    mesh = plsc.VectorSubcoreMesh(core_axis_name="c", subcore_axis_name="s")

    nchunk = 2
    cg = n_groups // nchunk

    @functools.partial(
        pl.kernel,
        out_type=jax.ShapeDtypeStruct((2 * N_PAD, 128), F32),
        mesh=mesh,
        scratch_types=[
            pltpu.VMEM((cg, EG), I32),
            pltpu.VMEM((cg, EG), I32),
            pltpu.VMEM((EG, 128), F32),
            pltpu.VMEM((EG, 128), F32),
            pltpu.VMEM_SHARED((N_PAD, 128), F32),
            pltpu.SemaphoreType.DMA,
            pltpu.SemaphoreType.DMA,
        ],
    )
    def k(x_hbm, src_hbm, dst_hbm, h_hbm, src_v, dst_v, rows_a, rows_b,
          acc_sh, sem_a, sem_b):
        c = lax.axis_index("c")
        s = lax.axis_index("s")
        row0 = s * ROWS_PER_SUB
        xoff = c * N_PAD
        pltpu.sync_copy(x_hbm.at[pl.ds(xoff + row0, ROWS_PER_SUB)],
                        acc_sh.at[pl.ds(row0, ROWS_PER_SUB)])
        plsc.subcore_barrier()

        for chunk in range(nchunk):
            gbase = s * n_groups + chunk * cg
            pltpu.sync_copy(src_hbm.at[pl.ds(gbase, cg)], src_v)
            pltpu.sync_copy(dst_hbm.at[pl.ds(gbase, cg)], dst_v)

            @pl.loop(0, cg)
            def _(g):
                @pl.loop(0, EG, step=16)
                def _(j):
                    r = src_v.at[g, pl.ds(j, 16)]
                    r[...] = r[...] + xoff
            pltpu.async_copy(x_hbm.at[src_v.at[0]], rows_a, sem_a)

            @pl.loop(0, cg, step=2)
            def _(g):
                pltpu.async_copy(x_hbm.at[src_v.at[g + 1]], rows_b, sem_b)
                pltpu.make_async_copy(x_hbm.at[src_v.at[g]], rows_a, sem_a).wait()
                pltpu.sync_copy(rows_a, acc_sh.at[dst_v.at[g]], add=True)

                @pl.when(g + 2 < cg)
                def _():
                    pltpu.async_copy(x_hbm.at[src_v.at[g + 2]], rows_a, sem_a)

                pltpu.make_async_copy(x_hbm.at[src_v.at[g + 1]], rows_b, sem_b).wait()
                pltpu.sync_copy(rows_b, acc_sh.at[dst_v.at[g + 1]], add=True)

        plsc.subcore_barrier()
        pltpu.sync_copy(acc_sh.at[pl.ds(row0, ROWS_PER_SUB)],
                        h_hbm.at[pl.ds(xoff + row0, ROWS_PER_SUB)])

    return k(x2, src2, dst16)



def _full(shape):
    return pl.BlockSpec(shape, lambda i: tuple(0 for _ in shape))


def _k1_body(aux_ref, wemb_ref, wb1_ref, bb1_ref, wb2_ref, bb2_ref, out_ref):
    vio = lax.broadcasted_iota(I32, (BN, 128), 1)
    oh = jnp.zeros((BN, 128), BF16)
    for k in range(4):
        oh = oh + (aux_ref[:, k:k + 1] == vio).astype(BF16)
    t = jnp.dot(oh, wemb_ref[...], preferred_element_type=F32)
    t = jnp.maximum(_mm(t, wb1_ref) + bb1_ref[...], 0.0)
    x = _mm(t, wb2_ref) + bb2_ref[...]
    out_ref[0] = x[:, :128]
    out_ref[1] = x[:, 128:]


def _k2_body(h_ref, wg1_ref, bg1_ref, wg2_ref, bg2_ref, wg3_ref, bg3_ref,
             lng_ref, lnb_ref, out_ref):
    xn = _gin_mlp(h_ref, wg1_ref, bg1_ref, wg2_ref, bg2_ref, wg3_ref,
                  bg3_ref, lng_ref, lnb_ref)
    out_ref[0] = xn[:, :128]
    out_ref[1] = xn[:, 128:]


def _gin_mlp(h_ref, wg1_ref, bg1_ref, wg2_ref, bg2_ref, wg3_ref, bg3_ref,
             lng_ref, lnb_ref):
    h = jnp.concatenate([h_ref[0], h_ref[1]], axis=1)
    h = jnp.maximum(_mm(h, wg1_ref) + bg1_ref[...], 0.0)
    h = jnp.maximum(_mm(h, wg2_ref) + bg2_ref[...], 0.0)
    h = _mm(h, wg3_ref) + bg3_ref[...]
    mu = jnp.mean(h, axis=1, keepdims=True)
    d = h - mu
    var = jnp.mean(d * d, axis=1, keepdims=True)
    return lng_ref[...] * (d * lax.rsqrt(var + 1e-5)) + lnb_ref[...]


def _k3_body(nmol, x1_ref, x2_ref, h3_ref, wg1_ref, bg1_ref, wg2_ref,
             bg2_ref, wg3_ref, bg3_ref, lng_ref, lnb_ref, aux_ref,
             wa1_ref, ba1_ref, wa2_ref, ba2_ref, out_ref):
    i = pl.program_id(0)
    x3 = _gin_mlp(h3_ref, wg1_ref, bg1_ref, wg2_ref, bg2_ref, wg3_ref,
                  bg3_ref, lng_ref, lnb_ref)
    cat = jnp.concatenate([x1_ref[0], x1_ref[1], x2_ref[0], x2_ref[1],
                           x3], axis=1)
    y = jnp.maximum(_mm(cat, wa1_ref) + ba1_ref[...], 0.0)
    z = _mm(y, wa2_ref) + ba2_ref[...]
    sel = (aux_ref[:, 4:5] == lax.broadcasted_iota(I32, (BN, nmol), 1)).astype(BF16)
    contrib = lax.dot_general(sel, z.astype(BF16), (((0,), (0,)), ((), ())),
                              preferred_element_type=F32)

    @pl.when(i == 0)
    def _():
        out_ref[...] = jnp.zeros_like(out_ref)

    out_ref[...] += contrib



def kernel(x_atom_type, x_degree, x_charge, x_hybridization, edge_index,
           batch, ptr, emb_atom, emb_deg, emb_chg, emb_hyb, Wb1, bb1, Wb2,
           bb2, Wg1, bg1, Wg2, bg2, Wg3, bg3, ln_g, ln_b, Wa1, ba1, Wa2, ba2):
    n = x_atom_type.shape[0]
    e = edge_index.shape[1]
    nmol = ptr.shape[0] - 1
    emb = emb_atom.shape[1]
    dim = Wb2.shape[1]
    out_dim = Wa2.shape[1]
    pad_n = N_PAD - n

    o1 = emb_atom.shape[0]
    o2 = o1 + emb_deg.shape[0]
    o3 = o2 + emb_chg.shape[0]
    vocab = o3 + emb_hyb.shape[0]
    zcol = jnp.zeros((n,), I32)
    cols = jnp.stack([x_atom_type.astype(I32), x_degree.astype(I32) + o1,
                      x_charge.astype(I32) + o2,
                      x_hybridization.astype(I32) + o3,
                      batch.astype(I32), zcol, zcol, zcol], axis=1)
    tail = jnp.broadcast_to(
        jnp.array([vocab, vocab, vocab, vocab, nmol, 0, 0, 0], I32),
        (pad_n, 8))
    aux = jnp.concatenate([cols, tail], axis=0)

    w_emb = jnp.concatenate([
        jnp.pad(emb_atom, ((0, 0), (0, 3 * emb))),
        jnp.pad(emb_deg, ((0, 0), (emb, 2 * emb))),
        jnp.pad(emb_chg, ((0, 0), (2 * emb, emb))),
        jnp.pad(emb_hyb, ((0, 0), (3 * emb, 0))),
        jnp.zeros((128 - vocab, 4 * emb), F32)], axis=0)

    src = edge_index[0].astype(I32)
    dst = edge_index[1].astype(I32)
    e_pad = -(-e // (NSUB * EG * 4)) * (NSUB * EG * 4)
    n_groups = e_pad // (NSUB * EG)
    pad_e = e_pad - e
    pad_ar = jnp.arange(pad_e, dtype=I32)
    n_chunk_g = n_groups // 2
    src_g = jnp.concatenate([src, pad_ar % n]).reshape(NSUB * n_groups, EG)
    dst_p = jnp.concatenate([dst, n + pad_ar % pad_n]).reshape(NSUB * n_groups, EG)

    b1 = bb1.reshape(1, -1)
    b2 = bb2.reshape(1, -1)
    g1 = bg1.reshape(1, -1)
    g2 = bg2.reshape(1, -1)
    g3 = bg3.reshape(1, -1)
    a1 = ba1.reshape(1, -1)
    a2 = ba2.reshape(1, -1)
    lng = ln_g.reshape(1, -1)
    lnb = ln_b.reshape(1, -1)

    xspec = pl.BlockSpec((2, BN, 128), lambda i: (0, i, 0))
    xshape = jax.ShapeDtypeStruct((2, N_PAD, 128), F32)

    x = pl.pallas_call(
        _k1_body,
        grid=(NT,),
        in_specs=[
            pl.BlockSpec((BN, 8), lambda i: (i, 0)),
            _full((128, 4 * emb)),
            _full(Wb1.shape), _full((1, Wb1.shape[1])),
            _full(Wb2.shape), _full((1, dim)),
        ],
        out_specs=xspec,
        out_shape=xshape,
    )(aux, w_emb.astype(BF16), Wb1.astype(BF16), b1, Wb2.astype(BF16), b2)

    gin = pl.pallas_call(
        _k2_body,
        grid=(NT,),
        in_specs=[
            xspec,
            _full(Wg1.shape), _full((1, dim)),
            _full(Wg2.shape), _full((1, dim)),
            _full(Wg3.shape), _full((1, dim)),
            _full((1, dim)), _full((1, dim)),
        ],
        out_specs=xspec,
        out_shape=xshape,
    )
    Wg1b, Wg2b, Wg3b = Wg1.astype(BF16), Wg2.astype(BF16), Wg3.astype(BF16)
    outs = []
    for _ in range(2):
        h2 = _sc_pass(x.reshape(2 * N_PAD, 128), src_g, dst_p, n_groups)
        x = gin(h2.reshape(2, N_PAD, 128), Wg1b, g1, Wg2b, g2, Wg3b, g3, lng, lnb)
        outs.append(x)
    h3 = _sc_pass(x.reshape(2 * N_PAD, 128), src_g, dst_p, n_groups)
    h3 = h3.reshape(2, N_PAD, 128)

    out = pl.pallas_call(
        functools.partial(_k3_body, nmol),
        grid=(NT,),
        in_specs=[
            xspec, xspec, xspec,
            _full(Wg1.shape), _full((1, dim)),
            _full(Wg2.shape), _full((1, dim)),
            _full(Wg3.shape), _full((1, dim)),
            _full((1, dim)), _full((1, dim)),
            pl.BlockSpec((BN, 8), lambda i: (i, 0)),
            _full(Wa1.shape), _full((1, Wa1.shape[1])),
            _full(Wa2.shape), _full((1, out_dim)),
        ],
        out_specs=pl.BlockSpec((nmol, out_dim), lambda i: (0, 0)),
        out_shape=jax.ShapeDtypeStruct((nmol, out_dim), F32),
    )(outs[0], outs[1], h3, Wg1b, g1, Wg2b, g2, Wg3b, g3, lng, lnb,
      aux, Wa1.astype(BF16), a1, Wa2.astype(BF16), a2)
    return out

# --- scband reference (transcript-rebuilt; emitter-appended) ---
"""Pipeline reference for scband-molecule-gnnmodel-86225763434884 (READ-ONLY COPY).

The authoritative reference and input builder live on the scoring server;
editing this copy changes nothing except your own understanding.
"""

import jax, jax.numpy as jnp
import numpy as np

N = 10000
E = 160000
B = 256
EMB = 64
DIM = 256
NPASS = 3
OUT = 256

def setup_inputs(seed: int = 0):
    key = jax.random.key(seed)
    ks = jax.random.split(key, 24)
    x_atom_type = jax.random.randint(ks[0], (N,), 0, 100)
    x_degree = jax.random.randint(ks[1], (N,), 0, 10)
    x_charge = jax.random.randint(ks[2], (N,), 0, 8)
    x_hybridization = jax.random.randint(ks[3], (N,), 0, 6)
    edge_index = jax.random.randint(ks[4], (2, E), 0, N)
    batch = jnp.sort(jax.random.randint(ks[5], (N,), 0, B))
    counts = jnp.bincount(batch, length=B)
    ptr = jnp.concatenate([jnp.zeros((1,), counts.dtype), jnp.cumsum(counts)])
    s = 0.02
    emb_atom = s * jax.random.normal(ks[6], (100, EMB), dtype=jnp.float32)
    emb_deg = s * jax.random.normal(ks[7], (10, EMB), dtype=jnp.float32)
    emb_chg = s * jax.random.normal(ks[8], (8, EMB), dtype=jnp.float32)
    emb_hyb = s * jax.random.normal(ks[9], (6, EMB), dtype=jnp.float32)
    Wb1 = s * jax.random.normal(ks[10], (4 * EMB, 256), dtype=jnp.float32)
    bb1 = jnp.zeros((256,), jnp.float32)
    Wb2 = s * jax.random.normal(ks[11], (256, DIM), dtype=jnp.float32)
    bb2 = jnp.zeros((DIM,), jnp.float32)
    Wg1 = s * jax.random.normal(ks[12], (DIM, DIM), dtype=jnp.float32)
    bg1 = jnp.zeros((DIM,), jnp.float32)
    Wg2 = s * jax.random.normal(ks[13], (DIM, DIM), dtype=jnp.float32)
    bg2 = jnp.zeros((DIM,), jnp.float32)
    Wg3 = s * jax.random.normal(ks[14], (DIM, DIM), dtype=jnp.float32)
    bg3 = jnp.zeros((DIM,), jnp.float32)
    ln_g = jnp.ones((DIM,), jnp.float32)
    ln_b = jnp.zeros((DIM,), jnp.float32)
    Wa1 = s * jax.random.normal(ks[15], (NPASS * DIM, 512), dtype=jnp.float32)
    ba1 = jnp.zeros((512,), jnp.float32)
    Wa2 = s * jax.random.normal(ks[16], (512, OUT), dtype=jnp.float32)
    ba2 = jnp.zeros((OUT,), jnp.float32)
    return {"x_atom_type": x_atom_type, "x_degree": x_degree, "x_charge": x_charge,
            "x_hybridization": x_hybridization, "edge_index": edge_index, "batch": batch, "ptr": ptr,
            "emb_atom": emb_atom, "emb_deg": emb_deg, "emb_chg": emb_chg, "emb_hyb": emb_hyb,
            "Wb1": Wb1, "bb1": bb1, "Wb2": Wb2, "bb2": bb2,
            "Wg1": Wg1, "bg1": bg1, "Wg2": Wg2, "bg2": bg2, "Wg3": Wg3, "bg3": bg3,
            "ln_g": ln_g, "ln_b": ln_b, "Wa1": Wa1, "ba1": ba1, "Wa2": Wa2, "ba2": ba2}

def reference(x_atom_type, x_degree, x_charge, x_hybridization, edge_index, batch, ptr,
              emb_atom, emb_deg, emb_chg, emb_hyb, Wb1, bb1, Wb2, bb2,
              Wg1, bg1, Wg2, bg2, Wg3, bg3, ln_g, ln_b, Wa1, ba1, Wa2, ba2):
    # per-feature embedding lookup + concat
    x = jnp.concatenate([jnp.take(emb_atom, x_atom_type, axis=0),
                         jnp.take(emb_deg, x_degree, axis=0),
                         jnp.take(emb_chg, x_charge, axis=0),
                         jnp.take(emb_hyb, x_hybridization, axis=0)], axis=1)
    # fcnn_before_mpnn
    x = jax.nn.relu(x @ Wb1 + bb1)
    x = x @ Wb2 + bb2
    src = edge_index[0]
    dst = edge_index[1]
    outs = []
    for _ in range(NPASS):
        # GIN layer (shared weights): (1+eps)*x + sum_{neighbors}, eps=0
        agg = jax.ops.segment_sum(jnp.take(x, src, axis=0), dst, num_segments=N)
        h = x + agg
        h = jax.nn.relu(h @ Wg1 + bg1)
        h = jax.nn.relu(h @ Wg2 + bg2)
        h = h @ Wg3 + bg3
        mu = jnp.mean(h, axis=-1, keepdims=True)
        var = jnp.var(h, axis=-1, keepdims=True)
        x = ln_g * (h - mu) / jnp.sqrt(var + 1e-5) + ln_b
        outs.append(x)
    x = jnp.concatenate(outs, axis=1)
    # fcnn_after_mpnn
    x = jax.nn.relu(x @ Wa1 + ba1)
    x = x @ Wa2 + ba2
    # segment_csr(x, ptr, 'sum') == segment_sum over per-node graph ids (batch)
    return jax.ops.segment_sum(x, batch, num_segments=B)

if __name__ == "__main__":
    import jax
    _d = setup_inputs()
    print(jax.jit(kernel)(*tuple(_d.values())))

</pallas_src>

<mosaic_0001>
#map = affine_map<(d0, d1) -> (0, 0)>
module attributes {stable_mosaic.version = 14 : i64} {
  func.func @k(%arg0: i32, %arg1: i32, %arg2: memref<20480x128xf32, #tpu.memory_space<hbm>>, %arg3: memref<1280x128xi32, #tpu.memory_space<hbm>>, %arg4: memref<1280x128xi32, #tpu.memory_space<hbm>>, %arg5: memref<20480x128xf32, #tpu.memory_space<hbm>>, %arg6: memref<40x128xi32, #tpu.memory_space<vmem>>, %arg7: memref<40x128xi32, #tpu.memory_space<vmem>>, %arg8: memref<128x128xf32, #tpu.memory_space<vmem>>, %arg9: memref<128x128xf32, #tpu.memory_space<vmem>>, %arg10: memref<10240x128xf32, #tpu.memory_space<vmem_shared>>, %arg11: memref<!tpu.dma_semaphore, #tpu.memory_space<semaphore_mem>>, %arg12: memref<!tpu.dma_semaphore, #tpu.memory_space<semaphore_mem>>) attributes {dimension_semantics = [#tpu.dimension_semantics<core_parallel>, #tpu.dimension_semantics<subcore_parallel>], iteration_bounds = array<i64: 2, 16>, scalar_prefetch = 0 : i64, scratch_operands = 7 : i64, tpu.core_type = #tpu.core_type<sc_vector_subcore>, window_params = [{transform_indices = #map}, {transform_indices = #map}, {transform_indices = #map}, {transform_indices = #map}]} {
    %mul3A = arith.constant 640 : i32
    %mul3A_0 = arith.muli %arg1, %mul3A : i32
    %mul3A_1 = arith.constant 10240 : i32
    %mul3A_2 = arith.muli %arg0, %mul3A_1 : i32
    %add3A = arith.addi %mul3A_2, %mul3A_0 : i32
    "tpu.region"() ({
      %run_scoped3A = tpu.sem_alloc : memref<!tpu.dma_semaphore, #tpu.memory_space<semaphore_mem>>
      %dma_start3A_45 = arith.constant 0 : i32
      %dma_start3A_46 = tpu.memref_slice %arg10[%mul3A_0, %dma_start3A_45] : memref<10240x128xf32, #tpu.memory_space<vmem_shared>> -> memref<640x128xf32, #tpu.memory_space<vmem_shared>>
      %dma_start3A_47 = arith.constant 0 : i32
      %dma_start3A_48 = tpu.memref_slice %arg2[%add3A, %dma_start3A_47] : memref<20480x128xf32, #tpu.memory_space<hbm>> -> memref<640x128xf32, #tpu.memory_space<hbm>>
      tpu.enqueue_dma source(%dma_start3A_48 : memref<640x128xf32, #tpu.memory_space<hbm>>) target(%dma_start3A_46 : memref<640x128xf32, #tpu.memory_space<vmem_shared>>) target_semaphore(%run_scoped3A : memref<!tpu.dma_semaphore, #tpu.memory_space<semaphore_mem>>)
      %dma_wait3A = arith.constant 0 : i32
      %dma_wait3A_49 = tpu.memref_slice %arg10[%mul3A_0, %dma_wait3A] : memref<10240x128xf32, #tpu.memory_space<vmem_shared>> -> memref<640x128xf32, #tpu.memory_space<vmem_shared>>
      %dma_wait3A_50 = arith.constant 0 : i32
      %dma_wait3A_51 = tpu.memref_slice %arg2[%add3A, %dma_wait3A_50] : memref<20480x128xf32, #tpu.memory_space<hbm>> -> memref<640x128xf32, #tpu.memory_space<hbm>>
      tpu.wait_dma2 semaphore(%run_scoped3A : memref<!tpu.dma_semaphore, #tpu.memory_space<semaphore_mem>>) src(%dma_wait3A_51 : memref<640x128xf32, #tpu.memory_space<hbm>>) dst(%dma_wait3A_49 : memref<640x128xf32, #tpu.memory_space<vmem_shared>>)
      tpu.yield
    }) : () -> ()
    %barrier3A = arith.constant 0 : index
    tpu.barrier barrier_id(%barrier3A)
    %mul3A_3 = arith.constant 80 : i32
    %mul3A_4 = arith.muli %arg1, %mul3A_3 : i32
    %add3A_5 = arith.constant 0 : i32
    %add3A_6 = arith.addi %mul3A_4, %add3A_5 : i32
    "tpu.region"() ({
      %run_scoped3A = tpu.sem_alloc : memref<!tpu.dma_semaphore, #tpu.memory_space<semaphore_mem>>
      %dma_start3A_45 = arith.constant 0 : i32
      %dma_start3A_46 = tpu.memref_slice %arg3[%add3A_6, %dma_start3A_45] : memref<1280x128xi32, #tpu.memory_space<hbm>> -> memref<40x128xi32, #tpu.memory_space<hbm>>
      %dma_start3A_47 = arith.constant 0 : i32
      %dma_start3A_48 = tpu.memref_slice %arg3[%add3A_6, %dma_start3A_47] : memref<1280x128xi32, #tpu.memory_space<hbm>> -> memref<40x128xi32, #tpu.memory_space<hbm>>
      tpu.enqueue_dma source(%dma_start3A_48 : memref<40x128xi32, #tpu.memory_space<hbm>>) target(%arg6 : memref<40x128xi32, #tpu.memory_space<vmem>>) target_semaphore(%run_scoped3A : memref<!tpu.dma_semaphore, #tpu.memory_space<semaphore_mem>>)
      %dma_wait3A = arith.constant 0 : i32
      %dma_wait3A_49 = tpu.memref_slice %arg3[%add3A_6, %dma_wait3A] : memref<1280x128xi32, #tpu.memory_space<hbm>> -> memref<40x128xi32, #tpu.memory_space<hbm>>
      %dma_wait3A_50 = arith.constant 0 : i32
      %dma_wait3A_51 = tpu.memref_slice %arg3[%add3A_6, %dma_wait3A_50] : memref<1280x128xi32, #tpu.memory_space<hbm>> -> memref<40x128xi32, #tpu.memory_space<hbm>>
      tpu.wait_dma2 semaphore(%run_scoped3A : memref<!tpu.dma_semaphore, #tpu.memory_space<semaphore_mem>>) src(%dma_wait3A_51 : memref<40x128xi32, #tpu.memory_space<hbm>>) dst(%arg6 : memref<40x128xi32, #tpu.memory_space<vmem>>)
      tpu.yield
    }) : () -> ()
    "tpu.region"() ({
      %run_scoped3A = tpu.sem_alloc : memref<!tpu.dma_semaphore, #tpu.memory_space<semaphore_mem>>
      %dma_start3A_45 = arith.constant 0 : i32
      %dma_start3A_46 = tpu.memref_slice %arg4[%add3A_6, %dma_start3A_45] : memref<1280x128xi32, #tpu.memory_space<hbm>> -> memref<40x128xi32, #tpu.memory_space<hbm>>
      %dma_start3A_47 = arith.constant 0 : i32
      %dma_start3A_48 = tpu.memref_slice %arg4[%add3A_6, %dma_start3A_47] : memref<1280x128xi32, #tpu.memory_space<hbm>> -> memref<40x128xi32, #tpu.memory_space<hbm>>
      tpu.enqueue_dma source(%dma_start3A_48 : memref<40x128xi32, #tpu.memory_space<hbm>>) target(%arg7 : memref<40x128xi32, #tpu.memory_space<vmem>>) target_semaphore(%run_scoped3A : memref<!tpu.dma_semaphore, #tpu.memory_space<semaphore_mem>>)
      %dma_wait3A = arith.constant 0 : i32
      %dma_wait3A_49 = tpu.memref_slice %arg4[%add3A_6, %dma_wait3A] : memref<1280x128xi32, #tpu.memory_space<hbm>> -> memref<40x128xi32, #tpu.memory_space<hbm>>
      %dma_wait3A_50 = arith.constant 0 : i32
      %dma_wait3A_51 = tpu.memref_slice %arg4[%add3A_6, %dma_wait3A_50] : memref<1280x128xi32, #tpu.memory_space<hbm>> -> memref<40x128xi32, #tpu.memory_space<hbm>>
      tpu.wait_dma2 semaphore(%run_scoped3A : memref<!tpu.dma_semaphore, #tpu.memory_space<semaphore_mem>>) src(%dma_wait3A_51 : memref<40x128xi32, #tpu.memory_space<hbm>>) dst(%arg7 : memref<40x128xi32, #tpu.memory_space<vmem>>)
      tpu.yield
    }) : () -> ()
    %scan3A = arith.constant 0 : i32
    %scan3A_7 = arith.constant 40 : i32
    %scan3A_8 = arith.addi %scan3A, %scan3A_7 : i32
    %scan3A_9 = arith.constant 1 : i32
    scf.for %scan3A_45 = %scan3A to %scan3A_8 step %scan3A_9  : i32 {
      %mul3A_46 = arith.constant 1 : i32
      %mul3A_47 = arith.muli %scan3A_45, %mul3A_46 : i32
      %add3A_48 = arith.constant 0 : i32
      %add3A_49 = arith.addi %add3A_48, %mul3A_47 : i32
      %scan3A_50 = arith.constant 0 : i32
      %scan3A_51 = arith.constant 8 : i32
      %scan3A_52 = arith.addi %scan3A_50, %scan3A_51 : i32
      %scan3A_53 = arith.constant 1 : i32
      scf.for %scan3A_55 = %scan3A_50 to %scan3A_52 step %scan3A_53  : i32 {
        %mul3A_56 = arith.constant 16 : i32
        %mul3A_57 = arith.muli %scan3A_55, %mul3A_56 : i32
        %add3A_58 = arith.constant 0 : i32
        %add3A_59 = arith.addi %add3A_58, %mul3A_57 : i32
        %get3A = arith.index_cast %add3A_49 : i32 to index
        %get3A_60 = arith.index_cast %add3A_59 : i32 to index
        %get3A_61 = tpu.vector_load %arg6[%get3A, %get3A_60] {strides = array<i32>} : memref<40x128xi32, #tpu.memory_space<vmem>>, vector<1x16xi32>,
        %get3A_62 = vector.shape_cast %get3A_61 : vector<1x16xi32> to vector<16xi32>
        %add3A_63 = vector.broadcast %mul3A_2 : i32 to vector<16xi32>
        %add3A_64 = arith.addi %get3A_62, %add3A_63 : vector<16xi32>
        %swap3A = arith.index_cast %add3A_49 : i32 to index
        %swap3A_65 = arith.index_cast %add3A_59 : i32 to index
        %swap3A_66 = tpu.vector_load %arg6[%swap3A, %swap3A_65] {strides = array<i32>} : memref<40x128xi32, #tpu.memory_space<vmem>>, vector<1x16xi32>,
        %swap3A_67 = vector.shape_cast %swap3A_66 : vector<1x16xi32> to vector<16xi32>
        %swap3A_68 = vector.shape_cast %add3A_64 : vector<16xi32> to vector<1x16xi32>
        tpu.vector_store %arg6[%swap3A, %swap3A_65], %swap3A_68 {strides = array<i32>} : memref<40x128xi32, #tpu.memory_space<vmem>>, vector<1x16xi32>,
      }
      %scan3A_54 = arith.constant 8 : i32
    }
    %scan3A_10 = arith.constant 40 : i32
    %dma_start3A = arith.constant 0 : i32
    %dma_start3A_11 = arith.constant 0 : i32
    %dma_start3A_12 = tpu.memref_slice %arg6[%dma_start3A, %dma_start3A_11] : memref<40x128xi32, #tpu.memory_space<vmem>> -> memref<1x128xi32, #tpu.memory_space<vmem>>
    %dma_start3A_13 = tpu.memref_squeeze %dma_start3A_12 : memref<1x128xi32, #tpu.memory_space<vmem>> -> memref<128xi32, #tpu.memory_space<vmem>>
    %dma_start3A_14 = arith.constant 0 : i32
    %dma_start3A_15 = arith.constant 0 : i32
    %dma_start3A_16 = tpu.memref_slice %arg2[%dma_start3A_14, %dma_start3A_15] : memref<20480x128xf32, #tpu.memory_space<hbm>> -> memref<20480x128xf32, #tpu.memory_space<hbm>>
    tpu.enqueue_indirect_dma source(%dma_start3A_16 : memref<20480x128xf32, #tpu.memory_space<hbm>>) target(%arg8 : memref<128x128xf32, #tpu.memory_space<vmem>>) offsets(%dma_start3A_13 : memref<128xi32, #tpu.memory_space<vmem>>) semaphore(%arg11 : memref<!tpu.dma_semaphore, #tpu.memory_space<semaphore_mem>>)
    %scan3A_17 = arith.constant 0 : i32
    %scan3A_18 = arith.constant 20 : i32
    %scan3A_19 = arith.addi %scan3A_17, %scan3A_18 : i32
    %scan3A_20 = arith.constant 1 : i32
    scf.for %scan3A_45 = %scan3A_17 to %scan3A_19 step %scan3A_20  : i32 {
      %mul3A_46 = arith.constant 2 : i32
      %mul3A_47 = arith.muli %scan3A_45, %mul3A_46 : i32
      %add3A_48 = arith.constant 0 : i32
      %add3A_49 = arith.addi %add3A_48, %mul3A_47 : i32
      %add3A_50 = arith.constant 1 : i32
      %add3A_51 = arith.addi %add3A_49, %add3A_50 : i32
      %dma_start3A_52 = arith.constant 0 : i32
      %dma_start3A_53 = tpu.memref_slice %arg6[%add3A_51, %dma_start3A_52] : memref<40x128xi32, #tpu.memory_space<vmem>> -> memref<1x128xi32, #tpu.memory_space<vmem>>
      %dma_start3A_54 = tpu.memref_squeeze %dma_start3A_53 : memref<1x128xi32, #tpu.memory_space<vmem>> -> memref<128xi32, #tpu.memory_space<vmem>>
      %dma_start3A_55 = arith.constant 0 : i32
      %dma_start3A_56 = arith.constant 0 : i32
      %dma_start3A_57 = tpu.memref_slice %arg2[%dma_start3A_55, %dma_start3A_56] : memref<20480x128xf32, #tpu.memory_space<hbm>> -> memref<20480x128xf32, #tpu.memory_space<hbm>>
      tpu.enqueue_indirect_dma source(%dma_start3A_57 : memref<20480x128xf32, #tpu.memory_space<hbm>>) target(%arg9 : memref<128x128xf32, #tpu.memory_space<vmem>>) offsets(%dma_start3A_54 : memref<128xi32, #tpu.memory_space<vmem>>) semaphore(%arg12 : memref<!tpu.dma_semaphore, #tpu.memory_space<semaphore_mem>>)
      %dma_wait3A = arith.constant 0 : i32
      %dma_wait3A_58 = tpu.memref_slice %arg6[%add3A_49, %dma_wait3A] : memref<40x128xi32, #tpu.memory_space<vmem>> -> memref<1x128xi32, #tpu.memory_space<vmem>>
      %dma_wait3A_59 = tpu.memref_squeeze %dma_wait3A_58 : memref<1x128xi32, #tpu.memory_space<vmem>> -> memref<128xi32, #tpu.memory_space<vmem>>
      %dma_wait3A_60 = arith.constant 0 : i32
      %dma_wait3A_61 = arith.constant 0 : i32
      %dma_wait3A_62 = tpu.memref_slice %arg2[%dma_wait3A_60, %dma_wait3A_61] : memref<20480x128xf32, #tpu.memory_space<hbm>> -> memref<20480x128xf32, #tpu.memory_space<hbm>>
      tpu.wait_indirect_dma semaphore(%arg11 : memref<!tpu.dma_semaphore, #tpu.memory_space<semaphore_mem>>) src(%dma_wait3A_62 : memref<20480x128xf32, #tpu.memory_space<hbm>>) dst(%arg8 : memref<128x128xf32, #tpu.memory_space<vmem>>)
      "tpu.region"() ({
        %run_scoped3A = tpu.sem_alloc : memref<!tpu.dma_semaphore, #tpu.memory_space<semaphore_mem>>
        %dma_start3A_77 = arith.constant 0 : i32
        %dma_start3A_78 = tpu.memref_slice %arg7[%add3A_49, %dma_start3A_77] : memref<40x128xi32, #tpu.memory_space<vmem>> -> memref<1x128xi32, #tpu.memory_space<vmem>>
        %dma_start3A_79 = tpu.memref_squeeze %dma_start3A_78 : memref<1x128xi32, #tpu.memory_space<vmem>> -> memref<128xi32, #tpu.memory_space<vmem>>
        %dma_start3A_80 = arith.constant 0 : i32
        %dma_start3A_81 = arith.constant 0 : i32
        %dma_start3A_82 = tpu.memref_slice %arg10[%dma_start3A_80, %dma_start3A_81] : memref<10240x128xf32, #tpu.memory_space<vmem_shared>> -> memref<10240x128xf32, #tpu.memory_space<vmem_shared>>
        tpu.enqueue_indirect_dma source(%arg8 : memref<128x128xf32, #tpu.memory_space<vmem>>) target(%dma_start3A_82 : memref<10240x128xf32, #tpu.memory_space<vmem_shared>>) offsets(%dma_start3A_79 : memref<128xi32, #tpu.memory_space<vmem>>) semaphore(%run_scoped3A : memref<!tpu.dma_semaphore, #tpu.memory_space<semaphore_mem>>) {add = true}
        %dma_wait3A_83 = arith.constant 0 : i32
        %dma_wait3A_84 = tpu.memref_slice %arg7[%add3A_49, %dma_wait3A_83] : memref<40x128xi32, #tpu.memory_space<vmem>> -> memref<1x128xi32, #tpu.memory_space<vmem>>
        %dma_wait3A_85 = tpu.memref_squeeze %dma_wait3A_84 : memref<1x128xi32, #tpu.memory_space<vmem>> -> memref<128xi32, #tpu.memory_space<vmem>>
        %dma_wait3A_86 = arith.constant 0 : i32
        %dma_wait3A_87 = arith.constant 0 : i32
        %dma_wait3A_88 = tpu.memref_slice %arg10[%dma_wait3A_86, %dma_wait3A_87] : memref<10240x128xf32, #tpu.memory_space<vmem_shared>> -> memref<10240x128xf32, #tpu.memory_space<vmem_shared>>
        tpu.wait_indirect_dma semaphore(%run_scoped3A : memref<!tpu.dma_semaphore, #tpu.memory_space<semaphore_mem>>) src(%arg8 : memref<128x128xf32, #tpu.memory_space<vmem>>) dst(%dma_wait3A_88 : memref<10240x128xf32, #tpu.memory_space<vmem_shared>>)
        tpu.yield
      }) : () -> ()
      %add3A_63 = arith.constant 2 : i32
      %add3A_64 = arith.addi %add3A_49, %add3A_63 : i32
      %lt3A = arith.constant 40 : i32
      %lt3A_65 = arith.cmpi slt, %add3A_64, %lt3A : i32
      %convert_element_type3A = arith.extui %lt3A_65 : i1 to i32
      %cond3A = arith.constant 0 : i32
      %cond3A_66 = arith.cmpi ne, %convert_element_type3A, %cond3A : i32
      scf.if %cond3A_66 {
        %add3A_77 = arith.constant 2 : i32
        %add3A_78 = arith.addi %add3A_49, %add3A_77 : i32
        %dma_start3A_79 = arith.constant 0 : i32
        %dma_start3A_80 = tpu.memref_slice %arg6[%add3A_78, %dma_start3A_79] : memref<40x128xi32, #tpu.memory_space<vmem>> -> memref<1x128xi32, #tpu.memory_space<vmem>>
        %dma_start3A_81 = tpu.memref_squeeze %dma_start3A_80 : memref<1x128xi32, #tpu.memory_space<vmem>> -> memref<128xi32, #tpu.memory_space<vmem>>
        %dma_start3A_82 = arith.constant 0 : i32
        %dma_start3A_83 = arith.constant 0 : i32
        %dma_start3A_84 = tpu.memref_slice %arg2[%dma_start3A_82, %dma_start3A_83] : memref<20480x128xf32, #tpu.memory_space<hbm>> -> memref<20480x128xf32, #tpu.memory_space<hbm>>
        tpu.enqueue_indirect_dma source(%dma_start3A_84 : memref<20480x128xf32, #tpu.memory_space<hbm>>) target(%arg8 : memref<128x128xf32, #tpu.memory_space<vmem>>) offsets(%dma_start3A_81 : memref<128xi32, #tpu.memory_space<vmem>>) semaphore(%arg11 : memref<!tpu.dma_semaphore, #tpu.memory_space<semaphore_mem>>)
      } else {
      }
      %add3A_67 = arith.constant 1 : i32
      %add3A_68 = arith.addi %add3A_49, %add3A_67 : i32
      %dma_wait3A_69 = arith.constant 0 : i32
      %dma_wait3A_70 = tpu.memref_slice %arg6[%add3A_68, %dma_wait3A_69] : memref<40x128xi32, #tpu.memory_space<vmem>> -> memref<1x128xi32, #tpu.memory_space<vmem>>
      %dma_wait3A_71 = tpu.memref_squeeze %dma_wait3A_70 : memref<1x128xi32, #tpu.memory_space<vmem>> -> memref<128xi32, #tpu.memory_space<vmem>>
      %dma_wait3A_72 = arith.constant 0 : i32
      %dma_wait3A_73 = arith.constant 0 : i32
      %dma_wait3A_74 = tpu.memref_slice %arg2[%dma_wait3A_72, %dma_wait3A_73] : memref<20480x128xf32, #tpu.memory_space<hbm>> -> memref<20480x128xf32, #tpu.memory_space<hbm>>
      tpu.wait_indirect_dma semaphore(%arg12 : memref<!tpu.dma_semaphore, #tpu.memory_space<semaphore_mem>>) src(%dma_wait3A_74 : memref<20480x128xf32, #tpu.memory_space<hbm>>) dst(%arg9 : memref<128x128xf32, #tpu.memory_space<vmem>>)
      %add3A_75 = arith.constant 1 : i32
      %add3A_76 = arith.addi %add3A_49, %add3A_75 : i32
      "tpu.region"() ({
        %run_scoped3A = tpu.sem_alloc : memref<!tpu.dma_semaphore, #tpu.memory_space<semaphore_mem>>
        %dma_start3A_77 = arith.constant 0 : i32
        %dma_start3A_78 = tpu.memref_slice %arg7[%add3A_76, %dma_start3A_77] : memref<40x128xi32, #tpu.memory_space<vmem>> -> memref<1x128xi32, #tpu.memory_space<vmem>>
        %dma_start3A_79 = tpu.memref_squeeze %dma_start3A_78 : memref<1x128xi32, #tpu.memory_space<vmem>> -> memref<128xi32, #tpu.memory_space<vmem>>
        %dma_start3A_80 = arith.constant 0 : i32
        %dma_start3A_81 = arith.constant 0 : i32
        %dma_start3A_82 = tpu.memref_slice %arg10[%dma_start3A_80, %dma_start3A_81] : memref<10240x128xf32, #tpu.memory_space<vmem_shared>> -> memref<10240x128xf32, #tpu.memory_space<vmem_shared>>
        tpu.enqueue_indirect_dma source(%arg9 : memref<128x128xf32, #tpu.memory_space<vmem>>) target(%dma_start3A_82 : memref<10240x128xf32, #tpu.memory_space<vmem_shared>>) offsets(%dma_start3A_79 : memref<128xi32, #tpu.memory_space<vmem>>) semaphore(%run_scoped3A : memref<!tpu.dma_semaphore, #tpu.memory_space<semaphore_mem>>) {add = true}
        %dma_wait3A_83 = arith.constant 0 : i32
        %dma_wait3A_84 = tpu.memref_slice %arg7[%add3A_76, %dma_wait3A_83] : memref<40x128xi32, #tpu.memory_space<vmem>> -> memref<1x128xi32, #tpu.memory_space<vmem>>
        %dma_wait3A_85 = tpu.memref_squeeze %dma_wait3A_84 : memref<1x128xi32, #tpu.memory_space<vmem>> -> memref<128xi32, #tpu.memory_space<vmem>>
        %dma_wait3A_86 = arith.constant 0 : i32
        %dma_wait3A_87 = arith.constant 0 : i32
        %dma_wait3A_88 = tpu.memref_slice %arg10[%dma_wait3A_86, %dma_wait3A_87] : memref<10240x128xf32, #tpu.memory_space<vmem_shared>> -> memref<10240x128xf32, #tpu.memory_space<vmem_shared>>
        tpu.wait_indirect_dma semaphore(%run_scoped3A : memref<!tpu.dma_semaphore, #tpu.memory_space<semaphore_mem>>) src(%arg9 : memref<128x128xf32, #tpu.memory_space<vmem>>) dst(%dma_wait3A_88 : memref<10240x128xf32, #tpu.memory_space<vmem_shared>>)
        tpu.yield
      }) : () -> ()
    }
    %scan3A_21 = arith.constant 20 : i32
    %mul3A_22 = arith.constant 80 : i32
    %mul3A_23 = arith.muli %arg1, %mul3A_22 : i32
    %add3A_24 = arith.constant 40 : i32
    %add3A_25 = arith.addi %mul3A_23, %add3A_24 : i32
    "tpu.region"() ({
      %run_scoped3A = tpu.sem_alloc : memref<!tpu.dma_semaphore, #tpu.memory_space<semaphore_mem>>
      %dma_start3A_45 = arith.constant 0 : i32
      %dma_start3A_46 = tpu.memref_slice %arg3[%add3A_25, %dma_start3A_45] : memref<1280x128xi32, #tpu.memory_space<hbm>> -> memref<40x128xi32, #tpu.memory_space<hbm>>
      %dma_start3A_47 = arith.constant 0 : i32
      %dma_start3A_48 = tpu.memref_slice %arg3[%add3A_25, %dma_start3A_47] : memref<1280x128xi32, #tpu.memory_space<hbm>> -> memref<40x128xi32, #tpu.memory_space<hbm>>
      tpu.enqueue_dma source(%dma_start3A_48 : memref<40x128xi32, #tpu.memory_space<hbm>>) target(%arg6 : memref<40x128xi32, #tpu.memory_space<vmem>>) target_semaphore(%run_scoped3A : memref<!tpu.dma_semaphore, #tpu.memory_space<semaphore_mem>>)
      %dma_wait3A = arith.constant 0 : i32
      %dma_wait3A_49 = tpu.memref_slice %arg3[%add3A_25, %dma_wait3A] : memref<1280x128xi32, #tpu.memory_space<hbm>> -> memref<40x128xi32, #tpu.memory_space<hbm>>
      %dma_wait3A_50 = arith.constant 0 : i32
      %dma_wait3A_51 = tpu.memref_slice %arg3[%add3A_25, %dma_wait3A_50] : memref<1280x128xi32, #tpu.memory_space<hbm>> -> memref<40x128xi32, #tpu.memory_space<hbm>>
      tpu.wait_dma2 semaphore(%run_scoped3A : memref<!tpu.dma_semaphore, #tpu.memory_space<semaphore_mem>>) src(%dma_wait3A_51 : memref<40x128xi32, #tpu.memory_space<hbm>>) dst(%arg6 : memref<40x128xi32, #tpu.memory_space<vmem>>)
      tpu.yield
    }) : () -> ()
    "tpu.region"() ({
      %run_scoped3A = tpu.sem_alloc : memref<!tpu.dma_semaphore, #tpu.memory_space<semaphore_mem>>
      %dma_start3A_45 = arith.constant 0 : i32
      %dma_start3A_46 = tpu.memref_slice %arg4[%add3A_25, %dma_start3A_45] : memref<1280x128xi32, #tpu.memory_space<hbm>> -> memref<40x128xi32, #tpu.memory_space<hbm>>
      %dma_start3A_47 = arith.constant 0 : i32
      %dma_start3A_48 = tpu.memref_slice %arg4[%add3A_25, %dma_start3A_47] : memref<1280x128xi32, #tpu.memory_space<hbm>> -> memref<40x128xi32, #tpu.memory_space<hbm>>
      tpu.enqueue_dma source(%dma_start3A_48 : memref<40x128xi32, #tpu.memory_space<hbm>>) target(%arg7 : memref<40x128xi32, #tpu.memory_space<vmem>>) target_semaphore(%run_scoped3A : memref<!tpu.dma_semaphore, #tpu.memory_space<semaphore_mem>>)
      %dma_wait3A = arith.constant 0 : i32
      %dma_wait3A_49 = tpu.memref_slice %arg4[%add3A_25, %dma_wait3A] : memref<1280x128xi32, #tpu.memory_space<hbm>> -> memref<40x128xi32, #tpu.memory_space<hbm>>
      %dma_wait3A_50 = arith.constant 0 : i32
      %dma_wait3A_51 = tpu.memref_slice %arg4[%add3A_25, %dma_wait3A_50] : memref<1280x128xi32, #tpu.memory_space<hbm>> -> memref<40x128xi32, #tpu.memory_space<hbm>>
      tpu.wait_dma2 semaphore(%run_scoped3A : memref<!tpu.dma_semaphore, #tpu.memory_space<semaphore_mem>>) src(%dma_wait3A_51 : memref<40x128xi32, #tpu.memory_space<hbm>>) dst(%arg7 : memref<40x128xi32, #tpu.memory_space<vmem>>)
      tpu.yield
    }) : () -> ()
    %scan3A_26 = arith.constant 0 : i32
    %scan3A_27 = arith.constant 40 : i32
    %scan3A_28 = arith.addi %scan3A_26, %scan3A_27 : i32
    %scan3A_29 = arith.constant 1 : i32
    scf.for %scan3A_45 = %scan3A_26 to %scan3A_28 step %scan3A_29  : i32 {
      %mul3A_46 = arith.constant 1 : i32
      %mul3A_47 = arith.muli %scan3A_45, %mul3A_46 : i32
      %add3A_48 = arith.constant 0 : i32
      %add3A_49 = arith.addi %add3A_48, %mul3A_47 : i32
      %scan3A_50 = arith.constant 0 : i32
      %scan3A_51 = arith.constant 8 : i32
      %scan3A_52 = arith.addi %scan3A_50, %scan3A_51 : i32
      %scan3A_53 = arith.constant 1 : i32
      scf.for %scan3A_55 = %scan3A_50 to %scan3A_52 step %scan3A_53  : i32 {
        %mul3A_56 = arith.constant 16 : i32
        %mul3A_57 = arith.muli %scan3A_55, %mul3A_56 : i32
        %add3A_58 = arith.constant 0 : i32
        %add3A_59 = arith.addi %add3A_58, %mul3A_57 : i32
        %get3A = arith.index_cast %add3A_49 : i32 to index
        %get3A_60 = arith.index_cast %add3A_59 : i32 to index
        %get3A_61 = tpu.vector_load %arg6[%get3A, %get3A_60] {strides = array<i32>} : memref<40x128xi32, #tpu.memory_space<vmem>>, vector<1x16xi32>,
        %get3A_62 = vector.shape_cast %get3A_61 : vector<1x16xi32> to vector<16xi32>
        %add3A_63 = vector.broadcast %mul3A_2 : i32 to vector<16xi32>
        %add3A_64 = arith.addi %get3A_62, %add3A_63 : vector<16xi32>
        %swap3A = arith.index_cast %add3A_49 : i32 to index
        %swap3A_65 = arith.index_cast %add3A_59 : i32 to index
        %swap3A_66 = tpu.vector_load %arg6[%swap3A, %swap3A_65] {strides = array<i32>} : memref<40x128xi32, #tpu.memory_space<vmem>>, vector<1x16xi32>,
        %swap3A_67 = vector.shape_cast %swap3A_66 : vector<1x16xi32> to vector<16xi32>
        %swap3A_68 = vector.shape_cast %add3A_64 : vector<16xi32> to vector<1x16xi32>
        tpu.vector_store %arg6[%swap3A, %swap3A_65], %swap3A_68 {strides = array<i32>} : memref<40x128xi32, #tpu.memory_space<vmem>>, vector<1x16xi32>,
      }
      %scan3A_54 = arith.constant 8 : i32
    }
    %scan3A_30 = arith.constant 40 : i32
    %dma_start3A_31 = arith.constant 0 : i32
    %dma_start3A_32 = arith.constant 0 : i32
    %dma_start3A_33 = tpu.memref_slice %arg6[%dma_start3A_31, %dma_start3A_32] : memref<40x128xi32, #tpu.memory_space<vmem>> -> memref<1x128xi32, #tpu.memory_space<vmem>>
    %dma_start3A_34 = tpu.memref_squeeze %dma_start3A_33 : memref<1x128xi32, #tpu.memory_space<vmem>> -> memref<128xi32, #tpu.memory_space<vmem>>
    %dma_start3A_35 = arith.constant 0 : i32
    %dma_start3A_36 = arith.constant 0 : i32
    %dma_start3A_37 = tpu.memref_slice %arg2[%dma_start3A_35, %dma_start3A_36] : memref<20480x128xf32, #tpu.memory_space<hbm>> -> memref<20480x128xf32, #tpu.memory_space<hbm>>
    tpu.enqueue_indirect_dma source(%dma_start3A_37 : memref<20480x128xf32, #tpu.memory_space<hbm>>) target(%arg8 : memref<128x128xf32, #tpu.memory_space<vmem>>) offsets(%dma_start3A_34 : memref<128xi32, #tpu.memory_space<vmem>>) semaphore(%arg11 : memref<!tpu.dma_semaphore, #tpu.memory_space<semaphore_mem>>)
    %scan3A_38 = arith.constant 0 : i32
    %scan3A_39 = arith.constant 20 : i32
    %scan3A_40 = arith.addi %scan3A_38, %scan3A_39 : i32
    %scan3A_41 = arith.constant 1 : i32
    scf.for %scan3A_45 = %scan3A_38 to %scan3A_40 step %scan3A_41  : i32 {
      %mul3A_46 = arith.constant 2 : i32
      %mul3A_47 = arith.muli %scan3A_45, %mul3A_46 : i32
      %add3A_48 = arith.constant 0 : i32
      %add3A_49 = arith.addi %add3A_48, %mul3A_47 : i32
      %add3A_50 = arith.constant 1 : i32
      %add3A_51 = arith.addi %add3A_49, %add3A_50 : i32
      %dma_start3A_52 = arith.constant 0 : i32
      %dma_start3A_53 = tpu.memref_slice %arg6[%add3A_51, %dma_start3A_52] : memref<40x128xi32, #tpu.memory_space<vmem>> -> memref<1x128xi32, #tpu.memory_space<vmem>>
      %dma_start3A_54 = tpu.memref_squeeze %dma_start3A_53 : memref<1x128xi32, #tpu.memory_space<vmem>> -> memref<128xi32, #tpu.memory_space<vmem>>
      %dma_start3A_55 = arith.constant 0 : i32
      %dma_start3A_56 = arith.constant 0 : i32
      %dma_start3A_57 = tpu.memref_slice %arg2[%dma_start3A_55, %dma_start3A_56] : memref<20480x128xf32, #tpu.memory_space<hbm>> -> memref<20480x128xf32, #tpu.memory_space<hbm>>
      tpu.enqueue_indirect_dma source(%dma_start3A_57 : memref<20480x128xf32, #tpu.memory_space<hbm>>) target(%arg9 : memref<128x128xf32, #tpu.memory_space<vmem>>) offsets(%dma_start3A_54 : memref<128xi32, #tpu.memory_space<vmem>>) semaphore(%arg12 : memref<!tpu.dma_semaphore, #tpu.memory_space<semaphore_mem>>)
      %dma_wait3A = arith.constant 0 : i32
      %dma_wait3A_58 = tpu.memref_slice %arg6[%add3A_49, %dma_wait3A] : memref<40x128xi32, #tpu.memory_space<vmem>> -> memref<1x128xi32, #tpu.memory_space<vmem>>
      %dma_wait3A_59 = tpu.memref_squeeze %dma_wait3A_58 : memref<1x128xi32, #tpu.memory_space<vmem>> -> memref<128xi32, #tpu.memory_space<vmem>>
      %dma_wait3A_60 = arith.constant 0 : i32
      %dma_wait3A_61 = arith.constant 0 : i32
      %dma_wait3A_62 = tpu.memref_slice %arg2[%dma_wait3A_60, %dma_wait3A_61] : memref<20480x128xf32, #tpu.memory_space<hbm>> -> memref<20480x128xf32, #tpu.memory_space<hbm>>
      tpu.wait_indirect_dma semaphore(%arg11 : memref<!tpu.dma_semaphore, #tpu.memory_space<semaphore_mem>>) src(%dma_wait3A_62 : memref<20480x128xf32, #tpu.memory_space<hbm>>) dst(%arg8 : memref<128x128xf32, #tpu.memory_space<vmem>>)
      "tpu.region"() ({
        %run_scoped3A = tpu.sem_alloc : memref<!tpu.dma_semaphore, #tpu.memory_space<semaphore_mem>>
        %dma_start3A_77 = arith.constant 0 : i32
        %dma_start3A_78 = tpu.memref_slice %arg7[%add3A_49, %dma_start3A_77] : memref<40x128xi32, #tpu.memory_space<vmem>> -> memref<1x128xi32, #tpu.memory_space<vmem>>
        %dma_start3A_79 = tpu.memref_squeeze %dma_start3A_78 : memref<1x128xi32, #tpu.memory_space<vmem>> -> memref<128xi32, #tpu.memory_space<vmem>>
        %dma_start3A_80 = arith.constant 0 : i32
        %dma_start3A_81 = arith.constant 0 : i32
        %dma_start3A_82 = tpu.memref_slice %arg10[%dma_start3A_80, %dma_start3A_81] : memref<10240x128xf32, #tpu.memory_space<vmem_shared>> -> memref<10240x128xf32, #tpu.memory_space<vmem_shared>>
        tpu.enqueue_indirect_dma source(%arg8 : memref<128x128xf32, #tpu.memory_space<vmem>>) target(%dma_start3A_82 : memref<10240x128xf32, #tpu.memory_space<vmem_shared>>) offsets(%dma_start3A_79 : memref<128xi32, #tpu.memory_space<vmem>>) semaphore(%run_scoped3A : memref<!tpu.dma_semaphore, #tpu.memory_space<semaphore_mem>>) {add = true}
        %dma_wait3A_83 = arith.constant 0 : i32
        %dma_wait3A_84 = tpu.memref_slice %arg7[%add3A_49, %dma_wait3A_83] : memref<40x128xi32, #tpu.memory_space<vmem>> -> memref<1x128xi32, #tpu.memory_space<vmem>>
        %dma_wait3A_85 = tpu.memref_squeeze %dma_wait3A_84 : memref<1x128xi32, #tpu.memory_space<vmem>> -> memref<128xi32, #tpu.memory_space<vmem>>
        %dma_wait3A_86 = arith.constant 0 : i32
        %dma_wait3A_87 = arith.constant 0 : i32
        %dma_wait3A_88 = tpu.memref_slice %arg10[%dma_wait3A_86, %dma_wait3A_87] : memref<10240x128xf32, #tpu.memory_space<vmem_shared>> -> memref<10240x128xf32, #tpu.memory_space<vmem_shared>>
        tpu.wait_indirect_dma semaphore(%run_scoped3A : memref<!tpu.dma_semaphore, #tpu.memory_space<semaphore_mem>>) src(%arg8 : memref<128x128xf32, #tpu.memory_space<vmem>>) dst(%dma_wait3A_88 : memref<10240x128xf32, #tpu.memory_space<vmem_shared>>)
        tpu.yield
      }) : () -> ()
      %add3A_63 = arith.constant 2 : i32
      %add3A_64 = arith.addi %add3A_49, %add3A_63 : i32
      %lt3A = arith.constant 40 : i32
      %lt3A_65 = arith.cmpi slt, %add3A_64, %lt3A : i32
      %convert_element_type3A = arith.extui %lt3A_65 : i1 to i32
      %cond3A = arith.constant 0 : i32
      %cond3A_66 = arith.cmpi ne, %convert_element_type3A, %cond3A : i32
      scf.if %cond3A_66 {
        %add3A_77 = arith.constant 2 : i32
        %add3A_78 = arith.addi %add3A_49, %add3A_77 : i32
        %dma_start3A_79 = arith.constant 0 : i32
        %dma_start3A_80 = tpu.memref_slice %arg6[%add3A_78, %dma_start3A_79] : memref<40x128xi32, #tpu.memory_space<vmem>> -> memref<1x128xi32, #tpu.memory_space<vmem>>
        %dma_start3A_81 = tpu.memref_squeeze %dma_start3A_80 : memref<1x128xi32, #tpu.memory_space<vmem>> -> memref<128xi32, #tpu.memory_space<vmem>>
        %dma_start3A_82 = arith.constant 0 : i32
        %dma_start3A_83 = arith.constant 0 : i32
        %dma_start3A_84 = tpu.memref_slice %arg2[%dma_start3A_82, %dma_start3A_83] : memref<20480x128xf32, #tpu.memory_space<hbm>> -> memref<20480x128xf32, #tpu.memory_space<hbm>>
        tpu.enqueue_indirect_dma source(%dma_start3A_84 : memref<20480x128xf32, #tpu.memory_space<hbm>>) target(%arg8 : memref<128x128xf32, #tpu.memory_space<vmem>>) offsets(%dma_start3A_81 : memref<128xi32, #tpu.memory_space<vmem>>) semaphore(%arg11 : memref<!tpu.dma_semaphore, #tpu.memory_space<semaphore_mem>>)
      } else {
      }
      %add3A_67 = arith.constant 1 : i32
      %add3A_68 = arith.addi %add3A_49, %add3A_67 : i32
      %dma_wait3A_69 = arith.constant 0 : i32
      %dma_wait3A_70 = tpu.memref_slice %arg6[%add3A_68, %dma_wait3A_69] : memref<40x128xi32, #tpu.memory_space<vmem>> -> memref<1x128xi32, #tpu.memory_space<vmem>>
      %dma_wait3A_71 = tpu.memref_squeeze %dma_wait3A_70 : memref<1x128xi32, #tpu.memory_space<vmem>> -> memref<128xi32, #tpu.memory_space<vmem>>
      %dma_wait3A_72 = arith.constant 0 : i32
      %dma_wait3A_73 = arith.constant 0 : i32
      %dma_wait3A_74 = tpu.memref_slice %arg2[%dma_wait3A_72, %dma_wait3A_73] : memref<20480x128xf32, #tpu.memory_space<hbm>> -> memref<20480x128xf32, #tpu.memory_space<hbm>>
      tpu.wait_indirect_dma semaphore(%arg12 : memref<!tpu.dma_semaphore, #tpu.memory_space<semaphore_mem>>) src(%dma_wait3A_74 : memref<20480x128xf32, #tpu.memory_space<hbm>>) dst(%arg9 : memref<128x128xf32, #tpu.memory_space<vmem>>)
      %add3A_75 = arith.constant 1 : i32
      %add3A_76 = arith.addi %add3A_49, %add3A_75 : i32
      "tpu.region"() ({
        %run_scoped3A = tpu.sem_alloc : memref<!tpu.dma_semaphore, #tpu.memory_space<semaphore_mem>>
        %dma_start3A_77 = arith.constant 0 : i32
        %dma_start3A_78 = tpu.memref_slice %arg7[%add3A_76, %dma_start3A_77] : memref<40x128xi32, #tpu.memory_space<vmem>> -> memref<1x128xi32, #tpu.memory_space<vmem>>
        %dma_start3A_79 = tpu.memref_squeeze %dma_start3A_78 : memref<1x128xi32, #tpu.memory_space<vmem>> -> memref<128xi32, #tpu.memory_space<vmem>>
        %dma_start3A_80 = arith.constant 0 : i32
        %dma_start3A_81 = arith.constant 0 : i32
        %dma_start3A_82 = tpu.memref_slice %arg10[%dma_start3A_80, %dma_start3A_81] : memref<10240x128xf32, #tpu.memory_space<vmem_shared>> -> memref<10240x128xf32, #tpu.memory_space<vmem_shared>>
        tpu.enqueue_indirect_dma source(%arg9 : memref<128x128xf32, #tpu.memory_space<vmem>>) target(%dma_start3A_82 : memref<10240x128xf32, #tpu.memory_space<vmem_shared>>) offsets(%dma_start3A_79 : memref<128xi32, #tpu.memory_space<vmem>>) semaphore(%run_scoped3A : memref<!tpu.dma_semaphore, #tpu.memory_space<semaphore_mem>>) {add = true}
        %dma_wait3A_83 = arith.constant 0 : i32
        %dma_wait3A_84 = tpu.memref_slice %arg7[%add3A_76, %dma_wait3A_83] : memref<40x128xi32, #tpu.memory_space<vmem>> -> memref<1x128xi32, #tpu.memory_space<vmem>>
        %dma_wait3A_85 = tpu.memref_squeeze %dma_wait3A_84 : memref<1x128xi32, #tpu.memory_space<vmem>> -> memref<128xi32, #tpu.memory_space<vmem>>
        %dma_wait3A_86 = arith.constant 0 : i32
        %dma_wait3A_87 = arith.constant 0 : i32
        %dma_wait3A_88 = tpu.memref_slice %arg10[%dma_wait3A_86, %dma_wait3A_87] : memref<10240x128xf32, #tpu.memory_space<vmem_shared>> -> memref<10240x128xf32, #tpu.memory_space<vmem_shared>>
        tpu.wait_indirect_dma semaphore(%run_scoped3A : memref<!tpu.dma_semaphore, #tpu.memory_space<semaphore_mem>>) src(%arg9 : memref<128x128xf32, #tpu.memory_space<vmem>>) dst(%dma_wait3A_88 : memref<10240x128xf32, #tpu.memory_space<vmem_shared>>)
        tpu.yield
      }) : () -> ()
    }
    %scan3A_42 = arith.constant 20 : i32
    %barrier3A_43 = arith.constant 0 : index
    tpu.barrier barrier_id(%barrier3A_43)
    %add3A_44 = arith.addi %mul3A_2, %mul3A_0 : i32
    "tpu.region"() ({
      %run_scoped3A = tpu.sem_alloc : memref<!tpu.dma_semaphore, #tpu.memory_space<semaphore_mem>>
      %dma_start3A_45 = arith.constant 0 : i32
      %dma_start3A_46 = tpu.memref_slice %arg5[%add3A_44, %dma_start3A_45] : memref<20480x128xf32, #tpu.memory_space<hbm>> -> memref<640x128xf32, #tpu.memory_space<hbm>>
      %dma_start3A_47 = arith.constant 0 : i32
      %dma_start3A_48 = tpu.memref_slice %arg10[%mul3A_0, %dma_start3A_47] : memref<10240x128xf32, #tpu.memory_space<vmem_shared>> -> memref<640x128xf32, #tpu.memory_space<vmem_shared>>
      tpu.enqueue_dma source(%dma_start3A_48 : memref<640x128xf32, #tpu.memory_space<vmem_shared>>) target(%dma_start3A_46 : memref<640x128xf32, #tpu.memory_space<hbm>>) target_semaphore(%run_scoped3A : memref<!tpu.dma_semaphore, #tpu.memory_space<semaphore_mem>>)
      %dma_wait3A = arith.constant 0 : i32
      %dma_wait3A_49 = tpu.memref_slice %arg5[%add3A_44, %dma_wait3A] : memref<20480x128xf32, #tpu.memory_space<hbm>> -> memref<640x128xf32, #tpu.memory_space<hbm>>
      %dma_wait3A_50 = arith.constant 0 : i32
      %dma_wait3A_51 = tpu.memref_slice %arg10[%mul3A_0, %dma_wait3A_50] : memref<10240x128xf32, #tpu.memory_space<vmem_shared>> -> memref<640x128xf32, #tpu.memory_space<vmem_shared>>
      tpu.wait_dma2 semaphore(%run_scoped3A : memref<!tpu.dma_semaphore, #tpu.memory_space<semaphore_mem>>) src(%dma_wait3A_51 : memref<640x128xf32, #tpu.memory_space<vmem_shared>>) dst(%dma_wait3A_49 : memref<640x128xf32, #tpu.memory_space<hbm>>)
      tpu.yield
    }) : () -> ()
    return
  }
}

#map = affine_map<(d0, d1) -> (0, 0)>
module attributes {stable_mosaic.version = 14 : i64} {
  func.func @k(%arg0: i32, %arg1: i32, %arg2: memref<20480x128xf32, #tpu.memory_space<hbm>>, %arg3: memref<1280x128xi32, #tpu.memory_space<hbm>>, %arg4: memref<1280x128xi32, #tpu.memory_space<hbm>>, %arg5: memref<20480x128xf32, #tpu.memory_space<hbm>>, %arg6: memref<40x128xi32, #tpu.memory_space<vmem>>, %arg7: memref<40x128xi32, #tpu.memory_space<vmem>>, %arg8: memref<128x128xf32, #tpu.memory_space<vmem>>, %arg9: memref<128x128xf32, #tpu.memory_space<vmem>>, %arg10: memref<10240x128xf32, #tpu.memory_space<vmem_shared>>, %arg11: memref<!tpu.dma_semaphore, #tpu.memory_space<semaphore_mem>>, %arg12: memref<!tpu.dma_semaphore, #tpu.memory_space<semaphore_mem>>) attributes {dimension_semantics = [#tpu.dimension_semantics<core_parallel>, #tpu.dimension_semantics<subcore_parallel>], iteration_bounds = array<i64: 2, 16>, scalar_prefetch = 0 : i64, scratch_operands = 7 : i64, tpu.core_type = #tpu.core_type<sc_vector_subcore>, window_params = [{transform_indices = #map}, {transform_indices = #map}, {transform_indices = #map}, {transform_indices = #map}]} {
    %mul3A = arith.constant 640 : i32
    %mul3A_0 = arith.muli %arg1, %mul3A : i32
    %mul3A_1 = arith.constant 10240 : i32
    %mul3A_2 = arith.muli %arg0, %mul3A_1 : i32
    %add3A = arith.addi %mul3A_2, %mul3A_0 : i32
    "tpu.region"() ({
      %run_scoped3A = tpu.sem_alloc : memref<!tpu.dma_semaphore, #tpu.memory_space<semaphore_mem>>
      %dma_start3A_45 = arith.constant 0 : i32
      %dma_start3A_46 = tpu.memref_slice %arg10[%mul3A_0, %dma_start3A_45] : memref<10240x128xf32, #tpu.memory_space<vmem_shared>> -> memref<640x128xf32, #tpu.memory_space<vmem_shared>>
      %dma_start3A_47 = arith.constant 0 : i32
      %dma_start3A_48 = tpu.memref_slice %arg2[%add3A, %dma_start3A_47] : memref<20480x128xf32, #tpu.memory_space<hbm>> -> memref<640x128xf32, #tpu.memory_space<hbm>>
      tpu.enqueue_dma source(%dma_start3A_48 : memref<640x128xf32, #tpu.memory_space<hbm>>) target(%dma_start3A_46 : memref<640x128xf32, #tpu.memory_space<vmem_shared>>) target_semaphore(%run_scoped3A : memref<!tpu.dma_semaphore, #tpu.memory_space<semaphore_mem>>)
      %dma_wait3A = arith.constant 0 : i32
      %dma_wait3A_49 = tpu.memref_slice %arg10[%mul3A_0, %dma_wait3A] : memref<10240x128xf32, #tpu.memory_space<vmem_shared>> -> memref<640x128xf32, #tpu.memory_space<vmem_shared>>
      %dma_wait3A_50 = arith.constant 0 : i32
      %dma_wait3A_51 = tpu.memref_slice %arg2[%add3A, %dma_wait3A_50] : memref<20480x128xf32, #tpu.memory_space<hbm>> -> memref<640x128xf32, #tpu.memory_space<hbm>>
      tpu.wait_dma2 semaphore(%run_scoped3A : memref<!tpu.dma_semaphore, #tpu.memory_space<semaphore_mem>>) src(%dma_wait3A_51 : memref<640x128xf32, #tpu.memory_space<hbm>>) dst(%dma_wait3A_49 : memref<640x128xf32, #tpu.memory_space<vmem_shared>>)
      tpu.yield
    }) : () -> ()
    %barrier3A = arith.constant 0 : index
    tpu.barrier barrier_id(%barrier3A)
    %mul3A_3 = arith.constant 80 : i32
    %mul3A_4 = arith.muli %arg1, %mul3A_3 : i32
    %add3A_5 = arith.constant 0 : i32
    %add3A_6 = arith.addi %mul3A_4, %add3A_5 : i32
    "tpu.region"() ({
      %run_scoped3A = tpu.sem_alloc : memref<!tpu.dma_semaphore, #tpu.memory_space<semaphore_mem>>
      %dma_start3A_45 = arith.constant 0 : i32
      %dma_start3A_46 = tpu.memref_slice %arg3[%add3A_6, %dma_start3A_45] : memref<1280x128xi32, #tpu.memory_space<hbm>> -> memref<40x128xi32, #tpu.memory_space<hbm>>
      %dma_start3A_47 = arith.constant 0 : i32
      %dma_start3A_48 = tpu.memref_slice %arg3[%add3A_6, %dma_start3A_47] : memref<1280x128xi32, #tpu.memory_space<hbm>> -> memref<40x128xi32, #tpu.memory_space<hbm>>
      tpu.enqueue_dma source(%dma_start3A_48 : memref<40x128xi32, #tpu.memory_space<hbm>>) target(%arg6 : memref<40x128xi32, #tpu.memory_space<vmem>>) target_semaphore(%run_scoped3A : memref<!tpu.dma_semaphore, #tpu.memory_space<semaphore_mem>>)
      %dma_wait3A = arith.constant 0 : i32
      %dma_wait3A_49 = tpu.memref_slice %arg3[%add3A_6, %dma_wait3A] : memref<1280x128xi32, #tpu.memory_space<hbm>> -> memref<40x128xi32, #tpu.memory_space<hbm>>
      %dma_wait3A_50 = arith.constant 0 : i32
      %dma_wait3A_51 = tpu.memref_slice %arg3[%add3A_6, %dma_wait3A_50] : memref<1280x128xi32, #tpu.memory_space<hbm>> -> memref<40x128xi32, #tpu.memory_space<hbm>>
      tpu.wait_dma2 semaphore(%run_scoped3A : memref<!tpu.dma_semaphore, #tpu.memory_space<semaphore_mem>>) src(%dma_wait3A_51 : memref<40x128xi32, #tpu.memory_space<hbm>>) dst(%arg6 : memref<40x128xi32, #tpu.memory_space<vmem>>)
      tpu.yield
    }) : () -> ()
    "tpu.region"() ({
      %run_scoped3A = tpu.sem_alloc : memref<!tpu.dma_semaphore, #tpu.memory_space<semaphore_mem>>
      %dma_start3A_45 = arith.constant 0 : i32
      %dma_start3A_46 = tpu.memref_slice %arg4[%add3A_6, %dma_start3A_45] : memref<1280x128xi32, #tpu.memory_space<hbm>> -> memref<40x128xi32, #tpu.memory_space<hbm>>
      %dma_start3A_47 = arith.constant 0 : i32
      %dma_start3A_48 = tpu.memref_slice %arg4[%add3A_6, %dma_start3A_47] : memref<1280x128xi32, #tpu.memory_space<hbm>> -> memref<40x128xi32, #tpu.memory_space<hbm>>
      tpu.enqueue_dma source(%dma_start3A_48 : memref<40x128xi32, #tpu.memory_space<hbm>>) target(%arg7 : memref<40x128xi32, #tpu.memory_space<vmem>>) target_semaphore(%run_scoped3A : memref<!tpu.dma_semaphore, #tpu.memory_space<semaphore_mem>>)
      %dma_wait3A = arith.constant 0 : i32
      %dma_wait3A_49 = tpu.memref_slice %arg4[%add3A_6, %dma_wait3A] : memref<1280x128xi32, #tpu.memory_space<hbm>> -> memref<40x128xi32, #tpu.memory_space<hbm>>
      %dma_wait3A_50 = arith.constant 0 : i32
      %dma_wait3A_51 = tpu.memref_slice %arg4[%add3A_6, %dma_wait3A_50] : memref<1280x128xi32, #tpu.memory_space<hbm>> -> memref<40x128xi32, #tpu.memory_space<hbm>>
      tpu.wait_dma2 semaphore(%run_scoped3A : memref<!tpu.dma_semaphore, #tpu.memory_space<semaphore_mem>>) src(%dma_wait3A_51 : memref<40x128xi32, #tpu.memory_space<hbm>>) dst(%arg7 : memref<40x128xi32, #tpu.memory_space<vmem>>)
      tpu.yield
    }) : () -> ()
    %scan3A = arith.constant 0 : i32
    %scan3A_7 = arith.constant 40 : i32
    %scan3A_8 = arith.addi %scan3A, %scan3A_7 : i32
    %scan3A_9 = arith.constant 1 : i32
    scf.for %scan3A_45 = %scan3A to %scan3A_8 step %scan3A_9  : i32 {
      %mul3A_46 = arith.constant 1 : i32
      %mul3A_47 = arith.muli %scan3A_45, %mul3A_46 : i32
      %add3A_48 = arith.constant 0 : i32
      %add3A_49 = arith.addi %add3A_48, %mul3A_47 : i32
      %scan3A_50 = arith.constant 0 : i32
      %scan3A_51 = arith.constant 8 : i32
      %scan3A_52 = arith.addi %scan3A_50, %scan3A_51 : i32
      %scan3A_53 = arith.constant 1 : i32
      scf.for %scan3A_55 = %scan3A_50 to %scan3A_52 step %scan3A_53  : i32 {
        %mul3A_56 = arith.constant 16 : i32
        %mul3A_57 = arith.muli %scan3A_55, %mul3A_56 : i32
        %add3A_58 = arith.constant 0 : i32
        %add3A_59 = arith.addi %add3A_58, %mul3A_57 : i32
        %get3A = arith.index_cast %add3A_49 : i32 to index
        %get3A_60 = arith.index_cast %add3A_59 : i32 to index
        %get3A_61 = tpu.vector_load %arg6[%get3A, %get3A_60] {strides = array<i32>} : memref<40x128xi32, #tpu.memory_space<vmem>>, vector<1x16xi32>,
        %get3A_62 = vector.shape_cast %get3A_61 : vector<1x16xi32> to vector<16xi32>
        %add3A_63 = vector.broadcast %mul3A_2 : i32 to vector<16xi32>
        %add3A_64 = arith.addi %get3A_62, %add3A_63 : vector<16xi32>
        %swap3A = arith.index_cast %add3A_49 : i32 to index
        %swap3A_65 = arith.index_cast %add3A_59 : i32 to index
        %swap3A_66 = tpu.vector_load %arg6[%swap3A, %swap3A_65] {strides = array<i32>} : memref<40x128xi32, #tpu.memory_space<vmem>>, vector<1x16xi32>,
        %swap3A_67 = vector.shape_cast %swap3A_66 : vector<1x16xi32> to vector<16xi32>
        %swap3A_68 = vector.shape_cast %add3A_64 : vector<16xi32> to vector<1x16xi32>
        tpu.vector_store %arg6[%swap3A, %swap3A_65], %swap3A_68 {strides = array<i32>} : memref<40x128xi32, #tpu.memory_space<vmem>>, vector<1x16xi32>,
      }
      %scan3A_54 = arith.constant 8 : i32
    }
    %scan3A_10 = arith.constant 40 : i32
    %dma_start3A = arith.constant 0 : i32
    %dma_start3A_11 = arith.constant 0 : i32
    %dma_start3A_12 = tpu.memref_slice %arg6[%dma_start3A, %dma_start3A_11] : memref<40x128xi32, #tpu.memory_space<vmem>> -> memref<1x128xi32, #tpu.memory_space<vmem>>
    %dma_start3A_13 = tpu.memref_squeeze %dma_start3A_12 : memref<1x128xi32, #tpu.memory_space<vmem>> -> memref<128xi32, #tpu.memory_space<vmem>>
    %dma_start3A_14 = arith.constant 0 : i32
    %dma_start3A_15 = arith.constant 0 : i32
    %dma_start3A_16 = tpu.memref_slice %arg2[%dma_start3A_14, %dma_start3A_15] : memref<20480x128xf32, #tpu.memory_space<hbm>> -> memref<20480x128xf32, #tpu.memory_space<hbm>>
    tpu.enqueue_indirect_dma source(%dma_start3A_16 : memref<20480x128xf32, #tpu.memory_space<hbm>>) target(%arg8 : memref<128x128xf32, #tpu.memory_space<vmem>>) offsets(%dma_start3A_13 : memref<128xi32, #tpu.memory_space<vmem>>) semaphore(%arg11 : memref<!tpu.dma_semaphore, #tpu.memory_space<semaphore_mem>>)
    %scan3A_17 = arith.constant 0 : i32
    %scan3A_18 = arith.constant 20 : i32
    %scan3A_19 = arith.addi %scan3A_17, %scan3A_18 : i32
    %scan3A_20 = arith.constant 1 : i32
    scf.for %scan3A_45 = %scan3A_17 to %scan3A_19 step %scan3A_20  : i32 {
      %mul3A_46 = arith.constant 2 : i32
      %mul3A_47 = arith.muli %scan3A_45, %mul3A_46 : i32
      %add3A_48 = arith.constant 0 : i32
      %add3A_49 = arith.addi %add3A_48, %mul3A_47 : i32
      %add3A_50 = arith.constant 1 : i32
      %add3A_51 = arith.addi %add3A_49, %add3A_50 : i32
      %dma_start3A_52 = arith.constant 0 : i32
      %dma_start3A_53 = tpu.memref_slice %arg6[%add3A_51, %dma_start3A_52] : memref<40x128xi32, #tpu.memory_space<vmem>> -> memref<1x128xi32, #tpu.memory_space<vmem>>
      %dma_start3A_54 = tpu.memref_squeeze %dma_start3A_53 : memref<1x128xi32, #tpu.memory_space<vmem>> -> memref<128xi32, #tpu.memory_space<vmem>>
      %dma_start3A_55 = arith.constant 0 : i32
      %dma_start3A_56 = arith.constant 0 : i32
      %dma_start3A_57 = tpu.memref_slice %arg2[%dma_start3A_55, %dma_start3A_56] : memref<20480x128xf32, #tpu.memory_space<hbm>> -> memref<20480x128xf32, #tpu.memory_space<hbm>>
      tpu.enqueue_indirect_dma source(%dma_start3A_57 : memref<20480x128xf32, #tpu.memory_space<hbm>>) target(%arg9 : memref<128x128xf32, #tpu.memory_space<vmem>>) offsets(%dma_start3A_54 : memref<128xi32, #tpu.memory_space<vmem>>) semaphore(%arg12 : memref<!tpu.dma_semaphore, #tpu.memory_space<semaphore_mem>>)
      %dma_wait3A = arith.constant 0 : i32
      %dma_wait3A_58 = tpu.memref_slice %arg6[%add3A_49, %dma_wait3A] : memref<40x128xi32, #tpu.memory_space<vmem>> -> memref<1x128xi32, #tpu.memory_space<vmem>>
      %dma_wait3A_59 = tpu.memref_squeeze %dma_wait3A_58 : memref<1x128xi32, #tpu.memory_space<vmem>> -> memref<128xi32, #tpu.memory_space<vmem>>
      %dma_wait3A_60 = arith.constant 0 : i32
      %dma_wait3A_61 = arith.constant 0 : i32
      %dma_wait3A_62 = tpu.memref_slice %arg2[%dma_wait3A_60, %dma_wait3A_61] : memref<20480x128xf32, #tpu.memory_space<hbm>> -> memref<20480x128xf32, #tpu.memory_space<hbm>>
      tpu.wait_indirect_dma semaphore(%arg11 : memref<!tpu.dma_semaphore, #tpu.memory_space<semaphore_mem>>) src(%dma_wait3A_62 : memref<20480x128xf32, #tpu.memory_space<hbm>>) dst(%arg8 : memref<128x128xf32, #tpu.memory_space<vmem>>)
      "tpu.region"() ({
        %run_scoped3A = tpu.sem_alloc : memref<!tpu.dma_semaphore, #tpu.memory_space<semaphore_mem>>
        %dma_start3A_77 = arith.constant 0 : i32
        %dma_start3A_78 = tpu.memref_slice %arg7[%add3A_49, %dma_start3A_77] : memref<40x128xi32, #tpu.memory_space<vmem>> -> memref<1x128xi32, #tpu.memory_space<vmem>>
        %dma_start3A_79 = tpu.memref_squeeze %dma_start3A_78 : memref<1x128xi32, #tpu.memory_space<vmem>> -> memref<128xi32, #tpu.memory_space<vmem>>
        %dma_start3A_80 = arith.constant 0 : i32
        %dma_start3A_81 = arith.constant 0 : i32
        %dma_start3A_82 = tpu.memref_slice %arg10[%dma_start3A_80, %dma_start3A_81] : memref<10240x128xf32, #tpu.memory_space<vmem_shared>> -> memref<10240x128xf32, #tpu.memory_space<vmem_shared>>
        tpu.enqueue_indirect_dma source(%arg8 : memref<128x128xf32, #tpu.memory_space<vmem>>) target(%dma_start3A_82 : memref<10240x128xf32, #tpu.memory_space<vmem_shared>>) offsets(%dma_start3A_79 : memref<128xi32, #tpu.memory_space<vmem>>) semaphore(%run_scoped3A : memref<!tpu.dma_semaphore, #tpu.memory_space<semaphore_mem>>) {add = true}
        %dma_wait3A_83 = arith.constant 0 : i32
        %dma_wait3A_84 = tpu.memref_slice %arg7[%add3A_49, %dma_wait3A_83] : memref<40x128xi32, #tpu.memory_space<vmem>> -> memref<1x128xi32, #tpu.memory_space<vmem>>
        %dma_wait3A_85 = tpu.memref_squeeze %dma_wait3A_84 : memref<1x128xi32, #tpu.memory_space<vmem>> -> memref<128xi32, #tpu.memory_space<vmem>>
        %dma_wait3A_86 = arith.constant 0 : i32
        %dma_wait3A_87 = arith.constant 0 : i32
        %dma_wait3A_88 = tpu.memref_slice %arg10[%dma_wait3A_86, %dma_wait3A_87] : memref<10240x128xf32, #tpu.memory_space<vmem_shared>> -> memref<10240x128xf32, #tpu.memory_space<vmem_shared>>
        tpu.wait_indirect_dma semaphore(%run_scoped3A : memref<!tpu.dma_semaphore, #tpu.memory_space<semaphore_mem>>) src(%arg8 : memref<128x128xf32, #tpu.memory_space<vmem>>) dst(%dma_wait3A_88 : memref<10240x128xf32, #tpu.memory_space<vmem_shared>>)
        tpu.yield
      }) : () -> ()
      %add3A_63 = arith.constant 2 : i32
      %add3A_64 = arith.addi %add3A_49, %add3A_63 : i32
      %lt3A = arith.constant 40 : i32
      %lt3A_65 = arith.cmpi slt, %add3A_64, %lt3A : i32
      %convert_element_type3A = arith.extui %lt3A_65 : i1 to i32
      %cond3A = arith.constant 0 : i32
      %cond3A_66 = arith.cmpi ne, %convert_element_type3A, %cond3A : i32
      scf.if %cond3A_66 {
        %add3A_77 = arith.constant 2 : i32
        %add3A_78 = arith.addi %add3A_49, %add3A_77 : i32
        %dma_start3A_79 = arith.constant 0 : i32
        %dma_start3A_80 = tpu.memref_slice %arg6[%add3A_78, %dma_start3A_79] : memref<40x128xi32, #tpu.memory_space<vmem>> -> memref<1x128xi32, #tpu.memory_space<vmem>>
        %dma_start3A_81 = tpu.memref_squeeze %dma_start3A_80 : memref<1x128xi32, #tpu.memory_space<vmem>> -> memref<128xi32, #tpu.memory_space<vmem>>
        %dma_start3A_82 = arith.constant 0 : i32
        %dma_start3A_83 = arith.constant 0 : i32
        %dma_start3A_84 = tpu.memref_slice %arg2[%dma_start3A_82, %dma_start3A_83] : memref<20480x128xf32, #tpu.memory_space<hbm>> -> memref<20480x128xf32, #tpu.memory_space<hbm>>
        tpu.enqueue_indirect_dma source(%dma_start3A_84 : memref<20480x128xf32, #tpu.memory_space<hbm>>) target(%arg8 : memref<128x128xf32, #tpu.memory_space<vmem>>) offsets(%dma_start3A_81 : memref<128xi32, #tpu.memory_space<vmem>>) semaphore(%arg11 : memref<!tpu.dma_semaphore, #tpu.memory_space<semaphore_mem>>)
      } else {
      }
      %add3A_67 = arith.constant 1 : i32
      %add3A_68 = arith.addi %add3A_49, %add3A_67 : i32
      %dma_wait3A_69 = arith.constant 0 : i32
      %dma_wait3A_70 = tpu.memref_slice %arg6[%add3A_68, %dma_wait3A_69] : memref<40x128xi32, #tpu.memory_space<vmem>> -> memref<1x128xi32, #tpu.memory_space<vmem>>
      %dma_wait3A_71 = tpu.memref_squeeze %dma_wait3A_70 : memref<1x128xi32, #tpu.memory_space<vmem>> -> memref<128xi32, #tpu.memory_space<vmem>>
      %dma_wait3A_72 = arith.constant 0 : i32
      %dma_wait3A_73 = arith.constant 0 : i32
      %dma_wait3A_74 = tpu.memref_slice %arg2[%dma_wait3A_72, %dma_wait3A_73] : memref<20480x128xf32, #tpu.memory_space<hbm>> -> memref<20480x128xf32, #tpu.memory_space<hbm>>
      tpu.wait_indirect_dma semaphore(%arg12 : memref<!tpu.dma_semaphore, #tpu.memory_space<semaphore_mem>>) src(%dma_wait3A_74 : memref<20480x128xf32, #tpu.memory_space<hbm>>) dst(%arg9 : memref<128x128xf32, #tpu.memory_space<vmem>>)
      %add3A_75 = arith.constant 1 : i32
      %add3A_76 = arith.addi %add3A_49, %add3A_75 : i32
      "tpu.region"() ({
        %run_scoped3A = tpu.sem_alloc : memref<!tpu.dma_semaphore, #tpu.memory_space<semaphore_mem>>
        %dma_start3A_77 = arith.constant 0 : i32
        %dma_start3A_78 = tpu.memref_slice %arg7[%add3A_76, %dma_start3A_77] : memref<40x128xi32, #tpu.memory_space<vmem>> -> memref<1x128xi32, #tpu.memory_space<vmem>>
        %dma_start3A_79 = tpu.memref_squeeze %dma_start3A_78 : memref<1x128xi32, #tpu.memory_space<vmem>> -> memref<128xi32, #tpu.memory_space<vmem>>
        %dma_start3A_80 = arith.constant 0 : i32
        %dma_start3A_81 = arith.constant 0 : i32
        %dma_start3A_82 = tpu.memref_slice %arg10[%dma_start3A_80, %dma_start3A_81] : memref<10240x128xf32, #tpu.memory_space<vmem_shared>> -> memref<10240x128xf32, #tpu.memory_space<vmem_shared>>
        tpu.enqueue_indirect_dma source(%arg9 : memref<128x128xf32, #tpu.memory_space<vmem>>) target(%dma_start3A_82 : memref<10240x128xf32, #tpu.memory_space<vmem_shared>>) offsets(%dma_start3A_79 : memref<128xi32, #tpu.memory_space<vmem>>) semaphore(%run_scoped3A : memref<!tpu.dma_semaphore, #tpu.memory_space<semaphore_mem>>) {add = true}
        %dma_wait3A_83 = arith.constant 0 : i32
        %dma_wait3A_84 = tpu.memref_slice %arg7[%add3A_76, %dma_wait3A_83] : memref<40x128xi32, #tpu.memory_space<vmem>> -> memref<1x128xi32, #tpu.memory_space<vmem>>
        %dma_wait3A_85 = tpu.memref_squeeze %dma_wait3A_84 : memref<1x128xi32, #tpu.memory_space<vmem>> -> memref<128xi32, #tpu.memory_space<vmem>>
        %dma_wait3A_86 = arith.constant 0 : i32
        %dma_wait3A_87 = arith.constant 0 : i32
        %dma_wait3A_88 = tpu.memref_slice %arg10[%dma_wait3A_86, %dma_wait3A_87] : memref<10240x128xf32, #tpu.memory_space<vmem_shared>> -> memref<10240x128xf32, #tpu.memory_space<vmem_shared>>
        tpu.wait_indirect_dma semaphore(%run_scoped3A : memref<!tpu.dma_semaphore, #tpu.memory_space<semaphore_mem>>) src(%arg9 : memref<128x128xf32, #tpu.memory_space<vmem>>) dst(%dma_wait3A_88 : memref<10240x128xf32, #tpu.memory_space<vmem_shared>>)
        tpu.yield
      }) : () -> ()
    }
    %scan3A_21 = arith.constant 20 : i32
    %mul3A_22 = arith.constant 80 : i32
    %mul3A_23 = arith.muli %arg1, %mul3A_22 : i32
    %add3A_24 = arith.constant 40 : i32
    %add3A_25 = arith.addi %mul3A_23, %add3A_24 : i32
    "tpu.region"() ({
      %run_scoped3A = tpu.sem_alloc : memref<!tpu.dma_semaphore, #tpu.memory_space<semaphore_mem>>
      %dma_start3A_45 = arith.constant 0 : i32
      %dma_start3A_46 = tpu.memref_slice %arg3[%add3A_25, %dma_start3A_45] : memref<1280x128xi32, #tpu.memory_space<hbm>> -> memref<40x128xi32, #tpu.memory_space<hbm>>
      %dma_start3A_47 = arith.constant 0 : i32
      %dma_start3A_48 = tpu.memref_slice %arg3[%add3A_25, %dma_start3A_47] : memref<1280x128xi32, #tpu.memory_space<hbm>> -> memref<40x128xi32, #tpu.memory_space<hbm>>
      tpu.enqueue_dma source(%dma_start3A_48 : memref<40x128xi32, #tpu.memory_space<hbm>>) target(%arg6 : memref<40x128xi32, #tpu.memory_space<vmem>>) target_semaphore(%run_scoped3A : memref<!tpu.dma_semaphore, #tpu.memory_space<semaphore_mem>>)
      %dma_wait3A = arith.constant 0 : i32
      %dma_wait3A_49 = tpu.memref_slice %arg3[%add3A_25, %dma_wait3A] : memref<1280x128xi32, #tpu.memory_space<hbm>> -> memref<40x128xi32, #tpu.memory_space<hbm>>
      %dma_wait3A_50 = arith.constant 0 : i32
      %dma_wait3A_51 = tpu.memref_slice %arg3[%add3A_25, %dma_wait3A_50] : memref<1280x128xi32, #tpu.memory_space<hbm>> -> memref<40x128xi32, #tpu.memory_space<hbm>>
      tpu.wait_dma2 semaphore(%run_scoped3A : memref<!tpu.dma_semaphore, #tpu.memory_space<semaphore_mem>>) src(%dma_wait3A_51 : memref<40x128xi32, #tpu.memory_space<hbm>>) dst(%arg6 : memref<40x128xi32, #tpu.memory_space<vmem>>)
      tpu.yield
    }) : () -> ()
    "tpu.region"() ({
      %run_scoped3A = tpu.sem_alloc : memref<!tpu.dma_semaphore, #tpu.memory_space<semaphore_mem>>
      %dma_start3A_45 = arith.constant 0 : i32
      %dma_start3A_46 = tpu.memref_slice %arg4[%add3A_25, %dma_start3A_45] : memref<1280x128xi32, #tpu.memory_space<hbm>> -> memref<40x128xi32, #tpu.memory_space<hbm>>
      %dma_start3A_47 = arith.constant 0 : i32
      %dma_start3A_48 = tpu.memref_slice %arg4[%add3A_25, %dma_start3A_47] : memref<1280x128xi32, #tpu.memory_space<hbm>> -> memref<40x128xi32, #tpu.memory_space<hbm>>
      tpu.enqueue_dma source(%dma_start3A_48 : memref<40x128xi32, #tpu.memory_space<hbm>>) target(%arg7 : memref<40x128xi32, #tpu.memory_space<vmem>>) target_semaphore(%run_scoped3A : memref<!tpu.dma_semaphore, #tpu.memory_space<semaphore_mem>>)
      %dma_wait3A = arith.constant 0 : i32
      %dma_wait3A_49 = tpu.memref_slice %arg4[%add3A_25, %dma_wait3A] : memref<1280x128xi32, #tpu.memory_space<hbm>> -> memref<40x128xi32, #tpu.memory_space<hbm>>
      %dma_wait3A_50 = arith.constant 0 : i32
      %dma_wait3A_51 = tpu.memref_slice %arg4[%add3A_25, %dma_wait3A_50] : memref<1280x128xi32, #tpu.memory_space<hbm>> -> memref<40x128xi32, #tpu.memory_space<hbm>>
      tpu.wait_dma2 semaphore(%run_scoped3A : memref<!tpu.dma_semaphore, #tpu.memory_space<semaphore_mem>>) src(%dma_wait3A_51 : memref<40x128xi32, #tpu.memory_space<hbm>>) dst(%arg7 : memref<40x128xi32, #tpu.memory_space<vmem>>)
      tpu.yield
    }) : () -> ()
    %scan3A_26 = arith.constant 0 : i32
    %scan3A_27 = arith.constant 40 : i32
    %scan3A_28 = arith.addi %scan3A_26, %scan3A_27 : i32
    %scan3A_29 = arith.constant 1 : i32
    scf.for %scan3A_45 = %scan3A_26 to %scan3A_28 step %scan3A_29  : i32 {
      %mul3A_46 = arith.constant 1 : i32
      %mul3A_47 = arith.muli %scan3A_45, %mul3A_46 : i32
      %add3A_48 = arith.constant 0 : i32
      %add3A_49 = arith.addi %add3A_48, %mul3A_47 : i32
      %scan3A_50 = arith.constant 0 : i32
      %scan3A_51 = arith.constant 8 : i32
      %scan3A_52 = arith.addi %scan3A_50, %scan3A_51 : i32
      %scan3A_53 = arith.constant 1 : i32
      scf.for %scan3A_55 = %scan3A_50 to %scan3A_52 step %scan3A_53  : i32 {
        %mul3A_56 = arith.constant 16 : i32
        %mul3A_57 = arith.muli %scan3A_55, %mul3A_56 : i32
        %add3A_58 = arith.constant 0 : i32
        %add3A_59 = arith.addi %add3A_58, %mul3A_57 : i32
        %get3A = arith.index_cast %add3A_49 : i32 to index
        %get3A_60 = arith.index_cast %add3A_59 : i32 to index
        %get3A_61 = tpu.vector_load %arg6[%get3A, %get3A_60] {strides = array<i32>} : memref<40x128xi32, #tpu.memory_space<vmem>>, vector<1x16xi32>,
        %get3A_62 = vector.shape_cast %get3A_61 : vector<1x16xi32> to vector<16xi32>
        %add3A_63 = vector.broadcast %mul3A_2 : i32 to vector<16xi32>
        %add3A_64 = arith.addi %get3A_62, %add3A_63 : vector<16xi32>
        %swap3A = arith.index_cast %add3A_49 : i32 to index
        %swap3A_65 = arith.index_cast %add3A_59 : i32 to index
        %swap3A_66 = tpu.vector_load %arg6[%swap3A, %swap3A_65] {strides = array<i32>} : memref<40x128xi32, #tpu.memory_space<vmem>>, vector<1x16xi32>,
        %swap3A_67 = vector.shape_cast %swap3A_66 : vector<1x16xi32> to vector<16xi32>
        %swap3A_68 = vector.shape_cast %add3A_64 : vector<16xi32> to vector<1x16xi32>
        tpu.vector_store %arg6[%swap3A, %swap3A_65], %swap3A_68 {strides = array<i32>} : memref<40x128xi32, #tpu.memory_space<vmem>>, vector<1x16xi32>,
      }
      %scan3A_54 = arith.constant 8 : i32
    }
    %scan3A_30 = arith.constant 40 : i32
    %dma_start3A_31 = arith.constant 0 : i32
    %dma_start3A_32 = arith.constant 0 : i32
    %dma_start3A_33 = tpu.memref_slice %arg6[%dma_start3A_31, %dma_start3A_32] : memref<40x128xi32, #tpu.memory_space<vmem>> -> memref<1x128xi32, #tpu.memory_space<vmem>>
    %dma_start3A_34 = tpu.memref_squeeze %dma_start3A_33 : memref<1x128xi32, #tpu.memory_space<vmem>> -> memref<128xi32, #tpu.memory_space<vmem>>
    %dma_start3A_35 = arith.constant 0 : i32
    %dma_start3A_36 = arith.constant 0 : i32
    %dma_start3A_37 = tpu.memref_slice %arg2[%dma_start3A_35, %dma_start3A_36] : memref<20480x128xf32, #tpu.memory_space<hbm>> -> memref<20480x128xf32, #tpu.memory_space<hbm>>
    tpu.enqueue_indirect_dma source(%dma_start3A_37 : memref<20480x128xf32, #tpu.memory_space<hbm>>) target(%arg8 : memref<128x128xf32, #tpu.memory_space<vmem>>) offsets(%dma_start3A_34 : memref<128xi32, #tpu.memory_space<vmem>>) semaphore(%arg11 : memref<!tpu.dma_semaphore, #tpu.memory_space<semaphore_mem>>)
    %scan3A_38 = arith.constant 0 : i32
    %scan3A_39 = arith.constant 20 : i32
    %scan3A_40 = arith.addi %scan3A_38, %scan3A_39 : i32
    %scan3A_41 = arith.constant 1 : i32
    scf.for %scan3A_45 = %scan3A_38 to %scan3A_40 step %scan3A_41  : i32 {
      %mul3A_46 = arith.constant 2 : i32
      %mul3A_47 = arith.muli %scan3A_45, %mul3A_46 : i32
      %add3A_48 = arith.constant 0 : i32
      %add3A_49 = arith.addi %add3A_48, %mul3A_47 : i32
      %add3A_50 = arith.constant 1 : i32
      %add3A_51 = arith.addi %add3A_49, %add3A_50 : i32
      %dma_start3A_52 = arith.constant 0 : i32
      %dma_start3A_53 = tpu.memref_slice %arg6[%add3A_51, %dma_start3A_52] : memref<40x128xi32, #tpu.memory_space<vmem>> -> memref<1x128xi32, #tpu.memory_space<vmem>>
      %dma_start3A_54 = tpu.memref_squeeze %dma_start3A_53 : memref<1x128xi32, #tpu.memory_space<vmem>> -> memref<128xi32, #tpu.memory_space<vmem>>
      %dma_start3A_55 = arith.constant 0 : i32
      %dma_start3A_56 = arith.constant 0 : i32
      %dma_start3A_57 = tpu.memref_slice %arg2[%dma_start3A_55, %dma_start3A_56] : memref<20480x128xf32, #tpu.memory_space<hbm>> -> memref<20480x128xf32, #tpu.memory_space<hbm>>
      tpu.enqueue_indirect_dma source(%dma_start3A_57 : memref<20480x128xf32, #tpu.memory_space<hbm>>) target(%arg9 : memref<128x128xf32, #tpu.memory_space<vmem>>) offsets(%dma_start3A_54 : memref<128xi32, #tpu.memory_space<vmem>>) semaphore(%arg12 : memref<!tpu.dma_semaphore, #tpu.memory_space<semaphore_mem>>)
      %dma_wait3A = arith.constant 0 : i32
      %dma_wait3A_58 = tpu.memref_slice %arg6[%add3A_49, %dma_wait3A] : memref<40x128xi32, #tpu.memory_space<vmem>> -> memref<1x128xi32, #tpu.memory_space<vmem>>
      %dma_wait3A_59 = tpu.memref_squeeze %dma_wait3A_58 : memref<1x128xi32, #tpu.memory_space<vmem>> -> memref<128xi32, #tpu.memory_space<vmem>>
      %dma_wait3A_60 = arith.constant 0 : i32
      %dma_wait3A_61 = arith.constant 0 : i32
      %dma_wait3A_62 = tpu.memref_slice %arg2[%dma_wait3A_60, %dma_wait3A_61] : memref<20480x128xf32, #tpu.memory_space<hbm>> -> memref<20480x128xf32, #tpu.memory_space<hbm>>
      tpu.wait_indirect_dma semaphore(%arg11 : memref<!tpu.dma_semaphore, #tpu.memory_space<semaphore_mem>>) src(%dma_wait3A_62 : memref<20480x128xf32, #tpu.memory_space<hbm>>) dst(%arg8 : memref<128x128xf32, #tpu.memory_space<vmem>>)
      "tpu.region"() ({
        %run_scoped3A = tpu.sem_alloc : memref<!tpu.dma_semaphore, #tpu.memory_space<semaphore_mem>>
        %dma_start3A_77 = arith.constant 0 : i32
        %dma_start3A_78 = tpu.memref_slice %arg7[%add3A_49, %dma_start3A_77] : memref<40x128xi32, #tpu.memory_space<vmem>> -> memref<1x128xi32, #tpu.memory_space<vmem>>
        %dma_start3A_79 = tpu.memref_squeeze %dma_start3A_78 : memref<1x128xi32, #tpu.memory_space<vmem>> -> memref<128xi32, #tpu.memory_space<vmem>>
        %dma_start3A_80 = arith.constant 0 : i32
        %dma_start3A_81 = arith.constant 0 : i32
        %dma_start3A_82 = tpu.memref_slice %arg10[%dma_start3A_80, %dma_start3A_81] : memref<10240x128xf32, #tpu.memory_space<vmem_shared>> -> memref<10240x128xf32, #tpu.memory_space<vmem_shared>>
        tpu.enqueue_indirect_dma source(%arg8 : memref<128x128xf32, #tpu.memory_space<vmem>>) target(%dma_start3A_82 : memref<10240x128xf32, #tpu.memory_space<vmem_shared>>) offsets(%dma_start3A_79 : memref<128xi32, #tpu.memory_space<vmem>>) semaphore(%run_scoped3A : memref<!tpu.dma_semaphore, #tpu.memory_space<semaphore_mem>>) {add = true}
        %dma_wait3A_83 = arith.constant 0 : i32
        %dma_wait3A_84 = tpu.memref_slice %arg7[%add3A_49, %dma_wait3A_83] : memref<40x128xi32, #tpu.memory_space<vmem>> -> memref<1x128xi32, #tpu.memory_space<vmem>>
        %dma_wait3A_85 = tpu.memref_squeeze %dma_wait3A_84 : memref<1x128xi32, #tpu.memory_space<vmem>> -> memref<128xi32, #tpu.memory_space<vmem>>
        %dma_wait3A_86 = arith.constant 0 : i32
        %dma_wait3A_87 = arith.constant 0 : i32
        %dma_wait3A_88 = tpu.memref_slice %arg10[%dma_wait3A_86, %dma_wait3A_87] : memref<10240x128xf32, #tpu.memory_space<vmem_shared>> -> memref<10240x128xf32, #tpu.memory_space<vmem_shared>>
        tpu.wait_indirect_dma semaphore(%run_scoped3A : memref<!tpu.dma_semaphore, #tpu.memory_space<semaphore_mem>>) src(%arg8 : memref<128x128xf32, #tpu.memory_space<vmem>>) dst(%dma_wait3A_88 : memref<10240x128xf32, #tpu.memory_space<vmem_shared>>)
        tpu.yield
      }) : () -> ()
      %add3A_63 = arith.constant 2 : i32
      %add3A_64 = arith.addi %add3A_49, %add3A_63 : i32
      %lt3A = arith.constant 40 : i32
      %lt3A_65 = arith.cmpi slt, %add3A_64, %lt3A : i32
      %convert_element_type3A = arith.extui %lt3A_65 : i1 to i32
      %cond3A = arith.constant 0 : i32
      %cond3A_66 = arith.cmpi ne, %convert_element_type3A, %cond3A : i32
      scf.if %cond3A_66 {
        %add3A_77 = arith.constant 2 : i32
        %add3A_78 = arith.addi %add3A_49, %add3A_77 : i32
        %dma_start3A_79 = arith.constant 0 : i32
        %dma_start3A_80 = tpu.memref_slice %arg6[%add3A_78, %dma_start3A_79] : memref<40x128xi32, #tpu.memory_space<vmem>> -> memref<1x128xi32, #tpu.memory_space<vmem>>
        %dma_start3A_81 = tpu.memref_squeeze %dma_start3A_80 : memref<1x128xi32, #tpu.memory_space<vmem>> -> memref<128xi32, #tpu.memory_space<vmem>>
        %dma_start3A_82 = arith.constant 0 : i32
        %dma_start3A_83 = arith.constant 0 : i32
        %dma_start3A_84 = tpu.memref_slice %arg2[%dma_start3A_82, %dma_start3A_83] : memref<20480x128xf32, #tpu.memory_space<hbm>> -> memref<20480x128xf32, #tpu.memory_space<hbm>>
        tpu.enqueue_indirect_dma source(%dma_start3A_84 : memref<20480x128xf32, #tpu.memory_space<hbm>>) target(%arg8 : memref<128x128xf32, #tpu.memory_space<vmem>>) offsets(%dma_start3A_81 : memref<128xi32, #tpu.memory_space<vmem>>) semaphore(%arg11 : memref<!tpu.dma_semaphore, #tpu.memory_space<semaphore_mem>>)
      } else {
      }
      %add3A_67 = arith.constant 1 : i32
      %add3A_68 = arith.addi %add3A_49, %add3A_67 : i32
      %dma_wait3A_69 = arith.constant 0 : i32
      %dma_wait3A_70 = tpu.memref_slice %arg6[%add3A_68, %dma_wait3A_69] : memref<40x128xi32, #tpu.memory_space<vmem>> -> memref<1x128xi32, #tpu.memory_space<vmem>>
      %dma_wait3A_71 = tpu.memref_squeeze %dma_wait3A_70 : memref<1x128xi32, #tpu.memory_space<vmem>> -> memref<128xi32, #tpu.memory_space<vmem>>
      %dma_wait3A_72 = arith.constant 0 : i32
      %dma_wait3A_73 = arith.constant 0 : i32
      %dma_wait3A_74 = tpu.memref_slice %arg2[%dma_wait3A_72, %dma_wait3A_73] : memref<20480x128xf32, #tpu.memory_space<hbm>> -> memref<20480x128xf32, #tpu.memory_space<hbm>>
      tpu.wait_indirect_dma semaphore(%arg12 : memref<!tpu.dma_semaphore, #tpu.memory_space<semaphore_mem>>) src(%dma_wait3A_74 : memref<20480x128xf32, #tpu.memory_space<hbm>>) dst(%arg9 : memref<128x128xf32, #tpu.memory_space<vmem>>)
      %add3A_75 = arith.constant 1 : i32
      %add3A_76 = arith.addi %add3A_49, %add3A_75 : i32
      "tpu.region"() ({
        %run_scoped3A = tpu.sem_alloc : memref<!tpu.dma_semaphore, #tpu.memory_space<semaphore_mem>>
        %dma_start3A_77 = arith.constant 0 : i32
        %dma_start3A_78 = tpu.memref_slice %arg7[%add3A_76, %dma_start3A_77] : memref<40x128xi32, #tpu.memory_space<vmem>> -> memref<1x128xi32, #tpu.memory_space<vmem>>
        %dma_start3A_79 = tpu.memref_squeeze %dma_start3A_78 : memref<1x128xi32, #tpu.memory_space<vmem>> -> memref<128xi32, #tpu.memory_space<vmem>>
        %dma_start3A_80 = arith.constant 0 : i32
        %dma_start3A_81 = arith.constant 0 : i32
        %dma_start3A_82 = tpu.memref_slice %arg10[%dma_start3A_80, %dma_start3A_81] : memref<10240x128xf32, #tpu.memory_space<vmem_shared>> -> memref<10240x128xf32, #tpu.memory_space<vmem_shared>>
        tpu.enqueue_indirect_dma source(%arg9 : memref<128x128xf32, #tpu.memory_space<vmem>>) target(%dma_start3A_82 : memref<10240x128xf32, #tpu.memory_space<vmem_shared>>) offsets(%dma_start3A_79 : memref<128xi32, #tpu.memory_space<vmem>>) semaphore(%run_scoped3A : memref<!tpu.dma_semaphore, #tpu.memory_space<semaphore_mem>>) {add = true}
        %dma_wait3A_83 = arith.constant 0 : i32
        %dma_wait3A_84 = tpu.memref_slice %arg7[%add3A_76, %dma_wait3A_83] : memref<40x128xi32, #tpu.memory_space<vmem>> -> memref<1x128xi32, #tpu.memory_space<vmem>>
        %dma_wait3A_85 = tpu.memref_squeeze %dma_wait3A_84 : memref<1x128xi32, #tpu.memory_space<vmem>> -> memref<128xi32, #tpu.memory_space<vmem>>
        %dma_wait3A_86 = arith.constant 0 : i32
        %dma_wait3A_87 = arith.constant 0 : i32
        %dma_wait3A_88 = tpu.memref_slice %arg10[%dma_wait3A_86, %dma_wait3A_87] : memref<10240x128xf32, #tpu.memory_space<vmem_shared>> -> memref<10240x128xf32, #tpu.memory_space<vmem_shared>>
        tpu.wait_indirect_dma semaphore(%run_scoped3A : memref<!tpu.dma_semaphore, #tpu.memory_space<semaphore_mem>>) src(%arg9 : memref<128x128xf32, #tpu.memory_space<vmem>>) dst(%dma_wait3A_88 : memref<10240x128xf32, #tpu.memory_space<vmem_shared>>)
        tpu.yield
      }) : () -> ()
    }
    %scan3A_42 = arith.constant 20 : i32
    %barrier3A_43 = arith.constant 0 : index
    tpu.barrier barrier_id(%barrier3A_43)
    %add3A_44 = arith.addi %mul3A_2, %mul3A_0 : i32
    "tpu.region"() ({
      %run_scoped3A = tpu.sem_alloc : memref<!tpu.dma_semaphore, #tpu.memory_space<semaphore_mem>>
      %dma_start3A_45 = arith.constant 0 : i32
      %dma_start3A_46 = tpu.memref_slice %arg5[%add3A_44, %dma_start3A_45] : memref<20480x128xf32, #tpu.memory_space<hbm>> -> memref<640x128xf32, #tpu.memory_space<hbm>>
      %dma_start3A_47 = arith.constant 0 : i32
      %dma_start3A_48 = tpu.memref_slice %arg10[%mul3A_0, %dma_start3A_47] : memref<10240x128xf32, #tpu.memory_space<vmem_shared>> -> memref<640x128xf32, #tpu.memory_space<vmem_shared>>
      tpu.enqueue_dma source(%dma_start3A_48 : memref<640x128xf32, #tpu.memory_space<vmem_shared>>) target(%dma_start3A_46 : memref<640x128xf32, #tpu.memory_space<hbm>>) target_semaphore(%run_scoped3A : memref<!tpu.dma_semaphore, #tpu.memory_space<semaphore_mem>>)
      %dma_wait3A = arith.constant 0 : i32
      %dma_wait3A_49 = tpu.memref_slice %arg5[%add3A_44, %dma_wait3A] : memref<20480x128xf32, #tpu.memory_space<hbm>> -> memref<640x128xf32, #tpu.memory_space<hbm>>
      %dma_wait3A_50 = arith.constant 0 : i32
      %dma_wait3A_51 = tpu.memref_slice %arg10[%mul3A_0, %dma_wait3A_50] : memref<10240x128xf32, #tpu.memory_space<vmem_shared>> -> memref<640x128xf32, #tpu.memory_space<vmem_shared>>
      tpu.wait_dma2 semaphore(%run_scoped3A : memref<!tpu.dma_semaphore, #tpu.memory_space<semaphore_mem>>) src(%dma_wait3A_51 : memref<640x128xf32, #tpu.memory_space<vmem_shared>>) dst(%dma_wait3A_49 : memref<640x128xf32, #tpu.memory_space<hbm>>)
      tpu.yield
    }) : () -> ()
    return
  }
}

#map = affine_map<(d0, d1) -> (0, 0)>
module attributes {stable_mosaic.version = 14 : i64} {
  func.func @k(%arg0: i32, %arg1: i32, %arg2: memref<20480x128xf32, #tpu.memory_space<hbm>>, %arg3: memref<1280x128xi32, #tpu.memory_space<hbm>>, %arg4: memref<1280x128xi32, #tpu.memory_space<hbm>>, %arg5: memref<20480x128xf32, #tpu.memory_space<hbm>>, %arg6: memref<40x128xi32, #tpu.memory_space<vmem>>, %arg7: memref<40x128xi32, #tpu.memory_space<vmem>>, %arg8: memref<128x128xf32, #tpu.memory_space<vmem>>, %arg9: memref<128x128xf32, #tpu.memory_space<vmem>>, %arg10: memref<10240x128xf32, #tpu.memory_space<vmem_shared>>, %arg11: memref<!tpu.dma_semaphore, #tpu.memory_space<semaphore_mem>>, %arg12: memref<!tpu.dma_semaphore, #tpu.memory_space<semaphore_mem>>) attributes {dimension_semantics = [#tpu.dimension_semantics<core_parallel>, #tpu.dimension_semantics<subcore_parallel>], iteration_bounds = array<i64: 2, 16>, scalar_prefetch = 0 : i64, scratch_operands = 7 : i64, tpu.core_type = #tpu.core_type<sc_vector_subcore>, window_params = [{transform_indices = #map}, {transform_indices = #map}, {transform_indices = #map}, {transform_indices = #map}]} {
    %mul3A = arith.constant 640 : i32
    %mul3A_0 = arith.muli %arg1, %mul3A : i32
    %mul3A_1 = arith.constant 10240 : i32
    %mul3A_2 = arith.muli %arg0, %mul3A_1 : i32
    %add3A = arith.addi %mul3A_2, %mul3A_0 : i32
    "tpu.region"() ({
      %run_scoped3A = tpu.sem_alloc : memref<!tpu.dma_semaphore, #tpu.memory_space<semaphore_mem>>
      %dma_start3A_45 = arith.constant 0 : i32
      %dma_start3A_46 = tpu.memref_slice %arg10[%mul3A_0, %dma_start3A_45] : memref<10240x128xf32, #tpu.memory_space<vmem_shared>> -> memref<640x128xf32, #tpu.memory_space<vmem_shared>>
      %dma_start3A_47 = arith.constant 0 : i32
      %dma_start3A_48 = tpu.memref_slice %arg2[%add3A, %dma_start3A_47] : memref<20480x128xf32, #tpu.memory_space<hbm>> -> memref<640x128xf32, #tpu.memory_space<hbm>>
      tpu.enqueue_dma source(%dma_start3A_48 : memref<640x128xf32, #tpu.memory_space<hbm>>) target(%dma_start3A_46 : memref<640x128xf32, #tpu.memory_space<vmem_shared>>) target_semaphore(%run_scoped3A : memref<!tpu.dma_semaphore, #tpu.memory_space<semaphore_mem>>)
      %dma_wait3A = arith.constant 0 : i32
      %dma_wait3A_49 = tpu.memref_slice %arg10[%mul3A_0, %dma_wait3A] : memref<10240x128xf32, #tpu.memory_space<vmem_shared>> -> memref<640x128xf32, #tpu.memory_space<vmem_shared>>
      %dma_wait3A_50 = arith.constant 0 : i32
      %dma_wait3A_51 = tpu.memref_slice %arg2[%add3A, %dma_wait3A_50] : memref<20480x128xf32, #tpu.memory_space<hbm>> -> memref<640x128xf32, #tpu.memory_space<hbm>>
      tpu.wait_dma2 semaphore(%run_scoped3A : memref<!tpu.dma_semaphore, #tpu.memory_space<semaphore_mem>>) src(%dma_wait3A_51 : memref<640x128xf32, #tpu.memory_space<hbm>>) dst(%dma_wait3A_49 : memref<640x128xf32, #tpu.memory_space<vmem_shared>>)
      tpu.yield
    }) : () -> ()
    %barrier3A = arith.constant 0 : index
    tpu.barrier barrier_id(%barrier3A)
    %mul3A_3 = arith.constant 80 : i32
    %mul3A_4 = arith.muli %arg1, %mul3A_3 : i32
    %add3A_5 = arith.constant 0 : i32
    %add3A_6 = arith.addi %mul3A_4, %add3A_5 : i32
    "tpu.region"() ({
      %run_scoped3A = tpu.sem_alloc : memref<!tpu.dma_semaphore, #tpu.memory_space<semaphore_mem>>
      %dma_start3A_45 = arith.constant 0 : i32
      %dma_start3A_46 = tpu.memref_slice %arg3[%add3A_6, %dma_start3A_45] : memref<1280x128xi32, #tpu.memory_space<hbm>> -> memref<40x128xi32, #tpu.memory_space<hbm>>
      %dma_start3A_47 = arith.constant 0 : i32
      %dma_start3A_48 = tpu.memref_slice %arg3[%add3A_6, %dma_start3A_47] : memref<1280x128xi32, #tpu.memory_space<hbm>> -> memref<40x128xi32, #tpu.memory_space<hbm>>
      tpu.enqueue_dma source(%dma_start3A_48 : memref<40x128xi32, #tpu.memory_space<hbm>>) target(%arg6 : memref<40x128xi32, #tpu.memory_space<vmem>>) target_semaphore(%run_scoped3A : memref<!tpu.dma_semaphore, #tpu.memory_space<semaphore_mem>>)
      %dma_wait3A = arith.constant 0 : i32
      %dma_wait3A_49 = tpu.memref_slice %arg3[%add3A_6, %dma_wait3A] : memref<1280x128xi32, #tpu.memory_space<hbm>> -> memref<40x128xi32, #tpu.memory_space<hbm>>
      %dma_wait3A_50 = arith.constant 0 : i32
      %dma_wait3A_51 = tpu.memref_slice %arg3[%add3A_6, %dma_wait3A_50] : memref<1280x128xi32, #tpu.memory_space<hbm>> -> memref<40x128xi32, #tpu.memory_space<hbm>>
      tpu.wait_dma2 semaphore(%run_scoped3A : memref<!tpu.dma_semaphore, #tpu.memory_space<semaphore_mem>>) src(%dma_wait3A_51 : memref<40x128xi32, #tpu.memory_space<hbm>>) dst(%arg6 : memref<40x128xi32, #tpu.memory_space<vmem>>)
      tpu.yield
    }) : () -> ()
    "tpu.region"() ({
      %run_scoped3A = tpu.sem_alloc : memref<!tpu.dma_semaphore, #tpu.memory_space<semaphore_mem>>
      %dma_start3A_45 = arith.constant 0 : i32
      %dma_start3A_46 = tpu.memref_slice %arg4[%add3A_6, %dma_start3A_45] : memref<1280x128xi32, #tpu.memory_space<hbm>> -> memref<40x128xi32, #tpu.memory_space<hbm>>
      %dma_start3A_47 = arith.constant 0 : i32
      %dma_start3A_48 = tpu.memref_slice %arg4[%add3A_6, %dma_start3A_47] : memref<1280x128xi32, #tpu.memory_space<hbm>> -> memref<40x128xi32, #tpu.memory_space<hbm>>
      tpu.enqueue_dma source(%dma_start3A_48 : memref<40x128xi32, #tpu.memory_space<hbm>>) target(%arg7 : memref<40x128xi32, #tpu.memory_space<vmem>>) target_semaphore(%run_scoped3A : memref<!tpu.dma_semaphore, #tpu.memory_space<semaphore_mem>>)
      %dma_wait3A = arith.constant 0 : i32
      %dma_wait3A_49 = tpu.memref_slice %arg4[%add3A_6, %dma_wait3A] : memref<1280x128xi32, #tpu.memory_space<hbm>> -> memref<40x128xi32, #tpu.memory_space<hbm>>
      %dma_wait3A_50 = arith.constant 0 : i32
      %dma_wait3A_51 = tpu.memref_slice %arg4[%add3A_6, %dma_wait3A_50] : memref<1280x128xi32, #tpu.memory_space<hbm>> -> memref<40x128xi32, #tpu.memory_space<hbm>>
      tpu.wait_dma2 semaphore(%run_scoped3A : memref<!tpu.dma_semaphore, #tpu.memory_space<semaphore_mem>>) src(%dma_wait3A_51 : memref<40x128xi32, #tpu.memory_space<hbm>>) dst(%arg7 : memref<40x128xi32, #tpu.memory_space<vmem>>)
      tpu.yield
    }) : () -> ()
    %scan3A = arith.constant 0 : i32
    %scan3A_7 = arith.constant 40 : i32
    %scan3A_8 = arith.addi %scan3A, %scan3A_7 : i32
    %scan3A_9 = arith.constant 1 : i32
    scf.for %scan3A_45 = %scan3A to %scan3A_8 step %scan3A_9  : i32 {
      %mul3A_46 = arith.constant 1 : i32
      %mul3A_47 = arith.muli %scan3A_45, %mul3A_46 : i32
      %add3A_48 = arith.constant 0 : i32
      %add3A_49 = arith.addi %add3A_48, %mul3A_47 : i32
      %scan3A_50 = arith.constant 0 : i32
      %scan3A_51 = arith.constant 8 : i32
      %scan3A_52 = arith.addi %scan3A_50, %scan3A_51 : i32
      %scan3A_53 = arith.constant 1 : i32
      scf.for %scan3A_55 = %scan3A_50 to %scan3A_52 step %scan3A_53  : i32 {
        %mul3A_56 = arith.constant 16 : i32
        %mul3A_57 = arith.muli %scan3A_55, %mul3A_56 : i32
        %add3A_58 = arith.constant 0 : i32
        %add3A_59 = arith.addi %add3A_58, %mul3A_57 : i32
        %get3A = arith.index_cast %add3A_49 : i32 to index
        %get3A_60 = arith.index_cast %add3A_59 : i32 to index
        %get3A_61 = tpu.vector_load %arg6[%get3A, %get3A_60] {strides = array<i32>} : memref<40x128xi32, #tpu.memory_space<vmem>>, vector<1x16xi32>,
        %get3A_62 = vector.shape_cast %get3A_61 : vector<1x16xi32> to vector<16xi32>
        %add3A_63 = vector.broadcast %mul3A_2 : i32 to vector<16xi32>
        %add3A_64 = arith.addi %get3A_62, %add3A_63 : vector<16xi32>
        %swap3A = arith.index_cast %add3A_49 : i32 to index
        %swap3A_65 = arith.index_cast %add3A_59 : i32 to index
        %swap3A_66 = tpu.vector_load %arg6[%swap3A, %swap3A_65] {strides = array<i32>} : memref<40x128xi32, #tpu.memory_space<vmem>>, vector<1x16xi32>,
        %swap3A_67 = vector.shape_cast %swap3A_66 : vector<1x16xi32> to vector<16xi32>
        %swap3A_68 = vector.shape_cast %add3A_64 : vector<16xi32> to vector<1x16xi32>
        tpu.vector_store %arg6[%swap3A, %swap3A_65], %swap3A_68 {strides = array<i32>} : memref<40x128xi32, #tpu.memory_space<vmem>>, vector<1x16xi32>,
      }
      %scan3A_54 = arith.constant 8 : i32
    }
    %scan3A_10 = arith.constant 40 : i32
    %dma_start3A = arith.constant 0 : i32
    %dma_start3A_11 = arith.constant 0 : i32
    %dma_start3A_12 = tpu.memref_slice %arg6[%dma_start3A, %dma_start3A_11] : memref<40x128xi32, #tpu.memory_space<vmem>> -> memref<1x128xi32, #tpu.memory_space<vmem>>
    %dma_start3A_13 = tpu.memref_squeeze %dma_start3A_12 : memref<1x128xi32, #tpu.memory_space<vmem>> -> memref<128xi32, #tpu.memory_space<vmem>>
    %dma_start3A_14 = arith.constant 0 : i32
    %dma_start3A_15 = arith.constant 0 : i32
    %dma_start3A_16 = tpu.memref_slice %arg2[%dma_start3A_14, %dma_start3A_15] : memref<20480x128xf32, #tpu.memory_space<hbm>> -> memref<20480x128xf32, #tpu.memory_space<hbm>>
    tpu.enqueue_indirect_dma source(%dma_start3A_16 : memref<20480x128xf32, #tpu.memory_space<hbm>>) target(%arg8 : memref<128x128xf32, #tpu.memory_space<vmem>>) offsets(%dma_start3A_13 : memref<128xi32, #tpu.memory_space<vmem>>) semaphore(%arg11 : memref<!tpu.dma_semaphore, #tpu.memory_space<semaphore_mem>>)
    %scan3A_17 = arith.constant 0 : i32
    %scan3A_18 = arith.constant 20 : i32
    %scan3A_19 = arith.addi %scan3A_17, %scan3A_18 : i32
    %scan3A_20 = arith.constant 1 : i32
    scf.for %scan3A_45 = %scan3A_17 to %scan3A_19 step %scan3A_20  : i32 {
      %mul3A_46 = arith.constant 2 : i32
      %mul3A_47 = arith.muli %scan3A_45, %mul3A_46 : i32
      %add3A_48 = arith.constant 0 : i32
      %add3A_49 = arith.addi %add3A_48, %mul3A_47 : i32
      %add3A_50 = arith.constant 1 : i32
      %add3A_51 = arith.addi %add3A_49, %add3A_50 : i32
      %dma_start3A_52 = arith.constant 0 : i32
      %dma_start3A_53 = tpu.memref_slice %arg6[%add3A_51, %dma_start3A_52] : memref<40x128xi32, #tpu.memory_space<vmem>> -> memref<1x128xi32, #tpu.memory_space<vmem>>
      %dma_start3A_54 = tpu.memref_squeeze %dma_start3A_53 : memref<1x128xi32, #tpu.memory_space<vmem>> -> memref<128xi32, #tpu.memory_space<vmem>>
      %dma_start3A_55 = arith.constant 0 : i32
      %dma_start3A_56 = arith.constant 0 : i32
      %dma_start3A_57 = tpu.memref_slice %arg2[%dma_start3A_55, %dma_start3A_56] : memref<20480x128xf32, #tpu.memory_space<hbm>> -> memref<20480x128xf32, #tpu.memory_space<hbm>>
      tpu.enqueue_indirect_dma source(%dma_start3A_57 : memref<20480x128xf32, #tpu.memory_space<hbm>>) target(%arg9 : memref<128x128xf32, #tpu.memory_space<vmem>>) offsets(%dma_start3A_54 : memref<128xi32, #tpu.memory_space<vmem>>) semaphore(%arg12 : memref<!tpu.dma_semaphore, #tpu.memory_space<semaphore_mem>>)
      %dma_wait3A = arith.constant 0 : i32
      %dma_wait3A_58 = tpu.memref_slice %arg6[%add3A_49, %dma_wait3A] : memref<40x128xi32, #tpu.memory_space<vmem>> -> memref<1x128xi32, #tpu.memory_space<vmem>>
      %dma_wait3A_59 = tpu.memref_squeeze %dma_wait3A_58 : memref<1x128xi32, #tpu.memory_space<vmem>> -> memref<128xi32, #tpu.memory_space<vmem>>
      %dma_wait3A_60 = arith.constant 0 : i32
      %dma_wait3A_61 = arith.constant 0 : i32
      %dma_wait3A_62 = tpu.memref_slice %arg2[%dma_wait3A_60, %dma_wait3A_61] : memref<20480x128xf32, #tpu.memory_space<hbm>> -> memref<20480x128xf32, #tpu.memory_space<hbm>>
      tpu.wait_indirect_dma semaphore(%arg11 : memref<!tpu.dma_semaphore, #tpu.memory_space<semaphore_mem>>) src(%dma_wait3A_62 : memref<20480x128xf32, #tpu.memory_space<hbm>>) dst(%arg8 : memref<128x128xf32, #tpu.memory_space<vmem>>)
      "tpu.region"() ({
        %run_scoped3A = tpu.sem_alloc : memref<!tpu.dma_semaphore, #tpu.memory_space<semaphore_mem>>
        %dma_start3A_77 = arith.constant 0 : i32
        %dma_start3A_78 = tpu.memref_slice %arg7[%add3A_49, %dma_start3A_77] : memref<40x128xi32, #tpu.memory_space<vmem>> -> memref<1x128xi32, #tpu.memory_space<vmem>>
        %dma_start3A_79 = tpu.memref_squeeze %dma_start3A_78 : memref<1x128xi32, #tpu.memory_space<vmem>> -> memref<128xi32, #tpu.memory_space<vmem>>
        %dma_start3A_80 = arith.constant 0 : i32
        %dma_start3A_81 = arith.constant 0 : i32
        %dma_start3A_82 = tpu.memref_slice %arg10[%dma_start3A_80, %dma_start3A_81] : memref<10240x128xf32, #tpu.memory_space<vmem_shared>> -> memref<10240x128xf32, #tpu.memory_space<vmem_shared>>
        tpu.enqueue_indirect_dma source(%arg8 : memref<128x128xf32, #tpu.memory_space<vmem>>) target(%dma_start3A_82 : memref<10240x128xf32, #tpu.memory_space<vmem_shared>>) offsets(%dma_start3A_79 : memref<128xi32, #tpu.memory_space<vmem>>) semaphore(%run_scoped3A : memref<!tpu.dma_semaphore, #tpu.memory_space<semaphore_mem>>) {add = true}
        %dma_wait3A_83 = arith.constant 0 : i32
        %dma_wait3A_84 = tpu.memref_slice %arg7[%add3A_49, %dma_wait3A_83] : memref<40x128xi32, #tpu.memory_space<vmem>> -> memref<1x128xi32, #tpu.memory_space<vmem>>
        %dma_wait3A_85 = tpu.memref_squeeze %dma_wait3A_84 : memref<1x128xi32, #tpu.memory_space<vmem>> -> memref<128xi32, #tpu.memory_space<vmem>>
        %dma_wait3A_86 = arith.constant 0 : i32
        %dma_wait3A_87 = arith.constant 0 : i32
        %dma_wait3A_88 = tpu.memref_slice %arg10[%dma_wait3A_86, %dma_wait3A_87] : memref<10240x128xf32, #tpu.memory_space<vmem_shared>> -> memref<10240x128xf32, #tpu.memory_space<vmem_shared>>
        tpu.wait_indirect_dma semaphore(%run_scoped3A : memref<!tpu.dma_semaphore, #tpu.memory_space<semaphore_mem>>) src(%arg8 : memref<128x128xf32, #tpu.memory_space<vmem>>) dst(%dma_wait3A_88 : memref<10240x128xf32, #tpu.memory_space<vmem_shared>>)
        tpu.yield
      }) : () -> ()
      %add3A_63 = arith.constant 2 : i32
      %add3A_64 = arith.addi %add3A_49, %add3A_63 : i32
      %lt3A = arith.constant 40 : i32
      %lt3A_65 = arith.cmpi slt, %add3A_64, %lt3A : i32
      %convert_element_type3A = arith.extui %lt3A_65 : i1 to i32
      %cond3A = arith.constant 0 : i32
      %cond3A_66 = arith.cmpi ne, %convert_element_type3A, %cond3A : i32
      scf.if %cond3A_66 {
        %add3A_77 = arith.constant 2 : i32
        %add3A_78 = arith.addi %add3A_49, %add3A_77 : i32
        %dma_start3A_79 = arith.constant 0 : i32
        %dma_start3A_80 = tpu.memref_slice %arg6[%add3A_78, %dma_start3A_79] : memref<40x128xi32, #tpu.memory_space<vmem>> -> memref<1x128xi32, #tpu.memory_space<vmem>>
        %dma_start3A_81 = tpu.memref_squeeze %dma_start3A_80 : memref<1x128xi32, #tpu.memory_space<vmem>> -> memref<128xi32, #tpu.memory_space<vmem>>
        %dma_start3A_82 = arith.constant 0 : i32
        %dma_start3A_83 = arith.constant 0 : i32
        %dma_start3A_84 = tpu.memref_slice %arg2[%dma_start3A_82, %dma_start3A_83] : memref<20480x128xf32, #tpu.memory_space<hbm>> -> memref<20480x128xf32, #tpu.memory_space<hbm>>
        tpu.enqueue_indirect_dma source(%dma_start3A_84 : memref<20480x128xf32, #tpu.memory_space<hbm>>) target(%arg8 : memref<128x128xf32, #tpu.memory_space<vmem>>) offsets(%dma_start3A_81 : memref<128xi32, #tpu.memory_space<vmem>>) semaphore(%arg11 : memref<!tpu.dma_semaphore, #tpu.memory_space<semaphore_mem>>)
      } else {
      }
      %add3A_67 = arith.constant 1 : i32
      %add3A_68 = arith.addi %add3A_49, %add3A_67 : i32
      %dma_wait3A_69 = arith.constant 0 : i32
      %dma_wait3A_70 = tpu.memref_slice %arg6[%add3A_68, %dma_wait3A_69] : memref<40x128xi32, #tpu.memory_space<vmem>> -> memref<1x128xi32, #tpu.memory_space<vmem>>
      %dma_wait3A_71 = tpu.memref_squeeze %dma_wait3A_70 : memref<1x128xi32, #tpu.memory_space<vmem>> -> memref<128xi32, #tpu.memory_space<vmem>>
      %dma_wait3A_72 = arith.constant 0 : i32
      %dma_wait3A_73 = arith.constant 0 : i32
      %dma_wait3A_74 = tpu.memref_slice %arg2[%dma_wait3A_72, %dma_wait3A_73] : memref<20480x128xf32, #tpu.memory_space<hbm>> -> memref<20480x128xf32, #tpu.memory_space<hbm>>
      tpu.wait_indirect_dma semaphore(%arg12 : memref<!tpu.dma_semaphore, #tpu.memory_space<semaphore_mem>>) src(%dma_wait3A_74 : memref<20480x128xf32, #tpu.memory_space<hbm>>) dst(%arg9 : memref<128x128xf32, #tpu.memory_space<vmem>>)
      %add3A_75 = arith.constant 1 : i32
      %add3A_76 = arith.addi %add3A_49, %add3A_75 : i32
      "tpu.region"() ({
        %run_scoped3A = tpu.sem_alloc : memref<!tpu.dma_semaphore, #tpu.memory_space<semaphore_mem>>
        %dma_start3A_77 = arith.constant 0 : i32
        %dma_start3A_78 = tpu.memref_slice %arg7[%add3A_76, %dma_start3A_77] : memref<40x128xi32, #tpu.memory_space<vmem>> -> memref<1x128xi32, #tpu.memory_space<vmem>>
        %dma_start3A_79 = tpu.memref_squeeze %dma_start3A_78 : memref<1x128xi32, #tpu.memory_space<vmem>> -> memref<128xi32, #tpu.memory_space<vmem>>
        %dma_start3A_80 = arith.constant 0 : i32
        %dma_start3A_81 = arith.constant 0 : i32
        %dma_start3A_82 = tpu.memref_slice %arg10[%dma_start3A_80, %dma_start3A_81] : memref<10240x128xf32, #tpu.memory_space<vmem_shared>> -> memref<10240x128xf32, #tpu.memory_space<vmem_shared>>
        tpu.enqueue_indirect_dma source(%arg9 : memref<128x128xf32, #tpu.memory_space<vmem>>) target(%dma_start3A_82 : memref<10240x128xf32, #tpu.memory_space<vmem_shared>>) offsets(%dma_start3A_79 : memref<128xi32, #tpu.memory_space<vmem>>) semaphore(%run_scoped3A : memref<!tpu.dma_semaphore, #tpu.memory_space<semaphore_mem>>) {add = true}
        %dma_wait3A_83 = arith.constant 0 : i32
        %dma_wait3A_84 = tpu.memref_slice %arg7[%add3A_76, %dma_wait3A_83] : memref<40x128xi32, #tpu.memory_space<vmem>> -> memref<1x128xi32, #tpu.memory_space<vmem>>
        %dma_wait3A_85 = tpu.memref_squeeze %dma_wait3A_84 : memref<1x128xi32, #tpu.memory_space<vmem>> -> memref<128xi32, #tpu.memory_space<vmem>>
        %dma_wait3A_86 = arith.constant 0 : i32
        %dma_wait3A_87 = arith.constant 0 : i32
        %dma_wait3A_88 = tpu.memref_slice %arg10[%dma_wait3A_86, %dma_wait3A_87] : memref<10240x128xf32, #tpu.memory_space<vmem_shared>> -> memref<10240x128xf32, #tpu.memory_space<vmem_shared>>
        tpu.wait_indirect_dma semaphore(%run_scoped3A : memref<!tpu.dma_semaphore, #tpu.memory_space<semaphore_mem>>) src(%arg9 : memref<128x128xf32, #tpu.memory_space<vmem>>) dst(%dma_wait3A_88 : memref<10240x128xf32, #tpu.memory_space<vmem_shared>>)
        tpu.yield
      }) : () -> ()
    }
    %scan3A_21 = arith.constant 20 : i32
    %mul3A_22 = arith.constant 80 : i32
    %mul3A_23 = arith.muli %arg1, %mul3A_22 : i32
    %add3A_24 = arith.constant 40 : i32
    %add3A_25 = arith.addi %mul3A_23, %add3A_24 : i32
    "tpu.region"() ({
      %run_scoped3A = tpu.sem_alloc : memref<!tpu.dma_semaphore, #tpu.memory_space<semaphore_mem>>
      %dma_start3A_45 = arith.constant 0 : i32
      %dma_start3A_46 = tpu.memref_slice %arg3[%add3A_25, %dma_start3A_45] : memref<1280x128xi32, #tpu.memory_space<hbm>> -> memref<40x128xi32, #tpu.memory_space<hbm>>
      %dma_start3A_47 = arith.constant 0 : i32
      %dma_start3A_48 = tpu.memref_slice %arg3[%add3A_25, %dma_start3A_47] : memref<1280x128xi32, #tpu.memory_space<hbm>> -> memref<40x128xi32, #tpu.memory_space<hbm>>
      tpu.enqueue_dma source(%dma_start3A_48 : memref<40x128xi32, #tpu.memory_space<hbm>>) target(%arg6 : memref<40x128xi32, #tpu.memory_space<vmem>>) target_semaphore(%run_scoped3A : memref<!tpu.dma_semaphore, #tpu.memory_space<semaphore_mem>>)
      %dma_wait3A = arith.constant 0 : i32
      %dma_wait3A_49 = tpu.memref_slice %arg3[%add3A_25, %dma_wait3A] : memref<1280x128xi32, #tpu.memory_space<hbm>> -> memref<40x128xi32, #tpu.memory_space<hbm>>
      %dma_wait3A_50 = arith.constant 0 : i32
      %dma_wait3A_51 = tpu.memref_slice %arg3[%add3A_25, %dma_wait3A_50] : memref<1280x128xi32, #tpu.memory_space<hbm>> -> memref<40x128xi32, #tpu.memory_space<hbm>>
      tpu.wait_dma2 semaphore(%run_scoped3A : memref<!tpu.dma_semaphore, #tpu.memory_space<semaphore_mem>>) src(%dma_wait3A_51 : memref<40x128xi32, #tpu.memory_space<hbm>>) dst(%arg6 : memref<40x128xi32, #tpu.memory_space<vmem>>)
      tpu.yield
    }) : () -> ()
    "tpu.region"() ({
      %run_scoped3A = tpu.sem_alloc : memref<!tpu.dma_semaphore, #tpu.memory_space<semaphore_mem>>
      %dma_start3A_45 = arith.constant 0 : i32
      %dma_start3A_46 = tpu.memref_slice %arg4[%add3A_25, %dma_start3A_45] : memref<1280x128xi32, #tpu.memory_space<hbm>> -> memref<40x128xi32, #tpu.memory_space<hbm>>
      %dma_start3A_47 = arith.constant 0 : i32
      %dma_start3A_48 = tpu.memref_slice %arg4[%add3A_25, %dma_start3A_47] : memref<1280x128xi32, #tpu.memory_space<hbm>> -> memref<40x128xi32, #tpu.memory_space<hbm>>
      tpu.enqueue_dma source(%dma_start3A_48 : memref<40x128xi32, #tpu.memory_space<hbm>>) target(%arg7 : memref<40x128xi32, #tpu.memory_space<vmem>>) target_semaphore(%run_scoped3A : memref<!tpu.dma_semaphore, #tpu.memory_space<semaphore_mem>>)
      %dma_wait3A = arith.constant 0 : i32
      %dma_wait3A_49 = tpu.memref_slice %arg4[%add3A_25, %dma_wait3A] : memref<1280x128xi32, #tpu.memory_space<hbm>> -> memref<40x128xi32, #tpu.memory_space<hbm>>
      %dma_wait3A_50 = arith.constant 0 : i32
      %dma_wait3A_51 = tpu.memref_slice %arg4[%add3A_25, %dma_wait3A_50] : memref<1280x128xi32, #tpu.memory_space<hbm>> -> memref<40x128xi32, #tpu.memory_space<hbm>>
      tpu.wait_dma2 semaphore(%run_scoped3A : memref<!tpu.dma_semaphore, #tpu.memory_space<semaphore_mem>>) src(%dma_wait3A_51 : memref<40x128xi32, #tpu.memory_space<hbm>>) dst(%arg7 : memref<40x128xi32, #tpu.memory_space<vmem>>)
      tpu.yield
    }) : () -> ()
    %scan3A_26 = arith.constant 0 : i32
    %scan3A_27 = arith.constant 40 : i32
    %scan3A_28 = arith.addi %scan3A_26, %scan3A_27 : i32
    %scan3A_29 = arith.constant 1 : i32
    scf.for %scan3A_45 = %scan3A_26 to %scan3A_28 step %scan3A_29  : i32 {
      %mul3A_46 = arith.constant 1 : i32
      %mul3A_47 = arith.muli %scan3A_45, %mul3A_46 : i32
      %add3A_48 = arith.constant 0 : i32
      %add3A_49 = arith.addi %add3A_48, %mul3A_47 : i32
      %scan3A_50 = arith.constant 0 : i32
      %scan3A_51 = arith.constant 8 : i32
      %scan3A_52 = arith.addi %scan3A_50, %scan3A_51 : i32
      %scan3A_53 = arith.constant 1 : i32
      scf.for %scan3A_55 = %scan3A_50 to %scan3A_52 step %scan3A_53  : i32 {
        %mul3A_56 = arith.constant 16 : i32
        %mul3A_57 = arith.muli %scan3A_55, %mul3A_56 : i32
        %add3A_58 = arith.constant 0 : i32
        %add3A_59 = arith.addi %add3A_58, %mul3A_57 : i32
        %get3A = arith.index_cast %add3A_49 : i32 to index
        %get3A_60 = arith.index_cast %add3A_59 : i32 to index
        %get3A_61 = tpu.vector_load %arg6[%get3A, %get3A_60] {strides = array<i32>} : memref<40x128xi32, #tpu.memory_space<vmem>>, vector<1x16xi32>,
        %get3A_62 = vector.shape_cast %get3A_61 : vector<1x16xi32> to vector<16xi32>
        %add3A_63 = vector.broadcast %mul3A_2 : i32 to vector<16xi32>
        %add3A_64 = arith.addi %get3A_62, %add3A_63 : vector<16xi32>
        %swap3A = arith.index_cast %add3A_49 : i32 to index
        %swap3A_65 = arith.index_cast %add3A_59 : i32 to index
        %swap3A_66 = tpu.vector_load %arg6[%swap3A, %swap3A_65] {strides = array<i32>} : memref<40x128xi32, #tpu.memory_space<vmem>>, vector<1x16xi32>,
        %swap3A_67 = vector.shape_cast %swap3A_66 : vector<1x16xi32> to vector<16xi32>
        %swap3A_68 = vector.shape_cast %add3A_64 : vector<16xi32> to vector<1x16xi32>
        tpu.vector_store %arg6[%swap3A, %swap3A_65], %swap3A_68 {strides = array<i32>} : memref<40x128xi32, #tpu.memory_space<vmem>>, vector<1x16xi32>,
      }
      %scan3A_54 = arith.constant 8 : i32
    }
    %scan3A_30 = arith.constant 40 : i32
    %dma_start3A_31 = arith.constant 0 : i32
    %dma_start3A_32 = arith.constant 0 : i32
    %dma_start3A_33 = tpu.memref_slice %arg6[%dma_start3A_31, %dma_start3A_32] : memref<40x128xi32, #tpu.memory_space<vmem>> -> memref<1x128xi32, #tpu.memory_space<vmem>>
    %dma_start3A_34 = tpu.memref_squeeze %dma_start3A_33 : memref<1x128xi32, #tpu.memory_space<vmem>> -> memref<128xi32, #tpu.memory_space<vmem>>
    %dma_start3A_35 = arith.constant 0 : i32
    %dma_start3A_36 = arith.constant 0 : i32
    %dma_start3A_37 = tpu.memref_slice %arg2[%dma_start3A_35, %dma_start3A_36] : memref<20480x128xf32, #tpu.memory_space<hbm>> -> memref<20480x128xf32, #tpu.memory_space<hbm>>
    tpu.enqueue_indirect_dma source(%dma_start3A_37 : memref<20480x128xf32, #tpu.memory_space<hbm>>) target(%arg8 : memref<128x128xf32, #tpu.memory_space<vmem>>) offsets(%dma_start3A_34 : memref<128xi32, #tpu.memory_space<vmem>>) semaphore(%arg11 : memref<!tpu.dma_semaphore, #tpu.memory_space<semaphore_mem>>)
    %scan3A_38 = arith.constant 0 : i32
    %scan3A_39 = arith.constant 20 : i32
    %scan3A_40 = arith.addi %scan3A_38, %scan3A_39 : i32
    %scan3A_41 = arith.constant 1 : i32
    scf.for %scan3A_45 = %scan3A_38 to %scan3A_40 step %scan3A_41  : i32 {
      %mul3A_46 = arith.constant 2 : i32
      %mul3A_47 = arith.muli %scan3A_45, %mul3A_46 : i32
      %add3A_48 = arith.constant 0 : i32
      %add3A_49 = arith.addi %add3A_48, %mul3A_47 : i32
      %add3A_50 = arith.constant 1 : i32
      %add3A_51 = arith.addi %add3A_49, %add3A_50 : i32
      %dma_start3A_52 = arith.constant 0 : i32
      %dma_start3A_53 = tpu.memref_slice %arg6[%add3A_51, %dma_start3A_52] : memref<40x128xi32, #tpu.memory_space<vmem>> -> memref<1x128xi32, #tpu.memory_space<vmem>>
      %dma_start3A_54 = tpu.memref_squeeze %dma_start3A_53 : memref<1x128xi32, #tpu.memory_space<vmem>> -> memref<128xi32, #tpu.memory_space<vmem>>
      %dma_start3A_55 = arith.constant 0 : i32
      %dma_start3A_56 = arith.constant 0 : i32
      %dma_start3A_57 = tpu.memref_slice %arg2[%dma_start3A_55, %dma_start3A_56] : memref<20480x128xf32, #tpu.memory_space<hbm>> -> memref<20480x128xf32, #tpu.memory_space<hbm>>
      tpu.enqueue_indirect_dma source(%dma_start3A_57 : memref<20480x128xf32, #tpu.memory_space<hbm>>) target(%arg9 : memref<128x128xf32, #tpu.memory_space<vmem>>) offsets(%dma_start3A_54 : memref<128xi32, #tpu.memory_space<vmem>>) semaphore(%arg12 : memref<!tpu.dma_semaphore, #tpu.memory_space<semaphore_mem>>)
      %dma_wait3A = arith.constant 0 : i32
      %dma_wait3A_58 = tpu.memref_slice %arg6[%add3A_49, %dma_wait3A] : memref<40x128xi32, #tpu.memory_space<vmem>> -> memref<1x128xi32, #tpu.memory_space<vmem>>
      %dma_wait3A_59 = tpu.memref_squeeze %dma_wait3A_58 : memref<1x128xi32, #tpu.memory_space<vmem>> -> memref<128xi32, #tpu.memory_space<vmem>>
      %dma_wait3A_60 = arith.constant 0 : i32
      %dma_wait3A_61 = arith.constant 0 : i32
      %dma_wait3A_62 = tpu.memref_slice %arg2[%dma_wait3A_60, %dma_wait3A_61] : memref<20480x128xf32, #tpu.memory_space<hbm>> -> memref<20480x128xf32, #tpu.memory_space<hbm>>
      tpu.wait_indirect_dma semaphore(%arg11 : memref<!tpu.dma_semaphore, #tpu.memory_space<semaphore_mem>>) src(%dma_wait3A_62 : memref<20480x128xf32, #tpu.memory_space<hbm>>) dst(%arg8 : memref<128x128xf32, #tpu.memory_space<vmem>>)
      "tpu.region"() ({
        %run_scoped3A = tpu.sem_alloc : memref<!tpu.dma_semaphore, #tpu.memory_space<semaphore_mem>>
        %dma_start3A_77 = arith.constant 0 : i32
        %dma_start3A_78 = tpu.memref_slice %arg7[%add3A_49, %dma_start3A_77] : memref<40x128xi32, #tpu.memory_space<vmem>> -> memref<1x128xi32, #tpu.memory_space<vmem>>
        %dma_start3A_79 = tpu.memref_squeeze %dma_start3A_78 : memref<1x128xi32, #tpu.memory_space<vmem>> -> memref<128xi32, #tpu.memory_space<vmem>>
        %dma_start3A_80 = arith.constant 0 : i32
        %dma_start3A_81 = arith.constant 0 : i32
        %dma_start3A_82 = tpu.memref_slice %arg10[%dma_start3A_80, %dma_start3A_81] : memref<10240x128xf32, #tpu.memory_space<vmem_shared>> -> memref<10240x128xf32, #tpu.memory_space<vmem_shared>>
        tpu.enqueue_indirect_dma source(%arg8 : memref<128x128xf32, #tpu.memory_space<vmem>>) target(%dma_start3A_82 : memref<10240x128xf32, #tpu.memory_space<vmem_shared>>) offsets(%dma_start3A_79 : memref<128xi32, #tpu.memory_space<vmem>>) semaphore(%run_scoped3A : memref<!tpu.dma_semaphore, #tpu.memory_space<semaphore_mem>>) {add = true}
        %dma_wait3A_83 = arith.constant 0 : i32
        %dma_wait3A_84 = tpu.memref_slice %arg7[%add3A_49, %dma_wait3A_83] : memref<40x128xi32, #tpu.memory_space<vmem>> -> memref<1x128xi32, #tpu.memory_space<vmem>>
        %dma_wait3A_85 = tpu.memref_squeeze %dma_wait3A_84 : memref<1x128xi32, #tpu.memory_space<vmem>> -> memref<128xi32, #tpu.memory_space<vmem>>
        %dma_wait3A_86 = arith.constant 0 : i32
        %dma_wait3A_87 = arith.constant 0 : i32
        %dma_wait3A_88 = tpu.memref_slice %arg10[%dma_wait3A_86, %dma_wait3A_87] : memref<10240x128xf32, #tpu.memory_space<vmem_shared>> -> memref<10240x128xf32, #tpu.memory_space<vmem_shared>>
        tpu.wait_indirect_dma semaphore(%run_scoped3A : memref<!tpu.dma_semaphore, #tpu.memory_space<semaphore_mem>>) src(%arg8 : memref<128x128xf32, #tpu.memory_space<vmem>>) dst(%dma_wait3A_88 : memref<10240x128xf32, #tpu.memory_space<vmem_shared>>)
        tpu.yield
      }) : () -> ()
      %add3A_63 = arith.constant 2 : i32
      %add3A_64 = arith.addi %add3A_49, %add3A_63 : i32
      %lt3A = arith.constant 40 : i32
      %lt3A_65 = arith.cmpi slt, %add3A_64, %lt3A : i32
      %convert_element_type3A = arith.extui %lt3A_65 : i1 to i32
      %cond3A = arith.constant 0 : i32
      %cond3A_66 = arith.cmpi ne, %convert_element_type3A, %cond3A : i32
      scf.if %cond3A_66 {
        %add3A_77 = arith.constant 2 : i32
        %add3A_78 = arith.addi %add3A_49, %add3A_77 : i32
        %dma_start3A_79 = arith.constant 0 : i32
        %dma_start3A_80 = tpu.memref_slice %arg6[%add3A_78, %dma_start3A_79] : memref<40x128xi32, #tpu.memory_space<vmem>> -> memref<1x128xi32, #tpu.memory_space<vmem>>
        %dma_start3A_81 = tpu.memref_squeeze %dma_start3A_80 : memref<1x128xi32, #tpu.memory_space<vmem>> -> memref<128xi32, #tpu.memory_space<vmem>>
        %dma_start3A_82 = arith.constant 0 : i32
        %dma_start3A_83 = arith.constant 0 : i32
        %dma_start3A_84 = tpu.memref_slice %arg2[%dma_start3A_82, %dma_start3A_83] : memref<20480x128xf32, #tpu.memory_space<hbm>> -> memref<20480x128xf32, #tpu.memory_space<hbm>>
        tpu.enqueue_indirect_dma source(%dma_start3A_84 : memref<20480x128xf32, #tpu.memory_space<hbm>>) target(%arg8 : memref<128x128xf32, #tpu.memory_space<vmem>>) offsets(%dma_start3A_81 : memref<128xi32, #tpu.memory_space<vmem>>) semaphore(%arg11 : memref<!tpu.dma_semaphore, #tpu.memory_space<semaphore_mem>>)
      } else {
      }
      %add3A_67 = arith.constant 1 : i32
      %add3A_68 = arith.addi %add3A_49, %add3A_67 : i32
      %dma_wait3A_69 = arith.constant 0 : i32
      %dma_wait3A_70 = tpu.memref_slice %arg6[%add3A_68, %dma_wait3A_69] : memref<40x128xi32, #tpu.memory_space<vmem>> -> memref<1x128xi32, #tpu.memory_space<vmem>>
      %dma_wait3A_71 = tpu.memref_squeeze %dma_wait3A_70 : memref<1x128xi32, #tpu.memory_space<vmem>> -> memref<128xi32, #tpu.memory_space<vmem>>
      %dma_wait3A_72 = arith.constant 0 : i32
      %dma_wait3A_73 = arith.constant 0 : i32
      %dma_wait3A_74 = tpu.memref_slice %arg2[%dma_wait3A_72, %dma_wait3A_73] : memref<20480x128xf32, #tpu.memory_space<hbm>> -> memref<20480x128xf32, #tpu.memory_space<hbm>>
      tpu.wait_indirect_dma semaphore(%arg12 : memref<!tpu.dma_semaphore, #tpu.memory_space<semaphore_mem>>) src(%dma_wait3A_74 : memref<20480x128xf32, #tpu.memory_space<hbm>>) dst(%arg9 : memref<128x128xf32, #tpu.memory_space<vmem>>)
      %add3A_75 = arith.constant 1 : i32
      %add3A_76 = arith.addi %add3A_49, %add3A_75 : i32
      "tpu.region"() ({
        %run_scoped3A = tpu.sem_alloc : memref<!tpu.dma_semaphore, #tpu.memory_space<semaphore_mem>>
        %dma_start3A_77 = arith.constant 0 : i32
        %dma_start3A_78 = tpu.memref_slice %arg7[%add3A_76, %dma_start3A_77] : memref<40x128xi32, #tpu.memory_space<vmem>> -> memref<1x128xi32, #tpu.memory_space<vmem>>
        %dma_start3A_79 = tpu.memref_squeeze %dma_start3A_78 : memref<1x128xi32, #tpu.memory_space<vmem>> -> memref<128xi32, #tpu.memory_space<vmem>>
        %dma_start3A_80 = arith.constant 0 : i32
        %dma_start3A_81 = arith.constant 0 : i32
        %dma_start3A_82 = tpu.memref_slice %arg10[%dma_start3A_80, %dma_start3A_81] : memref<10240x128xf32, #tpu.memory_space<vmem_shared>> -> memref<10240x128xf32, #tpu.memory_space<vmem_shared>>
        tpu.enqueue_indirect_dma source(%arg9 : memref<128x128xf32, #tpu.memory_space<vmem>>) target(%dma_start3A_82 : memref<10240x128xf32, #tpu.memory_space<vmem_shared>>) offsets(%dma_start3A_79 : memref<128xi32, #tpu.memory_space<vmem>>) semaphore(%run_scoped3A : memref<!tpu.dma_semaphore, #tpu.memory_space<semaphore_mem>>) {add = true}
        %dma_wait3A_83 = arith.constant 0 : i32
        %dma_wait3A_84 = tpu.memref_slice %arg7[%add3A_76, %dma_wait3A_83] : memref<40x128xi32, #tpu.memory_space<vmem>> -> memref<1x128xi32, #tpu.memory_space<vmem>>
        %dma_wait3A_85 = tpu.memref_squeeze %dma_wait3A_84 : memref<1x128xi32, #tpu.memory_space<vmem>> -> memref<128xi32, #tpu.memory_space<vmem>>
        %dma_wait3A_86 = arith.constant 0 : i32
        %dma_wait3A_87 = arith.constant 0 : i32
        %dma_wait3A_88 = tpu.memref_slice %arg10[%dma_wait3A_86, %dma_wait3A_87] : memref<10240x128xf32, #tpu.memory_space<vmem_shared>> -> memref<10240x128xf32, #tpu.memory_space<vmem_shared>>
        tpu.wait_indirect_dma semaphore(%run_scoped3A : memref<!tpu.dma_semaphore, #tpu.memory_space<semaphore_mem>>) src(%arg9 : memref<128x128xf32, #tpu.memory_space<vmem>>) dst(%dma_wait3A_88 : memref<10240x128xf32, #tpu.memory_space<vmem_shared>>)
        tpu.yield
      }) : () -> ()
    }
    %scan3A_42 = arith.constant 20 : i32
    %barrier3A_43 = arith.constant 0 : index
    tpu.barrier barrier_id(%barrier3A_43)
    %add3A_44 = arith.addi %mul3A_2, %mul3A_0 : i32
    "tpu.region"() ({
      %run_scoped3A = tpu.sem_alloc : memref<!tpu.dma_semaphore, #tpu.memory_space<semaphore_mem>>
      %dma_start3A_45 = arith.constant 0 : i32
      %dma_start3A_46 = tpu.memref_slice %arg5[%add3A_44, %dma_start3A_45] : memref<20480x128xf32, #tpu.memory_space<hbm>> -> memref<640x128xf32, #tpu.memory_space<hbm>>
      %dma_start3A_47 = arith.constant 0 : i32
      %dma_start3A_48 = tpu.memref_slice %arg10[%mul3A_0, %dma_start3A_47] : memref<10240x128xf32, #tpu.memory_space<vmem_shared>> -> memref<640x128xf32, #tpu.memory_space<vmem_shared>>
      tpu.enqueue_dma source(%dma_start3A_48 : memref<640x128xf32, #tpu.memory_space<vmem_shared>>) target(%dma_start3A_46 : memref<640x128xf32, #tpu.memory_space<hbm>>) target_semaphore(%run_scoped3A : memref<!tpu.dma_semaphore, #tpu.memory_space<semaphore_mem>>)
      %dma_wait3A = arith.constant 0 : i32
      %dma_wait3A_49 = tpu.memref_slice %arg5[%add3A_44, %dma_wait3A] : memref<20480x128xf32, #tpu.memory_space<hbm>> -> memref<640x128xf32, #tpu.memory_space<hbm>>
      %dma_wait3A_50 = arith.constant 0 : i32
      %dma_wait3A_51 = tpu.memref_slice %arg10[%mul3A_0, %dma_wait3A_50] : memref<10240x128xf32, #tpu.memory_space<vmem_shared>> -> memref<640x128xf32, #tpu.memory_space<vmem_shared>>
      tpu.wait_dma2 semaphore(%run_scoped3A : memref<!tpu.dma_semaphore, #tpu.memory_space<semaphore_mem>>) src(%dma_wait3A_51 : memref<640x128xf32, #tpu.memory_space<vmem_shared>>) dst(%dma_wait3A_49 : memref<640x128xf32, #tpu.memory_space<hbm>>)
      tpu.yield
    }) : () -> ()
    return
  }
}

module attributes {stable_mosaic.version = 14 : i64} {
  func.func @_k2_body(%arg0: i32, %arg1: memref<2x1024x128xf32, #tpu.memory_space<vmem>>, %arg2: memref<256x256xbf16, #tpu.memory_space<vmem>>, %arg3: memref<1x256xf32, #tpu.memory_space<vmem>>, %arg4: memref<256x256xbf16, #tpu.memory_space<vmem>>, %arg5: memref<1x256xf32, #tpu.memory_space<vmem>>, %arg6: memref<256x256xbf16, #tpu.memory_space<vmem>>, %arg7: memref<1x256xf32, #tpu.memory_space<vmem>>, %arg8: memref<1x256xf32, #tpu.memory_space<vmem>>, %arg9: memref<1x256xf32, #tpu.memory_space<vmem>>, %arg10: memref<2x1024x128xf32, #tpu.memory_space<vmem>>) attributes {dimension_semantics = [#tpu.dimension_semantics<arbitrary>], iteration_bounds = array<i64: 10>, scalar_prefetch = 0 : i64, scratch_operands = 0 : i64, tpu.core_type = #tpu.core_type<tc>, window_params = [{transform_indices = @transform_0, window_bounds = array<i64: 2, 1024, 128>}, {pipeline_mode = #tpu.pipeline_mode<synchronous>, transform_indices = @transform_1, window_bounds = array<i64: 256, 256>}, {pipeline_mode = #tpu.pipeline_mode<synchronous>, transform_indices = @transform_2, window_bounds = array<i64: 1, 256>}, {pipeline_mode = #tpu.pipeline_mode<synchronous>, transform_indices = @transform_3, window_bounds = array<i64: 256, 256>}, {pipeline_mode = #tpu.pipeline_mode<synchronous>, transform_indices = @transform_4, window_bounds = array<i64: 1, 256>}, {pipeline_mode = #tpu.pipeline_mode<synchronous>, transform_indices = @transform_5, window_bounds = array<i64: 256, 256>}, {pipeline_mode = #tpu.pipeline_mode<synchronous>, transform_indices = @transform_6, window_bounds = array<i64: 1, 256>}, {pipeline_mode = #tpu.pipeline_mode<synchronous>, transform_indices = @transform_7, window_bounds = array<i64: 1, 256>}, {pipeline_mode = #tpu.pipeline_mode<synchronous>, transform_indices = @transform_8, window_bounds = array<i64: 1, 256>}, {transform_indices = @transform_9, window_bounds = array<i64: 2, 1024, 128>}]} {
    %get3A = arith.constant 0 : index
    %get3A_0 = arith.constant 0 : index
    %get3A_1 = arith.constant 0 : index
    %get3A_2 = vector.load %arg1[%get3A, %get3A_0, %get3A_1] : memref<2x1024x128xf32, #tpu.memory_space<vmem>>, vector<1x1024x128xf32>
    %get3A_3 = vector.shape_cast %get3A_2 : vector<1x1024x128xf32> to vector<1024x128xf32>
    %get3A_4 = arith.constant 1 : index
    %get3A_5 = arith.constant 0 : index
    %get3A_6 = arith.constant 0 : index
    %get3A_7 = vector.load %arg1[%get3A_4, %get3A_5, %get3A_6] : memref<2x1024x128xf32, #tpu.memory_space<vmem>>, vector<1x1024x128xf32>
    %get3A_8 = vector.shape_cast %get3A_7 : vector<1x1024x128xf32> to vector<1024x128xf32>
    %concatenate3A = tpu.concatenate %get3A_3, %get3A_8 in 1 : vector<1024x128xf32>, vector<1024x128xf32> -> vector<1024x256xf32>
    %convert_element_type3A = arith.truncf %concatenate3A : vector<1024x256xf32> to vector<1024x256xbf16>
    %get3A_9 = arith.constant 0 : index
    %get3A_10 = arith.constant 0 : index
    %get3A_11 = vector.load %arg2[%get3A_9, %get3A_10] : memref<256x256xbf16, #tpu.memory_space<vmem>>, vector<256x256xbf16>
    %dot_general3A = arith.constant dense<0.000000e+00> : vector<1024x256xf32>
    %dot_general3A_12 = tpu.matmul %convert_element_type3A, %get3A_11, %dot_general3A {dimension_numbers = #tpu.dot_dimension_numbers<[1], [0], [0], [1], [0, 0, 1, 1], [], []>, transpose_lhs_hint = false} : vector<1024x256xbf16>, vector<256x256xbf16>, vector<1024x256xf32> -> vector<1024x256xf32>
    %get3A_13 = arith.constant 0 : index
    %get3A_14 = arith.constant 0 : index
    %get3A_15 = vector.load %arg3[%get3A_13, %get3A_14] : memref<1x256xf32, #tpu.memory_space<vmem>>, vector<1x256xf32>
    %add3A = vector.broadcast %get3A_15 : vector<1x256xf32> to vector<1024x256xf32>
    %add3A_16 = arith.addf %dot_general3A_12, %add3A : vector<1024x256xf32>
    %max3A = arith.constant 0.000000e+00 : f32
    %max3A_17 = vector.broadcast %max3A : f32 to vector<1024x256xf32>
    %max3A_18 = arith.maximumf %add3A_16, %max3A_17 : vector<1024x256xf32>
    %convert_element_type3A_19 = arith.truncf %max3A_18 : vector<1024x256xf32> to vector<1024x256xbf16>
    %get3A_20 = arith.constant 0 : index
    %get3A_21 = arith.constant 0 : index
    %get3A_22 = vector.load %arg4[%get3A_20, %get3A_21] : memref<256x256xbf16, #tpu.memory_space<vmem>>, vector<256x256xbf16>
    %dot_general3A_23 = arith.constant dense<0.000000e+00> : vector<1024x256xf32>
    %dot_general3A_24 = tpu.matmul %convert_element_type3A_19, %get3A_22, %dot_general3A_23 {dimension_numbers = #tpu.dot_dimension_numbers<[1], [0], [0], [1], [0, 0, 1, 1], [], []>, transpose_lhs_hint = false} : vector<1024x256xbf16>, vector<256x256xbf16>, vector<1024x256xf32> -> vector<1024x256xf32>
    %get3A_25 = arith.constant 0 : index
    %get3A_26 = arith.constant 0 : index
    %get3A_27 = vector.load %arg5[%get3A_25, %get3A_26] : memref<1x256xf32, #tpu.memory_space<vmem>>, vector<1x256xf32>
    %add3A_28 = vector.broadcast %get3A_27 : vector<1x256xf32> to vector<1024x256xf32>
    %add3A_29 = arith.addf %dot_general3A_24, %add3A_28 : vector<1024x256xf32>
    %max3A_30 = arith.constant 0.000000e+00 : f32
    %max3A_31 = vector.broadcast %max3A_30 : f32 to vector<1024x256xf32>
    %max3A_32 = arith.maximumf %add3A_29, %max3A_31 : vector<1024x256xf32>
    %convert_element_type3A_33 = arith.truncf %max3A_32 : vector<1024x256xf32> to vector<1024x256xbf16>
    %get3A_34 = arith.constant 0 : index
    %get3A_35 = arith.constant 0 : index
    %get3A_36 = vector.load %arg6[%get3A_34, %get3A_35] : memref<256x256xbf16, #tpu.memory_space<vmem>>, vector<256x256xbf16>
    %dot_general3A_37 = arith.constant dense<0.000000e+00> : vector<1024x256xf32>
    %dot_general3A_38 = tpu.matmul %convert_element_type3A_33, %get3A_36, %dot_general3A_37 {dimension_numbers = #tpu.dot_dimension_numbers<[1], [0], [0], [1], [0, 0, 1, 1], [], []>, transpose_lhs_hint = false} : vector<1024x256xbf16>, vector<256x256xbf16>, vector<1024x256xf32> -> vector<1024x256xf32>
    %get3A_39 = arith.constant 0 : index
    %get3A_40 = arith.constant 0 : index
    %get3A_41 = vector.load %arg7[%get3A_39, %get3A_40] : memref<1x256xf32, #tpu.memory_space<vmem>>, vector<1x256xf32>
    %add3A_42 = vector.broadcast %get3A_41 : vector<1x256xf32> to vector<1024x256xf32>
    %add3A_43 = arith.addf %dot_general3A_38, %add3A_42 : vector<1024x256xf32>
    %reduce_sum3A = arith.constant dense<0.000000e+00> : vector<1024xf32>
    %reduce_sum3A_44 = vector.multi_reduction <add>, %add3A_43, %reduce_sum3A [1] : vector<1024x256xf32> to vector<1024xf32>
    %broadcast_in_dim3A = vector.shape_cast %reduce_sum3A_44 : vector<1024xf32> to vector<1024x1xf32>
    %div3A = arith.constant 2.560000e+02 : f32
    %div3A_45 = vector.broadcast %div3A : f32 to vector<1024x1xf32>
    %div3A_46 = arith.divf %broadcast_in_dim3A, %div3A_45 : vector<1024x1xf32>
    %sub3A = vector.broadcast %div3A_46 : vector<1024x1xf32> to vector<1024x256xf32>
    %sub3A_47 = arith.subf %add3A_43, %sub3A : vector<1024x256xf32>
    %mul3A = arith.mulf %sub3A_47, %sub3A_47 : vector<1024x256xf32>
    %reduce_sum3A_48 = arith.constant dense<0.000000e+00> : vector<1024xf32>
    %reduce_sum3A_49 = vector.multi_reduction <add>, %mul3A, %reduce_sum3A_48 [1] : vector<1024x256xf32> to vector<1024xf32>
    %broadcast_in_dim3A_50 = vector.shape_cast %reduce_sum3A_49 : vector<1024xf32> to vector<1024x1xf32>
    %div3A_51 = arith.constant 2.560000e+02 : f32
    %div3A_52 = vector.broadcast %div3A_51 : f32 to vector<1024x1xf32>
    %div3A_53 = arith.divf %broadcast_in_dim3A_50, %div3A_52 : vector<1024x1xf32>
    %get3A_54 = arith.constant 0 : index
    %get3A_55 = arith.constant 0 : index
    %get3A_56 = vector.load %arg8[%get3A_54, %get3A_55] : memref<1x256xf32, #tpu.memory_space<vmem>>, vector<1x256xf32>
    %add3A_57 = arith.constant 9.99999974E-6 : f32
    %add3A_58 = vector.broadcast %add3A_57 : f32 to vector<1024x1xf32>
    %add3A_59 = arith.addf %div3A_53, %add3A_58 : vector<1024x1xf32>
    %rsqrt3A = math.rsqrt %add3A_59 : vector<1024x1xf32>
    %mul3A_60 = vector.broadcast %rsqrt3A : vector<1024x1xf32> to vector<1024x256xf32>
    %mul3A_61 = arith.mulf %sub3A_47, %mul3A_60 : vector<1024x256xf32>
    %mul3A_62 = vector.broadcast %get3A_56 : vector<1x256xf32> to vector<1024x256xf32>
    %mul3A_63 = arith.mulf %mul3A_62, %mul3A_61 : vector<1024x256xf32>
    %get3A_64 = arith.constant 0 : index
    %get3A_65 = arith.constant 0 : index
    %get3A_66 = vector.load %arg9[%get3A_64, %get3A_65] : memref<1x256xf32, #tpu.memory_space<vmem>>, vector<1x256xf32>
    %add3A_67 = vector.broadcast %get3A_66 : vector<1x256xf32> to vector<1024x256xf32>
    %add3A_68 = arith.addf %mul3A_63, %add3A_67 : vector<1024x256xf32>
    %slice3A = vector.extract_strided_slice %add3A_68 {offsets = [0, 0], sizes = [1024, 128], strides = [1, 1]} : vector<1024x256xf32> to vector<1024x128xf32>
    %swap3A = arith.constant 0 : index
    %swap3A_69 = arith.constant 0 : index
    %swap3A_70 = arith.constant 0 : index
    %swap3A_71 = vector.load %arg10[%swap3A, %swap3A_69, %swap3A_70] : memref<2x1024x128xf32, #tpu.memory_space<vmem>>, vector<1x1024x128xf32>
    %swap3A_72 = vector.shape_cast %swap3A_71 : vector<1x1024x128xf32> to vector<1024x128xf32>
    %swap3A_73 = vector.shape_cast %slice3A : vector<1024x128xf32> to vector<1x1024x128xf32>
    tpu.vector_store %arg10[%swap3A, %swap3A_69, %swap3A_70], %swap3A_73 {strides = array<i32>} : memref<2x1024x128xf32, #tpu.memory_space<vmem>>, vector<1x1024x128xf32>,
    %slice3A_74 = vector.extract_strided_slice %add3A_68 {offsets = [0, 128], sizes = [1024, 128], strides = [1, 1]} : vector<1024x256xf32> to vector<1024x128xf32>
    %swap3A_75 = arith.constant 1 : index
    %swap3A_76 = arith.constant 0 : index
    %swap3A_77 = arith.constant 0 : index
    %swap3A_78 = vector.load %arg10[%swap3A_75, %swap3A_76, %swap3A_77] : memref<2x1024x128xf32, #tpu.memory_space<vmem>>, vector<1x1024x128xf32>
    %swap3A_79 = vector.shape_cast %swap3A_78 : vector<1x1024x128xf32> to vector<1024x128xf32>
    %swap3A_80 = vector.shape_cast %slice3A_74 : vector<1024x128xf32> to vector<1x1024x128xf32>
    tpu.vector_store %arg10[%swap3A_75, %swap3A_76, %swap3A_77], %swap3A_80 {strides = array<i32>} : memref<2x1024x128xf32, #tpu.memory_space<vmem>>, vector<1x1024x128xf32>,
    return
  }
  func.func @transform_0(%arg0: i32) -> (i32, i32, i32) {
    %c0_i32 = arith.constant 0 : i32
    %c0_i32_0 = arith.constant 0 : i32
    %c0_i32_1 = arith.constant 0 : i32
    return %c0_i32, %arg0, %c0_i32_0 : i32, i32, i32
  }
  func.func @transform_1(%arg0: i32) -> (i32, i32) {
    %c0_i32 = arith.constant 0 : i32
    %c0_i32_0 = arith.constant 0 : i32
    %c0_i32_1 = arith.constant 0 : i32
    return %c0_i32, %c0_i32_0 : i32, i32
  }
  func.func @transform_2(%arg0: i32) -> (i32, i32) {
    %c0_i32 = arith.constant 0 : i32
    %c0_i32_0 = arith.constant 0 : i32
    %c0_i32_1 = arith.constant 0 : i32
    return %c0_i32, %c0_i32_0 : i32, i32
  }
  func.func @transform_3(%arg0: i32) -> (i32, i32) {
    %c0_i32 = arith.constant 0 : i32
    %c0_i32_0 = arith.constant 0 : i32
    %c0_i32_1 = arith.constant 0 : i32
    return %c0_i32, %c0_i32_0 : i32, i32
  }
  func.func @transform_4(%arg0: i32) -> (i32, i32) {
    %c0_i32 = arith.constant 0 : i32
    %c0_i32_0 = arith.constant 0 : i32
    %c0_i32_1 = arith.constant 0 : i32
    return %c0_i32, %c0_i32_0 : i32, i32
  }
  func.func @transform_5(%arg0: i32) -> (i32, i32) {
    %c0_i32 = arith.constant 0 : i32
    %c0_i32_0 = arith.constant 0 : i32
    %c0_i32_1 = arith.constant 0 : i32
    return %c0_i32, %c0_i32_0 : i32, i32
  }
  func.func @transform_6(%arg0: i32) -> (i32, i32) {
    %c0_i32 = arith.constant 0 : i32
    %c0_i32_0 = arith.constant 0 : i32
    %c0_i32_1 = arith.constant 0 : i32
    return %c0_i32, %c0_i32_0 : i32, i32
  }
  func.func @transform_7(%arg0: i32) -> (i32, i32) {
    %c0_i32 = arith.constant 0 : i32
    %c0_i32_0 = arith.constant 0 : i32
    %c0_i32_1 = arith.constant 0 : i32
    return %c0_i32, %c0_i32_0 : i32, i32
  }
  func.func @transform_8(%arg0: i32) -> (i32, i32) {
    %c0_i32 = arith.constant 0 : i32
    %c0_i32_0 = arith.constant 0 : i32
    %c0_i32_1 = arith.constant 0 : i32
    return %c0_i32, %c0_i32_0 : i32, i32
  }
  func.func @transform_9(%arg0: i32) -> (i32, i32, i32) {
    %c0_i32 = arith.constant 0 : i32
    %c0_i32_0 = arith.constant 0 : i32
    %c0_i32_1 = arith.constant 0 : i32
    return %c0_i32, %arg0, %c0_i32_0 : i32, i32, i32
  }
}

module attributes {stable_mosaic.version = 14 : i64} {
  func.func @_k1_body(%arg0: i32, %arg1: memref<1024x8xi32, #tpu.memory_space<vmem>>, %arg2: memref<128x256xbf16, #tpu.memory_space<vmem>>, %arg3: memref<256x256xbf16, #tpu.memory_space<vmem>>, %arg4: memref<1x256xf32, #tpu.memory_space<vmem>>, %arg5: memref<256x256xbf16, #tpu.memory_space<vmem>>, %arg6: memref<1x256xf32, #tpu.memory_space<vmem>>, %arg7: memref<2x1024x128xf32, #tpu.memory_space<vmem>>) attributes {dimension_semantics = [#tpu.dimension_semantics<arbitrary>], iteration_bounds = array<i64: 10>, scalar_prefetch = 0 : i64, scratch_operands = 0 : i64, tpu.core_type = #tpu.core_type<tc>, window_params = [{transform_indices = @transform_0, window_bounds = array<i64: 1024, 8>}, {pipeline_mode = #tpu.pipeline_mode<synchronous>, transform_indices = @transform_1, window_bounds = array<i64: 128, 256>}, {pipeline_mode = #tpu.pipeline_mode<synchronous>, transform_indices = @transform_2, window_bounds = array<i64: 256, 256>}, {pipeline_mode = #tpu.pipeline_mode<synchronous>, transform_indices = @transform_3, window_bounds = array<i64: 1, 256>}, {pipeline_mode = #tpu.pipeline_mode<synchronous>, transform_indices = @transform_4, window_bounds = array<i64: 256, 256>}, {pipeline_mode = #tpu.pipeline_mode<synchronous>, transform_indices = @transform_5, window_bounds = array<i64: 1, 256>}, {transform_indices = @transform_6, window_bounds = array<i64: 2, 1024, 128>}]} {
    %iota3A = tpu.iota {dimensions = array<i32: 1>} : vector<1024x128xi32>
    %broadcast_in_dim3A = arith.constant 0.000000e+00 : bf16
    %broadcast_in_dim3A_0 = vector.broadcast %broadcast_in_dim3A : bf16 to vector<1024x128xbf16>
    %get3A = arith.constant 0 : index
    %get3A_1 = arith.constant 0 : index
    %get3A_2 = vector.load %arg1[%get3A, %get3A_1] : memref<1024x8xi32, #tpu.memory_space<vmem>>, vector<1024x1xi32>
    %eq3A = vector.broadcast %get3A_2 : vector<1024x1xi32> to vector<1024x128xi32>
    %eq3A_3 = arith.cmpi eq, %eq3A, %iota3A : vector<1024x128xi32>
    %convert_element_type3A = arith.extui %eq3A_3 : vector<1024x128xi1> to vector<1024x128xi32>
    %convert_element_type3A_4 = arith.sitofp %convert_element_type3A : vector<1024x128xi32> to vector<1024x128xf32>
    %convert_element_type3A_5 = arith.truncf %convert_element_type3A_4 : vector<1024x128xf32> to vector<1024x128xbf16>
    %add3A = arith.addf %broadcast_in_dim3A_0, %convert_element_type3A_5 : vector<1024x128xbf16>
    %get3A_6 = arith.constant 0 : index
    %get3A_7 = arith.constant 1 : index
    %get3A_8 = vector.load %arg1[%get3A_6, %get3A_7] : memref<1024x8xi32, #tpu.memory_space<vmem>>, vector<1024x1xi32>
    %eq3A_9 = vector.broadcast %get3A_8 : vector<1024x1xi32> to vector<1024x128xi32>
    %eq3A_10 = arith.cmpi eq, %eq3A_9, %iota3A : vector<1024x128xi32>
    %convert_element_type3A_11 = arith.extui %eq3A_10 : vector<1024x128xi1> to vector<1024x128xi32>
    %convert_element_type3A_12 = arith.sitofp %convert_element_type3A_11 : vector<1024x128xi32> to vector<1024x128xf32>
    %convert_element_type3A_13 = arith.truncf %convert_element_type3A_12 : vector<1024x128xf32> to vector<1024x128xbf16>
    %add3A_14 = arith.addf %add3A, %convert_element_type3A_13 : vector<1024x128xbf16>
    %get3A_15 = arith.constant 0 : index
    %get3A_16 = arith.constant 2 : index
    %get3A_17 = vector.load %arg1[%get3A_15, %get3A_16] : memref<1024x8xi32, #tpu.memory_space<vmem>>, vector<1024x1xi32>
    %eq3A_18 = vector.broadcast %get3A_17 : vector<1024x1xi32> to vector<1024x128xi32>
    %eq3A_19 = arith.cmpi eq, %eq3A_18, %iota3A : vector<1024x128xi32>
    %convert_element_type3A_20 = arith.extui %eq3A_19 : vector<1024x128xi1> to vector<1024x128xi32>
    %convert_element_type3A_21 = arith.sitofp %convert_element_type3A_20 : vector<1024x128xi32> to vector<1024x128xf32>
    %convert_element_type3A_22 = arith.truncf %convert_element_type3A_21 : vector<1024x128xf32> to vector<1024x128xbf16>
    %add3A_23 = arith.addf %add3A_14, %convert_element_type3A_22 : vector<1024x128xbf16>
    %get3A_24 = arith.constant 0 : index
    %get3A_25 = arith.constant 3 : index
    %get3A_26 = vector.load %arg1[%get3A_24, %get3A_25] : memref<1024x8xi32, #tpu.memory_space<vmem>>, vector<1024x1xi32>
    %eq3A_27 = vector.broadcast %get3A_26 : vector<1024x1xi32> to vector<1024x128xi32>
    %eq3A_28 = arith.cmpi eq, %eq3A_27, %iota3A : vector<1024x128xi32>
    %convert_element_type3A_29 = arith.extui %eq3A_28 : vector<1024x128xi1> to vector<1024x128xi32>
    %convert_element_type3A_30 = arith.sitofp %convert_element_type3A_29 : vector<1024x128xi32> to vector<1024x128xf32>
    %convert_element_type3A_31 = arith.truncf %convert_element_type3A_30 : vector<1024x128xf32> to vector<1024x128xbf16>
    %add3A_32 = arith.addf %add3A_23, %convert_element_type3A_31 : vector<1024x128xbf16>
    %get3A_33 = arith.constant 0 : index
    %get3A_34 = arith.constant 0 : index
    %get3A_35 = vector.load %arg2[%get3A_33, %get3A_34] : memref<128x256xbf16, #tpu.memory_space<vmem>>, vector<128x256xbf16>
    %dot_general3A = arith.constant dense<0.000000e+00> : vector<1024x256xf32>
    %dot_general3A_36 = tpu.matmul %add3A_32, %get3A_35, %dot_general3A {dimension_numbers = #tpu.dot_dimension_numbers<[1], [0], [0], [1], [0, 0, 1, 1], [], []>, transpose_lhs_hint = false} : vector<1024x128xbf16>, vector<128x256xbf16>, vector<1024x256xf32> -> vector<1024x256xf32>
    %convert_element_type3A_37 = arith.truncf %dot_general3A_36 : vector<1024x256xf32> to vector<1024x256xbf16>
    %get3A_38 = arith.constant 0 : index
    %get3A_39 = arith.constant 0 : index
    %get3A_40 = vector.load %arg3[%get3A_38, %get3A_39] : memref<256x256xbf16, #tpu.memory_space<vmem>>, vector<256x256xbf16>
    %dot_general3A_41 = arith.constant dense<0.000000e+00> : vector<1024x256xf32>
    %dot_general3A_42 = tpu.matmul %convert_element_type3A_37, %get3A_40, %dot_general3A_41 {dimension_numbers = #tpu.dot_dimension_numbers<[1], [0], [0], [1], [0, 0, 1, 1], [], []>, transpose_lhs_hint = false} : vector<1024x256xbf16>, vector<256x256xbf16>, vector<1024x256xf32> -> vector<1024x256xf32>
    %get3A_43 = arith.constant 0 : index
    %get3A_44 = arith.constant 0 : index
    %get3A_45 = vector.load %arg4[%get3A_43, %get3A_44] : memref<1x256xf32, #tpu.memory_space<vmem>>, vector<1x256xf32>
    %add3A_46 = vector.broadcast %get3A_45 : vector<1x256xf32> to vector<1024x256xf32>
    %add3A_47 = arith.addf %dot_general3A_42, %add3A_46 : vector<1024x256xf32>
    %max3A = arith.constant 0.000000e+00 : f32
    %max3A_48 = vector.broadcast %max3A : f32 to vector<1024x256xf32>
    %max3A_49 = arith.maximumf %add3A_47, %max3A_48 : vector<1024x256xf32>
    %convert_element_type3A_50 = arith.truncf %max3A_49 : vector<1024x256xf32> to vector<1024x256xbf16>
    %get3A_51 = arith.constant 0 : index
    %get3A_52 = arith.constant 0 : index
    %get3A_53 = vector.load %arg5[%get3A_51, %get3A_52] : memref<256x256xbf16, #tpu.memory_space<vmem>>, vector<256x256xbf16>
    %dot_general3A_54 = arith.constant dense<0.000000e+00> : vector<1024x256xf32>
    %dot_general3A_55 = tpu.matmul %convert_element_type3A_50, %get3A_53, %dot_general3A_54 {dimension_numbers = #tpu.dot_dimension_numbers<[1], [0], [0], [1], [0, 0, 1, 1], [], []>, transpose_lhs_hint = false} : vector<1024x256xbf16>, vector<256x256xbf16>, vector<1024x256xf32> -> vector<1024x256xf32>
    %get3A_56 = arith.constant 0 : index
    %get3A_57 = arith.constant 0 : index
    %get3A_58 = vector.load %arg6[%get3A_56, %get3A_57] : memref<1x256xf32, #tpu.memory_space<vmem>>, vector<1x256xf32>
    %add3A_59 = vector.broadcast %get3A_58 : vector<1x256xf32> to vector<1024x256xf32>
    %add3A_60 = arith.addf %dot_general3A_55, %add3A_59 : vector<1024x256xf32>
    %slice3A = vector.extract_strided_slice %add3A_60 {offsets = [0, 0], sizes = [1024, 128], strides = [1, 1]} : vector<1024x256xf32> to vector<1024x128xf32>
    %swap3A = arith.constant 0 : index
    %swap3A_61 = arith.constant 0 : index
    %swap3A_62 = arith.constant 0 : index
    %swap3A_63 = vector.load %arg7[%swap3A, %swap3A_61, %swap3A_62] : memref<2x1024x128xf32, #tpu.memory_space<vmem>>, vector<1x1024x128xf32>
    %swap3A_64 = vector.shape_cast %swap3A_63 : vector<1x1024x128xf32> to vector<1024x128xf32>
    %swap3A_65 = vector.shape_cast %slice3A : vector<1024x128xf32> to vector<1x1024x128xf32>
    tpu.vector_store %arg7[%swap3A, %swap3A_61, %swap3A_62], %swap3A_65 {strides = array<i32>} : memref<2x1024x128xf32, #tpu.memory_space<vmem>>, vector<1x1024x128xf32>,
    %slice3A_66 = vector.extract_strided_slice %add3A_60 {offsets = [0, 128], sizes = [1024, 128], strides = [1, 1]} : vector<1024x256xf32> to vector<1024x128xf32>
    %swap3A_67 = arith.constant 1 : index
    %swap3A_68 = arith.constant 0 : index
    %swap3A_69 = arith.constant 0 : index
    %swap3A_70 = vector.load %arg7[%swap3A_67, %swap3A_68, %swap3A_69] : memref<2x1024x128xf32, #tpu.memory_space<vmem>>, vector<1x1024x128xf32>
    %swap3A_71 = vector.shape_cast %swap3A_70 : vector<1x1024x128xf32> to vector<1024x128xf32>
    %swap3A_72 = vector.shape_cast %slice3A_66 : vector<1024x128xf32> to vector<1x1024x128xf32>
    tpu.vector_store %arg7[%swap3A_67, %swap3A_68, %swap3A_69], %swap3A_72 {strides = array<i32>} : memref<2x1024x128xf32, #tpu.memory_space<vmem>>, vector<1x1024x128xf32>,
    return
  }
  func.func @transform_0(%arg0: i32) -> (i32, i32) {
    %c0_i32 = arith.constant 0 : i32
    %c0_i32_0 = arith.constant 0 : i32
    return %arg0, %c0_i32 : i32, i32
  }
  func.func @transform_1(%arg0: i32) -> (i32, i32) {
    %c0_i32 = arith.constant 0 : i32
    %c0_i32_0 = arith.constant 0 : i32
    %c0_i32_1 = arith.constant 0 : i32
    return %c0_i32, %c0_i32_0 : i32, i32
  }
  func.func @transform_2(%arg0: i32) -> (i32, i32) {
    %c0_i32 = arith.constant 0 : i32
    %c0_i32_0 = arith.constant 0 : i32
    %c0_i32_1 = arith.constant 0 : i32
    return %c0_i32, %c0_i32_0 : i32, i32
  }
  func.func @transform_3(%arg0: i32) -> (i32, i32) {
    %c0_i32 = arith.constant 0 : i32
    %c0_i32_0 = arith.constant 0 : i32
    %c0_i32_1 = arith.constant 0 : i32
    return %c0_i32, %c0_i32_0 : i32, i32
  }
  func.func @transform_4(%arg0: i32) -> (i32, i32) {
    %c0_i32 = arith.constant 0 : i32
    %c0_i32_0 = arith.constant 0 : i32
    %c0_i32_1 = arith.constant 0 : i32
    return %c0_i32, %c0_i32_0 : i32, i32
  }
  func.func @transform_5(%arg0: i32) -> (i32, i32) {
    %c0_i32 = arith.constant 0 : i32
    %c0_i32_0 = arith.constant 0 : i32
    %c0_i32_1 = arith.constant 0 : i32
    return %c0_i32, %c0_i32_0 : i32, i32
  }
  func.func @transform_6(%arg0: i32) -> (i32, i32, i32) {
    %c0_i32 = arith.constant 0 : i32
    %c0_i32_0 = arith.constant 0 : i32
    %c0_i32_1 = arith.constant 0 : i32
    return %c0_i32, %arg0, %c0_i32_0 : i32, i32, i32
  }
}

module attributes {stable_mosaic.version = 14 : i64} {
  func.func @_k3_body(%arg0: i32, %arg1: memref<2x1024x128xf32, #tpu.memory_space<vmem>>, %arg2: memref<2x1024x128xf32, #tpu.memory_space<vmem>>, %arg3: memref<2x1024x128xf32, #tpu.memory_space<vmem>>, %arg4: memref<256x256xbf16, #tpu.memory_space<vmem>>, %arg5: memref<1x256xf32, #tpu.memory_space<vmem>>, %arg6: memref<256x256xbf16, #tpu.memory_space<vmem>>, %arg7: memref<1x256xf32, #tpu.memory_space<vmem>>, %arg8: memref<256x256xbf16, #tpu.memory_space<vmem>>, %arg9: memref<1x256xf32, #tpu.memory_space<vmem>>, %arg10: memref<1x256xf32, #tpu.memory_space<vmem>>, %arg11: memref<1x256xf32, #tpu.memory_space<vmem>>, %arg12: memref<1024x8xi32, #tpu.memory_space<vmem>>, %arg13: memref<768x512xbf16, #tpu.memory_space<vmem>>, %arg14: memref<1x512xf32, #tpu.memory_space<vmem>>, %arg15: memref<512x256xbf16, #tpu.memory_space<vmem>>, %arg16: memref<1x256xf32, #tpu.memory_space<vmem>>, %arg17: memref<256x256xf32, #tpu.memory_space<vmem>>) attributes {dimension_semantics = [#tpu.dimension_semantics<arbitrary>], iteration_bounds = array<i64: 10>, scalar_prefetch = 0 : i64, scratch_operands = 0 : i64, tpu.core_type = #tpu.core_type<tc>, window_params = [{transform_indices = @transform_0, window_bounds = array<i64: 2, 1024, 128>}, {transform_indices = @transform_1, window_bounds = array<i64: 2, 1024, 128>}, {transform_indices = @transform_2, window_bounds = array<i64: 2, 1024, 128>}, {pipeline_mode = #tpu.pipeline_mode<synchronous>, transform_indices = @transform_3, window_bounds = array<i64: 256, 256>}, {pipeline_mode = #tpu.pipeline_mode<synchronous>, transform_indices = @transform_4, window_bounds = array<i64: 1, 256>}, {pipeline_mode = #tpu.pipeline_mode<synchronous>, transform_indices = @transform_5, window_bounds = array<i64: 256, 256>}, {pipeline_mode = #tpu.pipeline_mode<synchronous>, transform_indices = @transform_6, window_bounds = array<i64: 1, 256>}, {pipeline_mode = #tpu.pipeline_mode<synchronous>, transform_indices = @transform_7, window_bounds = array<i64: 256, 256>}, {pipeline_mode = #tpu.pipeline_mode<synchronous>, transform_indices = @transform_8, window_bounds = array<i64: 1, 256>}, {pipeline_mode = #tpu.pipeline_mode<synchronous>, transform_indices = @transform_9, window_bounds = array<i64: 1, 256>}, {pipeline_mode = #tpu.pipeline_mode<synchronous>, transform_indices = @transform_10, window_bounds = array<i64: 1, 256>}, {transform_indices = @transform_11, window_bounds = array<i64: 1024, 8>}, {pipeline_mode = #tpu.pipeline_mode<synchronous>, transform_indices = @transform_12, window_bounds = array<i64: 768, 512>}, {pipeline_mode = #tpu.pipeline_mode<synchronous>, transform_indices = @transform_13, window_bounds = array<i64: 1, 512>}, {pipeline_mode = #tpu.pipeline_mode<synchronous>, transform_indices = @transform_14, window_bounds = array<i64: 512, 256>}, {pipeline_mode = #tpu.pipeline_mode<synchronous>, transform_indices = @transform_15, window_bounds = array<i64: 1, 256>}, {pipeline_mode = #tpu.pipeline_mode<synchronous>, transform_indices = @transform_16, window_bounds = array<i64: 256, 256>}]} {
    %get3A = arith.constant 0 : index
    %get3A_0 = arith.constant 0 : index
    %get3A_1 = arith.constant 0 : index
    %get3A_2 = vector.load %arg3[%get3A, %get3A_0, %get3A_1] : memref<2x1024x128xf32, #tpu.memory_space<vmem>>, vector<1x1024x128xf32>
    %get3A_3 = vector.shape_cast %get3A_2 : vector<1x1024x128xf32> to vector<1024x128xf32>
    %get3A_4 = arith.constant 1 : index
    %get3A_5 = arith.constant 0 : index
    %get3A_6 = arith.constant 0 : index
    %get3A_7 = vector.load %arg3[%get3A_4, %get3A_5, %get3A_6] : memref<2x1024x128xf32, #tpu.memory_space<vmem>>, vector<1x1024x128xf32>
    %get3A_8 = vector.shape_cast %get3A_7 : vector<1x1024x128xf32> to vector<1024x128xf32>
    %concatenate3A = tpu.concatenate %get3A_3, %get3A_8 in 1 : vector<1024x128xf32>, vector<1024x128xf32> -> vector<1024x256xf32>
    %convert_element_type3A = arith.truncf %concatenate3A : vector<1024x256xf32> to vector<1024x256xbf16>
    %get3A_9 = arith.constant 0 : index
    %get3A_10 = arith.constant 0 : index
    %get3A_11 = vector.load %arg4[%get3A_9, %get3A_10] : memref<256x256xbf16, #tpu.memory_space<vmem>>, vector<256x256xbf16>
    %dot_general3A = arith.constant dense<0.000000e+00> : vector<1024x256xf32>
    %dot_general3A_12 = tpu.matmul %convert_element_type3A, %get3A_11, %dot_general3A {dimension_numbers = #tpu.dot_dimension_numbers<[1], [0], [0], [1], [0, 0, 1, 1], [], []>, transpose_lhs_hint = false} : vector<1024x256xbf16>, vector<256x256xbf16>, vector<1024x256xf32> -> vector<1024x256xf32>
    %get3A_13 = arith.constant 0 : index
    %get3A_14 = arith.constant 0 : index
    %get3A_15 = vector.load %arg5[%get3A_13, %get3A_14] : memref<1x256xf32, #tpu.memory_space<vmem>>, vector<1x256xf32>
    %add3A = vector.broadcast %get3A_15 : vector<1x256xf32> to vector<1024x256xf32>
    %add3A_16 = arith.addf %dot_general3A_12, %add3A : vector<1024x256xf32>
    %max3A = arith.constant 0.000000e+00 : f32
    %max3A_17 = vector.broadcast %max3A : f32 to vector<1024x256xf32>
    %max3A_18 = arith.maximumf %add3A_16, %max3A_17 : vector<1024x256xf32>
    %convert_element_type3A_19 = arith.truncf %max3A_18 : vector<1024x256xf32> to vector<1024x256xbf16>
    %get3A_20 = arith.constant 0 : index
    %get3A_21 = arith.constant 0 : index
    %get3A_22 = vector.load %arg6[%get3A_20, %get3A_21] : memref<256x256xbf16, #tpu.memory_space<vmem>>, vector<256x256xbf16>
    %dot_general3A_23 = arith.constant dense<0.000000e+00> : vector<1024x256xf32>
    %dot_general3A_24 = tpu.matmul %convert_element_type3A_19, %get3A_22, %dot_general3A_23 {dimension_numbers = #tpu.dot_dimension_numbers<[1], [0], [0], [1], [0, 0, 1, 1], [], []>, transpose_lhs_hint = false} : vector<1024x256xbf16>, vector<256x256xbf16>, vector<1024x256xf32> -> vector<1024x256xf32>
    %get3A_25 = arith.constant 0 : index
    %get3A_26 = arith.constant 0 : index
    %get3A_27 = vector.load %arg7[%get3A_25, %get3A_26] : memref<1x256xf32, #tpu.memory_space<vmem>>, vector<1x256xf32>
    %add3A_28 = vector.broadcast %get3A_27 : vector<1x256xf32> to vector<1024x256xf32>
    %add3A_29 = arith.addf %dot_general3A_24, %add3A_28 : vector<1024x256xf32>
    %max3A_30 = arith.constant 0.000000e+00 : f32
    %max3A_31 = vector.broadcast %max3A_30 : f32 to vector<1024x256xf32>
    %max3A_32 = arith.maximumf %add3A_29, %max3A_31 : vector<1024x256xf32>
    %convert_element_type3A_33 = arith.truncf %max3A_32 : vector<1024x256xf32> to vector<1024x256xbf16>
    %get3A_34 = arith.constant 0 : index
    %get3A_35 = arith.constant 0 : index
    %get3A_36 = vector.load %arg8[%get3A_34, %get3A_35] : memref<256x256xbf16, #tpu.memory_space<vmem>>, vector<256x256xbf16>
    %dot_general3A_37 = arith.constant dense<0.000000e+00> : vector<1024x256xf32>
    %dot_general3A_38 = tpu.matmul %convert_element_type3A_33, %get3A_36, %dot_general3A_37 {dimension_numbers = #tpu.dot_dimension_numbers<[1], [0], [0], [1], [0, 0, 1, 1], [], []>, transpose_lhs_hint = false} : vector<1024x256xbf16>, vector<256x256xbf16>, vector<1024x256xf32> -> vector<1024x256xf32>
    %get3A_39 = arith.constant 0 : index
    %get3A_40 = arith.constant 0 : index
    %get3A_41 = vector.load %arg9[%get3A_39, %get3A_40] : memref<1x256xf32, #tpu.memory_space<vmem>>, vector<1x256xf32>
    %add3A_42 = vector.broadcast %get3A_41 : vector<1x256xf32> to vector<1024x256xf32>
    %add3A_43 = arith.addf %dot_general3A_38, %add3A_42 : vector<1024x256xf32>
    %reduce_sum3A = arith.constant dense<0.000000e+00> : vector<1024xf32>
    %reduce_sum3A_44 = vector.multi_reduction <add>, %add3A_43, %reduce_sum3A [1] : vector<1024x256xf32> to vector<1024xf32>
    %broadcast_in_dim3A = vector.shape_cast %reduce_sum3A_44 : vector<1024xf32> to vector<1024x1xf32>
    %div3A = arith.constant 2.560000e+02 : f32
    %div3A_45 = vector.broadcast %div3A : f32 to vector<1024x1xf32>
    %div3A_46 = arith.divf %broadcast_in_dim3A, %div3A_45 : vector<1024x1xf32>
    %sub3A = vector.broadcast %div3A_46 : vector<1024x1xf32> to vector<1024x256xf32>
    %sub3A_47 = arith.subf %add3A_43, %sub3A : vector<1024x256xf32>
    %mul3A = arith.mulf %sub3A_47, %sub3A_47 : vector<1024x256xf32>
    %reduce_sum3A_48 = arith.constant dense<0.000000e+00> : vector<1024xf32>
    %reduce_sum3A_49 = vector.multi_reduction <add>, %mul3A, %reduce_sum3A_48 [1] : vector<1024x256xf32> to vector<1024xf32>
    %broadcast_in_dim3A_50 = vector.shape_cast %reduce_sum3A_49 : vector<1024xf32> to vector<1024x1xf32>
    %div3A_51 = arith.constant 2.560000e+02 : f32
    %div3A_52 = vector.broadcast %div3A_51 : f32 to vector<1024x1xf32>
    %div3A_53 = arith.divf %broadcast_in_dim3A_50, %div3A_52 : vector<1024x1xf32>
    %get3A_54 = arith.constant 0 : index
    %get3A_55 = arith.constant 0 : index
    %get3A_56 = vector.load %arg10[%get3A_54, %get3A_55] : memref<1x256xf32, #tpu.memory_space<vmem>>, vector<1x256xf32>
    %add3A_57 = arith.constant 9.99999974E-6 : f32
    %add3A_58 = vector.broadcast %add3A_57 : f32 to vector<1024x1xf32>
    %add3A_59 = arith.addf %div3A_53, %add3A_58 : vector<1024x1xf32>
    %rsqrt3A = math.rsqrt %add3A_59 : vector<1024x1xf32>
    %mul3A_60 = vector.broadcast %rsqrt3A : vector<1024x1xf32> to vector<1024x256xf32>
    %mul3A_61 = arith.mulf %sub3A_47, %mul3A_60 : vector<1024x256xf32>
    %mul3A_62 = vector.broadcast %get3A_56 : vector<1x256xf32> to vector<1024x256xf32>
    %mul3A_63 = arith.mulf %mul3A_62, %mul3A_61 : vector<1024x256xf32>
    %get3A_64 = arith.constant 0 : index
    %get3A_65 = arith.constant 0 : index
    %get3A_66 = vector.load %arg11[%get3A_64, %get3A_65] : memref<1x256xf32, #tpu.memory_space<vmem>>, vector<1x256xf32>
    %add3A_67 = vector.broadcast %get3A_66 : vector<1x256xf32> to vector<1024x256xf32>
    %add3A_68 = arith.addf %mul3A_63, %add3A_67 : vector<1024x256xf32>
    %get3A_69 = arith.constant 0 : index
    %get3A_70 = arith.constant 0 : index
    %get3A_71 = arith.constant 0 : index
    %get3A_72 = vector.load %arg1[%get3A_69, %get3A_70, %get3A_71] : memref<2x1024x128xf32, #tpu.memory_space<vmem>>, vector<1x1024x128xf32>
    %get3A_73 = vector.shape_cast %get3A_72 : vector<1x1024x128xf32> to vector<1024x128xf32>
    %get3A_74 = arith.constant 1 : index
    %get3A_75 = arith.constant 0 : index
    %get3A_76 = arith.constant 0 : index
    %get3A_77 = vector.load %arg1[%get3A_74, %get3A_75, %get3A_76] : memref<2x1024x128xf32, #tpu.memory_space<vmem>>, vector<1x1024x128xf32>
    %get3A_78 = vector.shape_cast %get3A_77 : vector<1x1024x128xf32> to vector<1024x128xf32>
    %get3A_79 = arith.constant 0 : index
    %get3A_80 = arith.constant 0 : index
    %get3A_81 = arith.constant 0 : index
    %get3A_82 = vector.load %arg2[%get3A_79, %get3A_80, %get3A_81] : memref<2x1024x128xf32, #tpu.memory_space<vmem>>, vector<1x1024x128xf32>
    %get3A_83 = vector.shape_cast %get3A_82 : vector<1x1024x128xf32> to vector<1024x128xf32>
    %get3A_84 = arith.constant 1 : index
    %get3A_85 = arith.constant 0 : index
    %get3A_86 = arith.constant 0 : index
    %get3A_87 = vector.load %arg2[%get3A_84, %get3A_85, %get3A_86] : memref<2x1024x128xf32, #tpu.memory_space<vmem>>, vector<1x1024x128xf32>
    %get3A_88 = vector.shape_cast %get3A_87 : vector<1x1024x128xf32> to vector<1024x128xf32>
    %concatenate3A_89 = tpu.concatenate %get3A_73, %get3A_78, %get3A_83, %get3A_88, %add3A_68 in 1 : vector<1024x128xf32>, vector<1024x128xf32>, vector<1024x128xf32>, vector<1024x128xf32>, vector<1024x256xf32> -> vector<1024x768xf32>
    %convert_element_type3A_90 = arith.truncf %concatenate3A_89 : vector<1024x768xf32> to vector<1024x768xbf16>
    %get3A_91 = arith.constant 0 : index
    %get3A_92 = arith.constant 0 : index
    %get3A_93 = vector.load %arg13[%get3A_91, %get3A_92] : memref<768x512xbf16, #tpu.memory_space<vmem>>, vector<768x512xbf16>
    %dot_general3A_94 = arith.constant dense<0.000000e+00> : vector<1024x512xf32>
    %dot_general3A_95 = tpu.matmul %convert_element_type3A_90, %get3A_93, %dot_general3A_94 {dimension_numbers = #tpu.dot_dimension_numbers<[1], [0], [0], [1], [0, 0, 1, 1], [], []>, transpose_lhs_hint = false} : vector<1024x768xbf16>, vector<768x512xbf16>, vector<1024x512xf32> -> vector<1024x512xf32>
    %get3A_96 = arith.constant 0 : index
    %get3A_97 = arith.constant 0 : index
    %get3A_98 = vector.load %arg14[%get3A_96, %get3A_97] : memref<1x512xf32, #tpu.memory_space<vmem>>, vector<1x512xf32>
    %add3A_99 = vector.broadcast %get3A_98 : vector<1x512xf32> to vector<1024x512xf32>
    %add3A_100 = arith.addf %dot_general3A_95, %add3A_99 : vector<1024x512xf32>
    %max3A_101 = arith.constant 0.000000e+00 : f32
    %max3A_102 = vector.broadcast %max3A_101 : f32 to vector<1024x512xf32>
    %max3A_103 = arith.maximumf %add3A_100, %max3A_102 : vector<1024x512xf32>
    %convert_element_type3A_104 = arith.truncf %max3A_103 : vector<1024x512xf32> to vector<1024x512xbf16>
    %get3A_105 = arith.constant 0 : index
    %get3A_106 = arith.constant 0 : index
    %get3A_107 = vector.load %arg15[%get3A_105, %get3A_106] : memref<512x256xbf16, #tpu.memory_space<vmem>>, vector<512x256xbf16>
    %dot_general3A_108 = arith.constant dense<0.000000e+00> : vector<1024x256xf32>
    %dot_general3A_109 = tpu.matmul %convert_element_type3A_104, %get3A_107, %dot_general3A_108 {dimension_numbers = #tpu.dot_dimension_numbers<[1], [0], [0], [1], [0, 0, 1, 1], [], []>, transpose_lhs_hint = false} : vector<1024x512xbf16>, vector<512x256xbf16>, vector<1024x256xf32> -> vector<1024x256xf32>
    %get3A_110 = arith.constant 0 : index
    %get3A_111 = arith.constant 0 : index
    %get3A_112 = vector.load %arg16[%get3A_110, %get3A_111] : memref<1x256xf32, #tpu.memory_space<vmem>>, vector<1x256xf32>
    %add3A_113 = vector.broadcast %get3A_112 : vector<1x256xf32> to vector<1024x256xf32>
    %add3A_114 = arith.addf %dot_general3A_109, %add3A_113 : vector<1024x256xf32>
    %get3A_115 = arith.constant 0 : index
    %get3A_116 = arith.constant 4 : index
    %get3A_117 = vector.load %arg12[%get3A_115, %get3A_116] : memref<1024x8xi32, #tpu.memory_space<vmem>>, vector<1024x1xi32>
    %iota3A = tpu.iota {dimensions = array<i32: 1>} : vector<1024x256xi32>
    %eq3A = vector.broadcast %get3A_117 : vector<1024x1xi32> to vector<1024x256xi32>
    %eq3A_118 = arith.cmpi eq, %eq3A, %iota3A : vector<1024x256xi32>
    %convert_element_type3A_119 = arith.extui %eq3A_118 : vector<1024x256xi1> to vector<1024x256xi32>
    %convert_element_type3A_120 = arith.sitofp %convert_element_type3A_119 : vector<1024x256xi32> to vector<1024x256xf32>
    %convert_element_type3A_121 = arith.truncf %convert_element_type3A_120 : vector<1024x256xf32> to vector<1024x256xbf16>
    %convert_element_type3A_122 = arith.truncf %add3A_114 : vector<1024x256xf32> to vector<1024x256xbf16>
    %dot_general3A_123 = arith.constant dense<0.000000e+00> : vector<256x256xf32>
    %dot_general3A_124 = tpu.matmul %convert_element_type3A_121, %convert_element_type3A_122, %dot_general3A_123 {dimension_numbers = #tpu.dot_dimension_numbers<[0], [0], [1], [1], [0, 1, 1, 1], [], []>, transpose_lhs_hint = false} : vector<1024x256xbf16>, vector<1024x256xbf16>, vector<256x256xf32> -> vector<256x256xf32>
    %eq3A_125 = arith.constant 0 : i32
    %eq3A_126 = arith.cmpi eq, %arg0, %eq3A_125 : i32
    %convert_element_type3A_127 = arith.extui %eq3A_126 : i1 to i32
    %cond3A = arith.constant 0 : i32
    %cond3A_128 = arith.cmpi ne, %convert_element_type3A_127, %cond3A : i32
    scf.if %cond3A_128 {
      %broadcast_in_dim3A_135 = arith.constant 0.000000e+00 : f32
      %broadcast_in_dim3A_136 = vector.broadcast %broadcast_in_dim3A_135 : f32 to vector<256x256xf32>
      %swap3A_137 = arith.constant 0 : index
      %swap3A_138 = arith.constant 0 : index
      %swap3A_139 = vector.load %arg17[%swap3A_137, %swap3A_138] : memref<256x256xf32, #tpu.memory_space<vmem>>, vector<256x256xf32>
      tpu.vector_store %arg17[%swap3A_137, %swap3A_138], %broadcast_in_dim3A_136 {strides = array<i32>} : memref<256x256xf32, #tpu.memory_space<vmem>>, vector<256x256xf32>,
    } else {
    }
    %get3A_129 = arith.constant 0 : index
    %get3A_130 = arith.constant 0 : index
    %get3A_131 = vector.load %arg17[%get3A_129, %get3A_130] : memref<256x256xf32, #tpu.memory_space<vmem>>, vector<256x256xf32>
    %add3A_132 = arith.addf %get3A_131, %dot_general3A_124 : vector<256x256xf32>
    %swap3A = arith.constant 0 : index
    %swap3A_133 = arith.constant 0 : index
    %swap3A_134 = vector.load %arg17[%swap3A, %swap3A_133] : memref<256x256xf32, #tpu.memory_space<vmem>>, vector<256x256xf32>
    tpu.vector_store %arg17[%swap3A, %swap3A_133], %add3A_132 {strides = array<i32>} : memref<256x256xf32, #tpu.memory_space<vmem>>, vector<256x256xf32>,
    return
  }
  func.func @transform_0(%arg0: i32) -> (i32, i32, i32) {
    %c0_i32 = arith.constant 0 : i32
    %c0_i32_0 = arith.constant 0 : i32
    %c0_i32_1 = arith.constant 0 : i32
    return %c0_i32, %arg0, %c0_i32_0 : i32, i32, i32
  }
  func.func @transform_1(%arg0: i32) -> (i32, i32, i32) {
    %c0_i32 = arith.constant 0 : i32
    %c0_i32_0 = arith.constant 0 : i32
    %c0_i32_1 = arith.constant 0 : i32
    return %c0_i32, %arg0, %c0_i32_0 : i32, i32, i32
  }
  func.func @transform_2(%arg0: i32) -> (i32, i32, i32) {
    %c0_i32 = arith.constant 0 : i32
    %c0_i32_0 = arith.constant 0 : i32
    %c0_i32_1 = arith.constant 0 : i32
    return %c0_i32, %arg0, %c0_i32_0 : i32, i32, i32
  }
  func.func @transform_3(%arg0: i32) -> (i32, i32) {
    %c0_i32 = arith.constant 0 : i32
    %c0_i32_0 = arith.constant 0 : i32
    %c0_i32_1 = arith.constant 0 : i32
    return %c0_i32, %c0_i32_0 : i32, i32
  }
  func.func @transform_4(%arg0: i32) -> (i32, i32) {
    %c0_i32 = arith.constant 0 : i32
    %c0_i32_0 = arith.constant 0 : i32
    %c0_i32_1 = arith.constant 0 : i32
    return %c0_i32, %c0_i32_0 : i32, i32
  }
  func.func @transform_5(%arg0: i32) -> (i32, i32) {
    %c0_i32 = arith.constant 0 : i32
    %c0_i32_0 = arith.constant 0 : i32
    %c0_i32_1 = arith.constant 0 : i32
    return %c0_i32, %c0_i32_0 : i32, i32
  }
  func.func @transform_6(%arg0: i32) -> (i32, i32) {
    %c0_i32 = arith.constant 0 : i32
    %c0_i32_0 = arith.constant 0 : i32
    %c0_i32_1 = arith.constant 0 : i32
    return %c0_i32, %c0_i32_0 : i32, i32
  }
  func.func @transform_7(%arg0: i32) -> (i32, i32) {
    %c0_i32 = arith.constant 0 : i32
    %c0_i32_0 = arith.constant 0 : i32
    %c0_i32_1 = arith.constant 0 : i32
    return %c0_i32, %c0_i32_0 : i32, i32
  }
  func.func @transform_8(%arg0: i32) -> (i32, i32) {
    %c0_i32 = arith.constant 0 : i32
    %c0_i32_0 = arith.constant 0 : i32
    %c0_i32_1 = arith.constant 0 : i32
    return %c0_i32, %c0_i32_0 : i32, i32
  }
  func.func @transform_9(%arg0: i32) -> (i32, i32) {
    %c0_i32 = arith.constant 0 : i32
    %c0_i32_0 = arith.constant 0 : i32
    %c0_i32_1 = arith.constant 0 : i32
    return %c0_i32, %c0_i32_0 : i32, i32
  }
  func.func @transform_10(%arg0: i32) -> (i32, i32) {
    %c0_i32 = arith.constant 0 : i32
    %c0_i32_0 = arith.constant 0 : i32
    %c0_i32_1 = arith.constant 0 : i32
    return %c0_i32, %c0_i32_0 : i32, i32
  }
  func.func @transform_11(%arg0: i32) -> (i32, i32) {
    %c0_i32 = arith.constant 0 : i32
    %c0_i32_0 = arith.constant 0 : i32
    return %arg0, %c0_i32 : i32, i32
  }
  func.func @transform_12(%arg0: i32) -> (i32, i32) {
    %c0_i32 = arith.constant 0 : i32
    %c0_i32_0 = arith.constant 0 : i32
    %c0_i32_1 = arith.constant 0 : i32
    return %c0_i32, %c0_i32_0 : i32, i32
  }
  func.func @transform_13(%arg0: i32) -> (i32, i32) {
    %c0_i32 = arith.constant 0 : i32
    %c0_i32_0 = arith.constant 0 : i32
    %c0_i32_1 = arith.constant 0 : i32
    return %c0_i32, %c0_i32_0 : i32, i32
  }
  func.func @transform_14(%arg0: i32) -> (i32, i32) {
    %c0_i32 = arith.constant 0 : i32
    %c0_i32_0 = arith.constant 0 : i32
    %c0_i32_1 = arith.constant 0 : i32
    return %c0_i32, %c0_i32_0 : i32, i32
  }
  func.func @transform_15(%arg0: i32) -> (i32, i32) {
    %c0_i32 = arith.constant 0 : i32
    %c0_i32_0 = arith.constant 0 : i32
    %c0_i32_1 = arith.constant 0 : i32
    return %c0_i32, %c0_i32_0 : i32, i32
  }
  func.func @transform_16(%arg0: i32) -> (i32, i32) {
    %c0_i32 = arith.constant 0 : i32
    %c0_i32_0 = arith.constant 0 : i32
    %c0_i32_1 = arith.constant 0 : i32
    return %c0_i32, %c0_i32_0 : i32, i32
  }
}

</mosaic_0001>

<sc_bundles>
// kernel: kernel.12.cloned.1.call-start
scs
__scs_entry_jumppad:
0x0: {  	(pc) =	sbr.rel $0x88, $3  }
0x1: {  	(tag) =	ssettag $0x0;
	lr =	simm.s32 $0x1  }
0x2: {  	[smem:$0x3F87] =	sst lr;
	_ =	strace $0xD0000000  }
0x3: {  	_ = 	snop  }
0x4: {  	_ = 	snop  }
0x5: {  	_ = 	snop  }
0x6: {  	_ = 	snop  }
0x7: {  	_ = 	snop  }
__scs_overlays_trampoline_lowered:
0x8: {  	[smem:$0x3F96] =	sst s0  }
0x9: {  	[smem:$0x3F97] =	sst s1  }
0xa: {  	[smem:$0x3F98] =	sst s2  }
0xb: {  	[smem:$0x3F99] =	sst s3  }
0xc: {  	[smem:$0x3F9A] =	sst s4  }
0xd: {  	[smem:$0x3F9B] =	sst s5  }
0xe: {  	[smem:$0x3F9C] =	sst s6  }
0xf: {  	[smem:$0x3F9D] =	sst s7  }
0x10: {  	[smem:$0x3F9E] =	sst s8  }
0x11: {  	[smem:$0x3F9F] =	sst s9;
	s0 =	simm.s32 @!p0 $0x0  }
0x12: {  	s1 =	sld [smem:$0x3F85];
	s0 =	simm.s32 @p0 $0x1  }
0x13: {  	[smem:$0x3FA0] =	sst s0;
	s0 =	simm.s32 @!p1 $0x0  }
0x14: {  	s2 =	sld [smem:$0x3F84];
	s0 =	simm.s32 @p1 $0x1  }
0x15: {  	[smem:$0x3FA1] =	sst s0;
	s0 =	simm.s32 @!p2 $0x0  }
0x16: {  	s3 =	sld [smem:$0x3FDB];
	s0 =	simm.s32 @p2 $0x1  }
0x17: {  	s4 =	simm.s32 $0x1BF5;
	[smem:$0x3FA3] =	sst s0  }
0x18: {  	s0 =	sld [smem:$0x3F86];
	_ =	swait.ge [sflag:s4], $0x0  }
0x19: {  	s7 =	sld [smem:$0x3F87]  }
0x1a: {  	s8 =	sadd.s32 $0xFFFFE003, lr  }
0x1b: {  	s9 =	sadd.s32 $0xFFFFFEF7, lr;
	s5 =	simm.s32 $0xFFFFFFFF;
	p2 =	slt.u32 s8, $0xFFFFF086  }
0x1c: {  	p1 =	slt.u32 s9, $0xF7A;
	s5 =	simm.s32 @!p2 $0x0  }
0x1d: {  	s5 =	simm.s32 @p1 $0x1;
	p0 =	seq.s32 s7, s2  }
0x1e: {  	s7 =	smul.u32 @!p0 $0xF7A, s2;
	p2 =	seq.s32 @!p0 s5, $0x0  }
0x1f: {  	s9 =	smul.u32 $0xF7A, s1;
	s8 =	simm.s32 @!p0 $0x1BF5;
	p2 =	por !p2, p0  }
0x20: {  	[sflag:s8] =	ssyncset.s32 @!p0 $0xFFFFF086;
	s6 =	sadd.s32 @!p0 s3, s7;
	s7 =	simm.s32 @!p0 $0x108  }
0x21: {  	s3 =	sadd.s32 s3, s9;
	s6 =	sadd.s32 @!p0 $0x88, s6;
	s7 =	simm.s32 @p2 $0x1082  }
0x22: {  	[simem:s7], [sflag:s8] =	dma.local @!p0 [hbm:s6], $0xF7A  }
0x23: {  	s9 =	sor.u32 $0xD0000000, s2;
	s6 =	simm.s32 $0x108;
	_ =	swait.ge @!p0 [sflag:s8], $0x0  }
0x24: {  	s3 =	sadd.s32 $0x88, s3;
	s6 =	simm.s32 @!p1 $0x1082;
	[sflag:s4] =	ssyncset.s32 $0xFFFFF086  }
0x25: {  	[simem:s6], [sflag:s4] =	dma.local [hbm:s3], $0xF7A  }
0x26: {  	[smem:$0x3F87] =	sst s1;
	(tag) =	ssettag s2;
	_ =	strace s9  }
0x27: {  	s1 =	sld [smem:$0x3F97]  }
0x28: {  	s2 =	sld [smem:$0x3F98]  }
0x29: {  	s4 =	sld [smem:$0x3F9A]  }
0x2a: {  	p0 =	seq.s32 s5, $0x0;
	s5 =	sld [smem:$0x3F9B]  }
0x2b: {  	s6 =	sld [smem:$0x3F9C]  }
0x2c: {  	s7 =	sld [smem:$0x3F9D]  }
0x2d: {  	s3 =	simm.s32 $0x108;
	s8 =	sld [smem:$0x3F9E]  }
0x2e: {  	s3 =	simm.s32 @!p0 $0x1082;
	s9 =	sld [smem:$0x3F9F]  }
0x2f: {  	lr =	sadd.s32 s0, s3;
	s0 =	sld [smem:$0x3F96]  }
0x30: {  	s3 =	sld [smem:$0x3F99]  }
0x31: {  	[smem:$0x3FA2] =	sst s10  }
0x32: {  	s10 =	sld [smem:$0x3FA0];
	_ =	sdelay $0x3  }
0x33: {  	p0 =	seq.s32 s10, $0x1;
	s10 =	sld [smem:$0x3FA2];
	_ =	sdelay $0x3  }
0x34: {  	[smem:$0x3FA2] =	sst s10  }
0x35: {  	s10 =	sld [smem:$0x3FA1];
	_ =	sdelay $0x3  }
0x36: {  	p1 =	seq.s32 s10, $0x1;
	s10 =	sld [smem:$0x3FA2];
	_ =	sdelay $0x3  }
0x37: {  	[smem:$0x3FA2] =	sst s10  }
0x38: {  	s10 =	sld [smem:$0x3FA3]  }
0x39: {  	_ = 	snop;
	(pc) =	sbr.ind lr, $3  }
0x3a: {  	_ = 	snop  }
0x3b: {  	_ = 	snop  }
0x3c: {  	p2 =	seq.s32 s10, $0x1;
	s10 =	sld [smem:$0x3FA2]  }
0x3d: {  	_ =	shalt  }
0x3e: {  	_ =	shalt  }
0x3f: {  	_ =	shalt  }
0x40: {  	_ =	shalt  }
0x41: {  	_ =	shalt  }
0x42: {  	_ =	shalt  }
0x43: {  	_ =	shalt  }
0x44: {  	_ =	shalt  }
0x45: {  	_ =	shalt  }
0x46: {  	_ =	shalt  }
0x47: {  	_ =	shalt  }
0x48: {  	_ =	shalt  }
0x49: {  	_ =	shalt  }
0x4a: {  	_ =	shalt  }
0x4b: {  	_ =	shalt  }
0x4c: {  	_ =	shalt  }
0x4d: {  	_ =	shalt  }
0x4e: {  	_ =	shalt  }
0x4f: {  	_ =	shalt  }
0x50: {  	_ =	shalt  }
0x51: {  	_ =	shalt  }
0x52: {  	_ =	shalt  }
0x53: {  	_ =	shalt  }
0x54: {  	_ =	shalt  }
0x55: {  	_ =	shalt  }
0x56: {  	_ =	shalt  }
0x57: {  	_ =	shalt  }
0x58: {  	_ =	shalt  }
0x59: {  	_ =	shalt  }
0x5a: {  	_ =	shalt  }
0x5b: {  	_ =	shalt  }
0x5c: {  	_ =	shalt  }
0x5d: {  	_ =	shalt  }
0x5e: {  	_ =	shalt  }
0x5f: {  	_ =	shalt  }
0x60: {  	_ =	shalt  }
0x61: {  	_ =	shalt  }
0x62: {  	_ =	shalt  }
0x63: {  	_ =	shalt  }
0x64: {  	_ =	shalt  }
0x65: {  	_ =	shalt  }
0x66: {  	_ =	shalt  }
0x67: {  	_ =	shalt  }
0x68: {  	_ =	shalt  }
0x69: {  	_ =	shalt  }
0x6a: {  	_ =	shalt  }
0x6b: {  	_ =	shalt  }
0x6c: {  	_ =	shalt  }
0x6d: {  	_ =	shalt  }
0x6e: {  	_ =	shalt  }
0x6f: {  	_ =	shalt  }
0x70: {  	_ =	shalt  }
0x71: {  	_ =	shalt  }
0x72: {  	_ =	shalt  }
0x73: {  	_ =	shalt  }
0x74: {  	_ =	shalt  }
0x75: {  	_ =	shalt  }
0x76: {  	_ =	shalt  }
0x77: {  	_ =	shalt  }
0x78: {  	_ =	shalt  }
0x79: {  	_ =	shalt  }
0x7a: {  	_ =	shalt  }
0x7b: {  	_ =	shalt  }
0x7c: {  	_ =	shalt  }
0x7d: {  	_ =	shalt  }
0x7e: {  	_ =	shalt  }
0x7f: {  	_ =	shalt  }
0x80: {  	_ =	shalt  }
0x81: {  	_ =	shalt  }
0x82: {  	_ =	shalt  }
0x83: {  	_ =	shalt  }
0x84: {  	_ =	shalt  }
0x85: {  	_ =	shalt  }
0x86: {  	_ =	shalt  }
0x87: {  	_ =	shalt  }
.Lfunc_end0:
.L_simem_size_0:
called_computation.1_lowered:
.L_overlay_start_0:
0x88: {  	s2 =	sld [smem:$0x3FD9]  }
0x89: {  	s3 =	sld [smem:$0x3FFE];
	_ =	sdelay $0x1  }
0x8a: {  	s1 =	srdreg.scid  }
0x8b: {  	s0 =	sand.u32 $0x1, s1  }
0x8c: {  	s16 =	sshll.u32 s0, $0xA;
	s2 =	sadd.s32 s3, s2  }
0x8d: {  	s2 =	sadd.s32 s2, s16  }
0x8e: {  	[smem:$0x3FAE] =	sst s2  }
0x8f: {  	_ = 	snop  }
0x90: {  	(tm) =	ssettm $0x1  }
0x91: {  	s17 =	sld [smem:$0x3FFB];
	_ =	sdelay $0x3  }
0x92: {  	_ =	strace s17  }
0x93: {  	s2 =	sld [smem:$0x3FFC];
	_ =	sdelay $0x3  }
0x94: {  	_ =	strace s2  }
0x95: {  	s2 =	sld [smem:$0x3FFD];
	_ =	sdelay $0x3  }
0x96: {  	_ =	strace s2  }
0x97: {  	_ =	strace $0x8FFFFFFF  }
0x98: {  	s18 =	sld [smem:$0x3FDB];
	_ =	sdelay $0x1  }
0x99: {  	s19 =	simm.s32 $_scs_section_size  }
0x9a: {  	s4 =	simm.s32 $_size__tile_overlayer_lowered;
	s5 =	simm.s32 $_tile_overlayer_lowered  }
0x9b: {  	s22 =	simm.s32 $0x1BFF;
	s21 =	sshll.u32 s5, $0x1;
	s2 =	sadd.s32 s19, s18  }
0x9c: {  	s6 =	simm.s32 $0x0;
	s20 =	sshll.u32 s4, $0x1;
	s4 =	sadd.s32 s21, s2  }
0x9d: {  	[timem:s6], [sflag:s22] =	dma.local [hbm:s4], s20  }
0x9e: {  	_ =	swait.ge [sflag:s22], s20  }
0x9f: {  	s3 =	ssub.s32 $0x0, s20;
	[sflag:s22] =	ssyncset.done $0x0  }
0xa0: {  	[sflag:s22] =	ssyncadd.s32 s3;
	_ =	sdelay $0x1  }
0xa1: {  	s23 =	simm.s32 $0x1B8B  }
0xa2: {  	_ =	swait.ge [sflag:s23], $0x1  }
0xa3: {  	[sflag:s23] =	ssyncset.done $0x0  }
0xa4: {  	s25 =	simm.s32 $0x1B8E;
	s24 =	sld [smem:$0x3FFE];
	[sflag:s23] =	ssyncadd.s32 $0xFFFFFFFF  }
0xa5: {  	s26 =	simm.s32 $execute0_lowered;
	[smem:$0x3FD2] =	sst s25  }
0xa6: {  	s4 =	sshll.u32 s26, $0x1;
	_ =	strace $0x80000049;
	[dreg:$0x1] =	wrdreg $0xFFFFFFFF  }
0xa7: {  	s28 =	simm.s32 $_size_execute0_lowered;
	s2 =	sadd.s32 s2, s4;
	[dreg:$0x0] =	wrdreg $0x0  }
0xa8: {  	s4 =	sshll.u32 s28, $0x1;
	[dreg:$0x2] =	wrdreg s2  }
0xa9: {  	[dreg:$0x3] =	wrdreg s4  }
0xaa: {  	[dreg:$0x4] =	wrdreg $0xC0  }
0xab: {  	_ =	task [dreg:s6], $0x5FFFF  }
0xac: {  	[dreg:$0x1] =	wrdreg $0xFFFFFFFF  }
0xad: {  	[dreg:$0x0] =	wrdreg $0x60  }
0xae: {  	[dreg:$0x2] =	wrdreg s24  }
0xaf: {  	[dreg:$0x3] =	wrdreg $0xA8000  }
0xb0: {  	[dreg:$0x4] =	wrdreg $0x9  }
0xb1: {  	_ =	task.clear_ibuf [dreg:s6], $0x5FFFF;
	_ =	strace $0x90000049  }
0xb2: {  	s29 =	simm.s32 $0x9;
	_ =	strace $0x8000004B  }
0xb3: {  	_ =	swait.ge [sflag:s29], $0x1  }
0xb4: {  	[sflag:s29] =	ssyncadd.s32 $0xFFFFFFFF  }
0xb5: {  	_ =	strace $0x9000004B  }
0xb6: {  	_ =	sfence  }
0xb7: {  	s30 =	sld [smem:$0x0];
	_ =	sdelay $0x2  }
0xb8: {  	s31 =	sshll.u32 s1, $0xD;
	s1 =	sshrl.u32 s1, $0x2  }
0xb9: {  	s3 =	sand.u32 $0x4000, s31;
	s1 =	sadd.s32 s1, s30  }
0xba: {  	s0 =	sor.u32 s3, s0;
	s1 =	sshll.u32 s1, $0x11  }
0xbb: {  	s0 =	sor.u32 s1, s0  }
0xbc: {  	s0 =	sadd.s32 $0x8F2B, s0  }
0xbd: {  	[sflag:s0] =	ssyncadd.remote.s32 $0x1  }
0xbe: {  	_ =	sfence.sel $0xFFFF  }
0xbf: {  	[dreg:$0x0] =	wrdreg $0xFFFFFFFF;
	(pc) =	sbr.abs _section_cstart, $3  }
0xc0: {  	[dreg:$0x1] =	wrdreg $0xFFFFFFFF  }
0xc1: {  	_ =	task.clear_ibuf [dreg:s6], $0x2FFFF;
	_ =	strace $0x9FFFFFFF  }
0xc2: {  	(tm) =	ssettm $0x7FFFFFFF  }
0xc3: {  	_ =	shalt  }
tec
execute0_lowered:
.L_overlay_start_1:
0x0: {  	(tag) =	ssettag $0x1  }
0x1: {  	s5 =	rddreg [dreg:$0x0]  }
0x2: {  	s1 =	rddreg [dreg:$0x1];
	s2 =	srdreg.scid  }
0x3: {  	s0 =	rddreg [dreg:$0x2];
	s3 =	simm.s32 $0x0;
	s16 =	simm.s32 $0x80  }
0x4: {  	s17 =	simm.s32 $0x2800;
	s18 =	simm.s32 $0x6800;
	s19 =	simm.s32 $0x1  }
0x5: {  	s20 =	simm.s32 $0x2;
	s21 =	simm.s32 $0x1380;
	s6 =	sand.u32 $0x1, s2  }
0x6: {  	s23 =	simm.s32 $0x2780;
	s2 =	stileid.u32;
	s22 =	smul.u32 $0x2800, s6  }
0x7: {  	s24 =	simm.s32 $0x0;
	[smem:$0x7FF] =	sst s3;
	s7 =	smul.u32 $0x280, s2  }
0x8: {  	s4 =	sadd.s32 $0xDC00, s5;
	s9 =	sadd.s32 $0x3C00, s5;
	s8 =	smul.u32 $0x50000, s2  }
0x9: {  	s10 =	sadd.s32 $0x8C00, s5;
	_ =	strace $0x8000004A;
	s12 =	smul.u32 $0x2800, s2  }
0xa: {  	s6 =	ssub.s32 $0x2, s6;
	s29 =	sshll.u32 s2, $0x6;
	s30 =	smul.u32 $0x500, s2  }
0xb: {  	s11 =	sshrl.u32 s6, $0x1;
	s7 =	sadd.s32 s7, s22;
	s8 =	sshrl.u32 s8, $0x2  }
0xc: {  	s14 =	ssub.s32 s6, s11;
	s31 =	sshrl.u32 s12, $0x3;
	s6 =	sor.u32 $0x1C03, s29  }
0xd: {  	v0 =	vmov s22;
	s22 =	simm.s32 $0x2700;
	s7 =	sshll.u32 s7, $0x4;
	s15 =	sadd.s32 s8, s1  }
0xe: {  	s11 =	sadd.s32 $0x280, s31;
	s8 =	sadd.s32 s10, s30;
	s12 =	smax.u32 s14, $0x1  }
0xf: {  	s14 =	simm.s32 $0x3;
	s13 =	sadd.s32 s7, s5;
	s5 =	sadd.s32 s4, s7  }
0x10: {  	s7 =	sadd.s32 s9, s30;
	s9 =	sadd.s32 s9, s11;
	s10 =	sadd.s32 s10, s11  }
0x11: {  	s11 =	sadd.s32 $0x5DC00, s13;
	s13 =	sshrl.u32 s15, $0x3;
	s15 =	simm.s32 $0x1400  }
.LBB2_1:
0x12: {  	[spmem:s13], [sflag:s6] =	dma.local [hbm:s5], $0x2800  }
0x13: {  	_ =	swait.ge [sflag:s14], $0x2800  }
0x14: {  	[sflag:s14] =	ssyncset.done $0x0  }
0x15: {  	[sflag:s14] =	ssyncadd.s32 $0xFFFFD800  }
0x16: {  	[bflag:$0x0] =	sbarrier.arrive $0xFFFF  }
0x17: {  	[tilespmem:s3], [sflag:$0x3] =	stream.linear.gather [hbm4b:s7+s3], $0x1400, $0x38;
	[tilespmem:$0x1E800] =	vst v63  }
0x18: {  	_ =	swait.ge [sflag:s14], $0x1400  }
0x19: {  	[sflag:s14] =	ssyncset.done $0x0  }
0x1a: {  	[sflag:s14] =	ssyncadd.s32 $0xFFFFEC00  }
0x1b: {  	[tilespmem:s15], [sflag:$0x3] =	stream.linear.gather [hbm4b:s8+s3], $0x1400, $0x38;
	[tilespmem:$0x1E800] =	vst v63  }
0x1c: {  	_ =	swait.ge [sflag:s14], $0x1400  }
0x1d: {  	[sflag:s14] =	ssyncset.done $0x0  }
0x1e: {  	s25 =	simm.s32 $0x70;
	[sflag:s14] =	ssyncadd.s32 $0xFFFFEC00  }
0x1f: {  	v3 =	vld [tilespmem:s25+$0xFFFFFF90]  }
0x20: {  	v5 =	vld [tilespmem:s25+$0xFFFFFFA0]  }
0x21: {  	v4 =	vld [tilespmem:s25+$0xFFFFFFB0]  }
0x22: {  	v2 =	vld [tilespmem:s25+$0xFFFFFFC0]  }
0x23: {  	v1 =	vld [tilespmem:s25+$0xFFFFFFD0]  }
0x24: {  	s26 =	simm.s32 $0x3C0;
	v6 =	vadd.s32 v0, v3;
	v3 =	vld [tilespmem:s25+$0xFFFFFFE0]  }
.LBB2_2:
0x25: {  	p0 =	sne.s32 s26, $0x4FC0;
	[tilespmem:s25+$0xFFFFFF90] =	vst v6;
	v5 =	vadd.s32 v0, v5;
	v6 =	vld [tilespmem:s25+$0x0]  }
0x26: {  	s28 =	sshra.s32 s26, $0x2;
	[tilespmem:s25+$0xFFFFFFA0] =	vst v5;
	v4 =	vadd.s32 v0, v4;
	v7 =	vld [tilespmem:s25+$0xFFFFFFF0]  }
0x27: {  	v8 =	vld [tilespmem:s28+$0xFFFFFF90];
	[tilespmem:s25+$0xFFFFFFB0] =	vst v4;
	v2 =	vadd.s32 v0, v2  }
.Ltmp0:
0x28: {  	v5 =	vld [tilespmem:s28+$0xFFFFFFA0];
	[tilespmem:s25+$0xFFFFFFC0] =	vst v2;
	v1 =	vadd.s32 v0, v1;
	(pc) =	sbr.rel @p0 .LBB2_2-.Ltmp0, $4  }
0x29: {  	v4 =	vld [tilespmem:s28+$0xFFFFFFB0];
	[tilespmem:s25+$0xFFFFFFD0] =	vst v1;
	v1 =	vadd.s32 v0, v3  }
0x2a: {  	v2 =	vld [tilespmem:s28+$0xFFFFFFC0];
	[tilespmem:s25+$0xFFFFFFE0] =	vst v1;
	v3 =	vadd.s32 v0, v6  }
0x2b: {  	v1 =	vld [tilespmem:s28+$0xFFFFFFD0];
	v7 =	vadd.s32 v0, v7;
	[tilespmem:s25+$0x0] =	vst v3  }
0x2c: {  	s26 =	sadd.s32 $0x200, s26;
	v6 =	vadd.s32 v0, v8;
	v3 =	vld [tilespmem:s28+$0xFFFFFFE0];
	[tilespmem:s25+$0xFFFFFFF0] =	vst v7;
	s25 =	smov.u32 s28  }
0x2d: {  	[tilespmem:s25+$0xFFFFFF90] =	vst v6;
	v5 =	vadd.s32 v0, v5;
	v62 =	vld [tilespmem:s25+$0x0]  }
0x2e: {  	v63 =	vld [tilespmem:s25+$0xFFFFFFF0];
	[tilespmem:s25+$0xFFFFFFA0] =	vst v5;
	v4 =	vadd.s32 v0, v4  }
0x2f: {  	[tilespmem:s25+$0xFFFFFFB0] =	vst v4;
	v2 =	vadd.s32 v0, v2  }
0x30: {  	[tilespmem:s25+$0xFFFFFFC0] =	vst v2;
	v1 =	vadd.s32 v0, v1  }
0x31: {  	[tilespmem:s25+$0xFFFFFFD0] =	vst v1;
	v1 =	vadd.s32 v0, v3  }
0x32: {  	[tilespmem:s25+$0xFFFFFFE0] =	vst v1;
	v1 =	vadd.s32 v0, v62  }
0x33: {  	v2 =	vadd.s32 v0, v63;
	[tilespmem:s25+$0x0] =	vst v1  }
0x34: {  	s26 =	simm.s32 $0x0;
	[tilespmem:s25+$0xFFFFFFF0] =	vst v2  }
0x35: {  	[tilespmem:s17], [sflag:$0x1] =	stream.indirect.gather [hbm4b:s4+s16], $0x80, s26, s16, $0xb8;
	[tilespmem:$0x1E800] =	vst v63  }
0x36: {  	s28 =	simm.s32 $0x80  }
0x37: {  	[tilespmem:s18], [sflag:$0x2] =	stream.indirect.gather [hbm4b:s4+s16], $0x80, s28, s16, $0xb8;
	[tilespmem:$0x1E800] =	vst v63  }
0x38: {  	_ =	swait.ge [sflag:s19], $0x4000  }
0x39: {  	[sflag:s19] =	ssyncset.done $0x0  }
0x3a: {  	s29 =	simm.s32 $0x1400;
	[sflag:s19] =	ssyncadd.s32 $0xFFFFC000  }
0x3b: {  	[spmem:s1] =	stream.indirect.scatter.add.f32 [tilespmem:s17], [sflag:$0x3], $0x80, s29, s16, $0xb8;
	[tilespmem:$0x1E800] =	vst v63  }
0x3c: {  	_ =	swait.ge [sflag:s14], $0x4000  }
0x3d: {  	[sflag:s14] =	ssyncset.done $0x0  }
0x3e: {  	s30 =	simm.s32 $0x100;
	[sflag:s14] =	ssyncadd.s32 $0xFFFFC000  }
0x3f: {  	[tilespmem:s17], [sflag:$0x1] =	stream.indirect.gather [hbm4b:s4+s16], $0x80, s30, s16, $0xb8;
	[tilespmem:$0x1E800] =	vst v63  }
0x40: {  	_ =	swait.ge [sflag:s20], $0x4000  }
0x41: {  	[sflag:s20] =	ssyncset.done $0x0  }
0x42: {  	s31 =	simm.s32 $0x1480;
	[sflag:s20] =	ssyncadd.s32 $0xFFFFC000  }
0x43: {  	[spmem:s1] =	stream.indirect.scatter.add.f32 [tilespmem:s18], [sflag:$0x3], $0x80, s31, s16, $0xb8;
	[tilespmem:$0x1E800] =	vst v63  }
0x44: {  	_ =	swait.ge [sflag:s14], $0x4000  }
0x45: {  	s25 =	simm.s32 $0x100;
	s26 =	simm.s32 $0x800;
	[sflag:s14] =	ssyncset.done $0x0  }
.LBB2_4:
0x46: {  	s28 =	sadd.s32 $0x80, s25  }
0x47: {  	[sflag:s14] =	ssyncadd.s32 $0xFFFFC000;
	s29 =	smov.u32 s26;
	s30 =	sadd.s32 $0x400, s26  }
0x48: {  	[tilespmem:s18], [sflag:$0x2] =	stream.indirect.gather [hbm4b:s4+s16], $0x80, s28, s16, $0xb8;
	[tilespmem:$0x1E800] =	vst v63  }
0x49: {  	p0 =	sne.s32 s26, $0x4800;
	_ =	swait.ge [sflag:s19], $0x4000  }
0x4a: {  	[sflag:s19] =	ssyncset.done $0x0  }
0x4b: {  	s26 =	sadd.s32 $0x1400, s25;
	[sflag:s19] =	ssyncadd.s32 $0xFFFFC000  }
0x4c: {  	[spmem:s1] =	stream.indirect.scatter.add.f32 [tilespmem:s17], [sflag:$0x3], $0x80, s26, s16, $0xb8;
	[tilespmem:$0x1E800] =	vst v63  }
0x4d: {  	_ =	swait.ge [sflag:s14], $0x4000  }
0x4e: {  	[sflag:s14] =	ssyncset.done $0x0  }
0x4f: {  	s26 =	sadd.s32 $0x100, s25;
	[sflag:s14] =	ssyncadd.s32 $0xFFFFC000  }
0x50: {  	[tilespmem:s17], [sflag:$0x1] =	stream.indirect.gather [hbm4b:s4+s16], $0x80, s26, s16, $0xb8;
	[tilespmem:$0x1E800] =	vst v63  }
0x51: {  	_ =	swait.ge [sflag:s20], $0x4000  }
.Ltmp1:
0x52: {  	[sflag:s20] =	ssyncset.done $0x0;
	(pc) =	sbr.rel @p0 .LBB2_4-.Ltmp1, $4  }
0x53: {  	s25 =	sadd.s32 $0x1480, s25;
	[sflag:s20] =	ssyncadd.s32 $0xFFFFC000  }
0x54: {  	[spmem:s1] =	stream.indirect.scatter.add.f32 [tilespmem:s18], [sflag:$0x3], $0x80, s25, s16, $0xb8;
	[tilespmem:$0x1E800] =	vst v63  }
0x55: {  	_ =	swait.ge [sflag:s14], $0x4000  }
0x56: {  	s26 =	smov.u32 s30;
	s25 =	sshra.s32 s29, $0x2;
	[sflag:s14] =	ssyncset.done $0x0  }
0x57: {  	s26 =	sadd.s32 $0x80, s25;
	[sflag:s14] =	ssyncadd.s32 $0xFFFFC000  }
0x58: {  	[tilespmem:s18], [sflag:$0x2] =	stream.indirect.gather [hbm4b:s4+s16], $0x80, s26, s16, $0xb8;
	[tilespmem:$0x1E800] =	vst v63  }
0x59: {  	_ =	swait.ge [sflag:s19], $0x4000  }
0x5a: {  	[sflag:s19] =	ssyncset.done $0x0  }
0x5b: {  	s29 =	sadd.s32 $0x1400, s25;
	[sflag:s19] =	ssyncadd.s32 $0xFFFFC000  }
0x5c: {  	[spmem:s1] =	stream.indirect.scatter.add.f32 [tilespmem:s17], [sflag:$0x3], $0x80, s29, s16, $0xb8;
	[tilespmem:$0x1E800] =	vst v63  }
0x5d: {  	_ =	swait.ge [sflag:s14], $0x4000  }
0x5e: {  	[sflag:s14] =	ssyncset.done $0x0  }
0x5f: {  	s30 =	sadd.s32 $0x100, s25;
	[sflag:s14] =	ssyncadd.s32 $0xFFFFC000  }
0x60: {  	[tilespmem:s17], [sflag:$0x1] =	stream.indirect.gather [hbm4b:s4+s16], $0x80, s30, s16, $0xb8;
	[tilespmem:$0x1E800] =	vst v63  }
0x61: {  	_ =	swait.ge [sflag:s20], $0x4000  }
0x62: {  	[sflag:s20] =	ssyncset.done $0x0  }
0x63: {  	s31 =	sadd.s32 $0x1480, s25;
	[sflag:s20] =	ssyncadd.s32 $0xFFFFC000  }
0x64: {  	[spmem:s1] =	stream.indirect.scatter.add.f32 [tilespmem:s18], [sflag:$0x3], $0x80, s31, s16, $0xb8;
	[tilespmem:$0x1E800] =	vst v63  }
0x65: {  	_ =	swait.ge [sflag:s14], $0x4000  }
0x66: {  	[sflag:s14] =	ssyncset.done $0x0  }
0x67: {  	[sflag:s14] =	ssyncadd.s32 $0xFFFFC000  }
0x68: {  	[tilespmem:s18], [sflag:$0x2] =	stream.indirect.gather [hbm4b:s4+s16], $0x80, s21, s16, $0xb8;
	[tilespmem:$0x1E800] =	vst v63  }
0x69: {  	_ =	swait.ge [sflag:s19], $0x4000  }
0x6a: {  	[sflag:s19] =	ssyncset.done $0x0  }
0x6b: {  	[sflag:s19] =	ssyncadd.s32 $0xFFFFC000  }
0x6c: {  	[spmem:s1] =	stream.indirect.scatter.add.f32 [tilespmem:s17], [sflag:$0x3], $0x80, s22, s16, $0xb8;
	[tilespmem:$0x1E800] =	vst v63  }
0x6d: {  	_ =	swait.ge [sflag:s14], $0x4000  }
0x6e: {  	[sflag:s14] =	ssyncset.done $0x0  }
0x6f: {  	[sflag:s14] =	ssyncadd.s32 $0xFFFFC000  }
0x70: {  	_ =	swait.ge [sflag:s20], $0x4000  }
0x71: {  	[sflag:s20] =	ssyncset.done $0x0  }
0x72: {  	[sflag:s20] =	ssyncadd.s32 $0xFFFFC000  }
0x73: {  	[spmem:s1] =	stream.indirect.scatter.add.f32 [tilespmem:s18], [sflag:$0x3], $0x80, s23, s16, $0xb8;
	[tilespmem:$0x1E800] =	vst v63  }
0x74: {  	_ =	swait.ge [sflag:s14], $0x4000  }
0x75: {  	[sflag:s14] =	ssyncset.done $0x0  }
0x76: {  	[sflag:s14] =	ssyncadd.s32 $0xFFFFC000  }
0x77: {  	[tilespmem:s3], [sflag:$0x3] =	stream.linear.gather [hbm4b:s9+s3], $0x1400, $0x38;
	[tilespmem:$0x1E800] =	vst v63  }
0x78: {  	_ =	swait.ge [sflag:s14], $0x1400  }
0x79: {  	[sflag:s14] =	ssyncset.done $0x0  }
0x7a: {  	[sflag:s14] =	ssyncadd.s32 $0xFFFFEC00  }
0x7b: {  	[tilespmem:s15], [sflag:$0x3] =	stream.linear.gather [hbm4b:s10+s3], $0x1400, $0x38;
	[tilespmem:$0x1E800] =	vst v63  }
0x7c: {  	_ =	swait.ge [sflag:s14], $0x1400  }
0x7d: {  	[sflag:s14] =	ssyncset.done $0x0  }
0x7e: {  	s25 =	simm.s32 $0x70;
	[sflag:s14] =	ssyncadd.s32 $0xFFFFEC00  }
0x7f: {  	v3 =	vld [tilespmem:s25+$0xFFFFFF90]  }
0x80: {  	v5 =	vld [tilespmem:s25+$0xFFFFFFA0]  }
0x81: {  	v4 =	vld [tilespmem:s25+$0xFFFFFFB0]  }
0x82: {  	v2 =	vld [tilespmem:s25+$0xFFFFFFC0]  }
0x83: {  	v1 =	vld [tilespmem:s25+$0xFFFFFFD0]  }
0x84: {  	s26 =	simm.s32 $0x3C0;
	v6 =	vadd.s32 v0, v3;
	v3 =	vld [tilespmem:s25+$0xFFFFFFE0]  }
.LBB2_6:
0x85: {  	p0 =	sne.s32 s26, $0x4FC0;
	[tilespmem:s25+$0xFFFFFF90] =	vst v6;
	v5 =	vadd.s32 v0, v5;
	v6 =	vld [tilespmem:s25+$0x0]  }
0x86: {  	s28 =	sshra.s32 s26, $0x2;
	[tilespmem:s25+$0xFFFFFFA0] =	vst v5;
	v4 =	vadd.s32 v0, v4;
	v7 =	vld [tilespmem:s25+$0xFFFFFFF0]  }
0x87: {  	v8 =	vld [tilespmem:s28+$0xFFFFFF90];
	[tilespmem:s25+$0xFFFFFFB0] =	vst v4;
	v2 =	vadd.s32 v0, v2  }
.Ltmp2:
0x88: {  	v5 =	vld [tilespmem:s28+$0xFFFFFFA0];
	[tilespmem:s25+$0xFFFFFFC0] =	vst v2;
	v1 =	vadd.s32 v0, v1;
	(pc) =	sbr.rel @p0 .LBB2_6-.Ltmp2, $4  }
0x89: {  	v4 =	vld [tilespmem:s28+$0xFFFFFFB0];
	[tilespmem:s25+$0xFFFFFFD0] =	vst v1;
	v1 =	vadd.s32 v0, v3  }
0x8a: {  	v2 =	vld [tilespmem:s28+$0xFFFFFFC0];
	[tilespmem:s25+$0xFFFFFFE0] =	vst v1;
	v3 =	vadd.s32 v0, v6  }
0x8b: {  	v1 =	vld [tilespmem:s28+$0xFFFFFFD0];
	v7 =	vadd.s32 v0, v7;
	[tilespmem:s25+$0x0] =	vst v3  }
0x8c: {  	s26 =	sadd.s32 $0x200, s26;
	v6 =	vadd.s32 v0, v8;
	v3 =	vld [tilespmem:s28+$0xFFFFFFE0];
	[tilespmem:s25+$0xFFFFFFF0] =	vst v7;
	s25 =	smov.u32 s28  }
0x8d: {  	[tilespmem:s25+$0xFFFFFF90] =	vst v6;
	v5 =	vadd.s32 v0, v5;
	v62 =	vld [tilespmem:s25+$0x0]  }
0x8e: {  	v63 =	vld [tilespmem:s25+$0xFFFFFFF0];
	[tilespmem:s25+$0xFFFFFFA0] =	vst v5;
	v4 =	vadd.s32 v0, v4  }
0x8f: {  	[tilespmem:s25+$0xFFFFFFB0] =	vst v4;
	v2 =	vadd.s32 v0, v2  }
0x90: {  	[tilespmem:s25+$0xFFFFFFC0] =	vst v2;
	v1 =	vadd.s32 v0, v1  }
0x91: {  	[tilespmem:s25+$0xFFFFFFD0] =	vst v1;
	v1 =	vadd.s32 v0, v3  }
0x92: {  	[tilespmem:s25+$0xFFFFFFE0] =	vst v1;
	v1 =	vadd.s32 v0, v62  }
0x93: {  	v2 =	vadd.s32 v0, v63;
	[tilespmem:s25+$0x0] =	vst v1  }
0x94: {  	s26 =	simm.s32 $0x0;
	[tilespmem:s25+$0xFFFFFFF0] =	vst v2  }
0x95: {  	[tilespmem:s17], [sflag:$0x1] =	stream.indirect.gather [hbm4b:s4+s16], $0x80, s26, s16, $0xb8;
	[tilespmem:$0x1E800] =	vst v63  }
0x96: {  	s28 =	simm.s32 $0x80  }
0x97: {  	[tilespmem:s18], [sflag:$0x2] =	stream.indirect.gather [hbm4b:s4+s16], $0x80, s28, s16, $0xb8;
	[tilespmem:$0x1E800] =	vst v63  }
0x98: {  	_ =	swait.ge [sflag:s19], $0x4000  }
0x99: {  	[sflag:s19] =	ssyncset.done $0x0  }
0x9a: {  	s29 =	simm.s32 $0x1400;
	[sflag:s19] =	ssyncadd.s32 $0xFFFFC000  }
0x9b: {  	[spmem:s1] =	stream.indirect.scatter.add.f32 [tilespmem:s17], [sflag:$0x3], $0x80, s29, s16, $0xb8;
	[tilespmem:$0x1E800] =	vst v63  }
0x9c: {  	_ =	swait.ge [sflag:s14], $0x4000  }
0x9d: {  	[sflag:s14] =	ssyncset.done $0x0  }
0x9e: {  	s30 =	simm.s32 $0x100;
	[sflag:s14] =	ssyncadd.s32 $0xFFFFC000  }
0x9f: {  	[tilespmem:s17], [sflag:$0x1] =	stream.indirect.gather [hbm4b:s4+s16], $0x80, s30, s16, $0xb8;
	[tilespmem:$0x1E800] =	vst v63  }
0xa0: {  	_ =	swait.ge [sflag:s20], $0x4000  }
0xa1: {  	[sflag:s20] =	ssyncset.done $0x0  }
0xa2: {  	s31 =	simm.s32 $0x1480;
	[sflag:s20] =	ssyncadd.s32 $0xFFFFC000  }
0xa3: {  	[spmem:s1] =	stream.indirect.scatter.add.f32 [tilespmem:s18], [sflag:$0x3], $0x80, s31, s16, $0xb8;
	[tilespmem:$0x1E800] =	vst v63  }
0xa4: {  	_ =	swait.ge [sflag:s14], $0x4000  }
0xa5: {  	s25 =	simm.s32 $0x100;
	s26 =	simm.s32 $0x800;
	[sflag:s14] =	ssyncset.done $0x0  }
.LBB2_8:
0xa6: {  	s28 =	sadd.s32 $0x80, s25  }
0xa7: {  	[sflag:s14] =	ssyncadd.s32 $0xFFFFC000;
	s29 =	smov.u32 s26;
	s30 =	sadd.s32 $0x400, s26  }
0xa8: {  	[tilespmem:s18], [sflag:$0x2] =	stream.indirect.gather [hbm4b:s4+s16], $0x80, s28, s16, $0xb8;
	[tilespmem:$0x1E800] =	vst v63  }
0xa9: {  	p0 =	sne.s32 s26, $0x4800;
	_ =	swait.ge [sflag:s19], $0x4000  }
0xaa: {  	[sflag:s19] =	ssyncset.done $0x0  }
0xab: {  	s26 =	sadd.s32 $0x1400, s25;
	[sflag:s19] =	ssyncadd.s32 $0xFFFFC000  }
0xac: {  	[spmem:s1] =	stream.indirect.scatter.add.f32 [tilespmem:s17], [sflag:$0x3], $0x80, s26, s16, $0xb8;
	[tilespmem:$0x1E800] =	vst v63  }
0xad: {  	_ =	swait.ge [sflag:s14], $0x4000  }
0xae: {  	[sflag:s14] =	ssyncset.done $0x0  }
0xaf: {  	s26 =	sadd.s32 $0x100, s25;
	[sflag:s14] =	ssyncadd.s32 $0xFFFFC000  }
0xb0: {  	[tilespmem:s17], [sflag:$0x1] =	stream.indirect.gather [hbm4b:s4+s16], $0x80, s26, s16, $0xb8;
	[tilespmem:$0x1E800] =	vst v63  }
0xb1: {  	_ =	swait.ge [sflag:s20], $0x4000  }
.Ltmp3:
0xb2: {  	[sflag:s20] =	ssyncset.done $0x0;
	(pc) =	sbr.rel @p0 .LBB2_8-.Ltmp3, $4  }
0xb3: {  	s25 =	sadd.s32 $0x1480, s25;
	[sflag:s20] =	ssyncadd.s32 $0xFFFFC000  }
0xb4: {  	[spmem:s1] =	stream.indirect.scatter.add.f32 [tilespmem:s18], [sflag:$0x3], $0x80, s25, s16, $0xb8;
	[tilespmem:$0x1E800] =	vst v63  }
0xb5: {  	_ =	swait.ge [sflag:s14], $0x4000  }
0xb6: {  	s26 =	smov.u32 s30;
	s25 =	sshra.s32 s29, $0x2;
	[sflag:s14] =	ssyncset.done $0x0  }
0xb7: {  	s26 =	sadd.s32 $0x80, s25;
	[sflag:s14] =	ssyncadd.s32 $0xFFFFC000  }
0xb8: {  	[tilespmem:s18], [sflag:$0x2] =	stream.indirect.gather [hbm4b:s4+s16], $0x80, s26, s16, $0xb8;
	[tilespmem:$0x1E800] =	vst v63  }
0xb9: {  	_ =	swait.ge [sflag:s19], $0x4000  }
0xba: {  	[sflag:s19] =	ssyncset.done $0x0  }
0xbb: {  	s29 =	sadd.s32 $0x1400, s25;
	[sflag:s19] =	ssyncadd.s32 $0xFFFFC000  }
0xbc: {  	[spmem:s1] =	stream.indirect.scatter.add.f32 [tilespmem:s17], [sflag:$0x3], $0x80, s29, s16, $0xb8;
	[tilespmem:$0x1E800] =	vst v63  }
0xbd: {  	_ =	swait.ge [sflag:s14], $0x4000  }
0xbe: {  	[sflag:s14] =	ssyncset.done $0x0  }
0xbf: {  	s30 =	sadd.s32 $0x100, s25;
	[sflag:s14] =	ssyncadd.s32 $0xFFFFC000  }
0xc0: {  	[tilespmem:s17], [sflag:$0x1] =	stream.indirect.gather [hbm4b:s4+s16], $0x80, s30, s16, $0xb8;
	[tilespmem:$0x1E800] =	vst v63  }
0xc1: {  	_ =	swait.ge [sflag:s20], $0x4000  }
0xc2: {  	[sflag:s20] =	ssyncset.done $0x0  }
0xc3: {  	s31 =	sadd.s32 $0x1480, s25;
	[sflag:s20] =	ssyncadd.s32 $0xFFFFC000  }
0xc4: {  	[spmem:s1] =	stream.indirect.scatter.add.f32 [tilespmem:s18], [sflag:$0x3], $0x80, s31, s16, $0xb8;
	[tilespmem:$0x1E800] =	vst v63  }
0xc5: {  	_ =	swait.ge [sflag:s14], $0x4000  }
0xc6: {  	[sflag:s14] =	ssyncset.done $0x0  }
0xc7: {  	[sflag:s14] =	ssyncadd.s32 $0xFFFFC000  }
0xc8: {  	[tilespmem:s18], [sflag:$0x2] =	stream.indirect.gather [hbm4b:s4+s16], $0x80, s21, s16, $0xb8;
	[tilespmem:$0x1E800] =	vst v63  }
0xc9: {  	_ =	swait.ge [sflag:s19], $0x4000  }
0xca: {  	[sflag:s19] =	ssyncset.done $0x0  }
0xcb: {  	[sflag:s19] =	ssyncadd.s32 $0xFFFFC000  }
0xcc: {  	[spmem:s1] =	stream.indirect.scatter.add.f32 [tilespmem:s17], [sflag:$0x3], $0x80, s22, s16, $0xb8;
	[tilespmem:$0x1E800] =	vst v63  }
0xcd: {  	_ =	swait.ge [sflag:s14], $0x4000  }
0xce: {  	[sflag:s14] =	ssyncset.done $0x0  }
0xcf: {  	[sflag:s14] =	ssyncadd.s32 $0xFFFFC000  }
0xd0: {  	_ =	swait.ge [sflag:s20], $0x4000  }
0xd1: {  	[sflag:s20] =	ssyncset.done $0x0  }
0xd2: {  	[sflag:s20] =	ssyncadd.s32 $0xFFFFC000  }
0xd3: {  	[spmem:s1] =	stream.indirect.scatter.add.f32 [tilespmem:s18], [sflag:$0x3], $0x80, s23, s16, $0xb8;
	[tilespmem:$0x1E800] =	vst v63  }
0xd4: {  	_ =	swait.ge [sflag:s14], $0x4000  }
0xd5: {  	s24 =	sadd.s32 $0x1, s24;
	[sflag:s14] =	ssyncset.done $0x0  }
0xd6: {  	p0 =	sne.s32 s24, s12;
	[sflag:s14] =	ssyncadd.s32 $0xFFFFC000  }
.Ltmp4:
0xd7: {  	[bflag:$0x0] =	sbarrier.arrive $0xFFFF;
	(pc) =	sbr.rel @p0 .LBB2_1-.Ltmp4, $4  }
0xd8: {  	[hbm:s11], [sflag:s6] =	dma.local [spmem:s13], $0x2800  }
0xd9: {  	_ =	swait.ge [sflag:s14], $0x2800  }
0xda: {  	[sflag:s14] =	ssyncset.done $0x0  }
0xdb: {  	[sflag:s14] =	ssyncadd.s32 $0xFFFFD800  }
0xdc: {  	_ =	sfence.sel $0x180000  }
0xdd: {  	[bflag:$0x0] =	sbarrier.arrive $0xFFFF  }
0xde: {  	p0 =	sne.s32 s2, $0x0;
	_ =	strace $0x9000004A  }
0xdf: {  	s0 =	sadd.s32 @!p0 $0x100000, s0;
	[bflag:$0x2] =	sbarrier.arrive $0xFFFF  }
0xe0: {  	[sflag:s0] =	ssyncadd.tile.s32 @!p0 $0x1;
	_ =	shalt  }
.Lfunc_end2:
_tile_overlayer_lowered:
.L_overlay_start_2:
0xe1: {  	(tag) =	ssettag $0x2  }
0xe2: {  	s0 =	rddreg [dreg:$0x0];
	s2 =	stileid.u32  }
0xe3: {  	s1 =	rddreg [dreg:$0x1];
	p0 =	sne.s32 s2, $0x0  }
0xe4: {  	s3 =	rddreg [dreg:$0x2];
	[bflag:$0x3] =	sbarrier.arrive $0xFFFF;
	s2 =	simm.s32 @!p0 $0x1C03  }
0xe5: {  	[timem:s3], [sflag:s2] =	dma.local @!p0 [hbm:s0], s1  }
0xe6: {  	s0 =	simm.s32 @!p0 $0x3  }
0xe7: {  	_ =	swait.ge @!p0 [sflag:s0], s1  }
0xe8: {  	s1 =	ssub.s32 @!p0 $0x0, s1;
	[sflag:s0] =	ssyncset.done @!p0 $0x0  }
0xe9: {  	[sflag:s0] =	ssyncadd.s32 @!p0 s1  }
0xea: {  	[bflag:$0x3] =	sbarrier.arrive $0xFFFF  }
0xeb: {  	_ =	shalt  }

// kernel: kernel.15.cloned.1.call-start
scs
__scs_entry_jumppad:
0x0: {  	(pc) =	sbr.rel $0x88, $3  }
0x1: {  	(tag) =	ssettag $0x0;
	lr =	simm.s32 $0x1  }
0x2: {  	[smem:$0x3F87] =	sst lr;
	_ =	strace $0xD0000000  }
0x3: {  	_ = 	snop  }
0x4: {  	_ = 	snop  }
0x5: {  	_ = 	snop  }
0x6: {  	_ = 	snop  }
0x7: {  	_ = 	snop  }
__scs_overlays_trampoline_lowered:
0x8: {  	[smem:$0x3F96] =	sst s0  }
0x9: {  	[smem:$0x3F97] =	sst s1  }
0xa: {  	[smem:$0x3F98] =	sst s2  }
0xb: {  	[smem:$0x3F99] =	sst s3  }
0xc: {  	[smem:$0x3F9A] =	sst s4  }
0xd: {  	[smem:$0x3F9B] =	sst s5  }
0xe: {  	[smem:$0x3F9C] =	sst s6  }
0xf: {  	[smem:$0x3F9D] =	sst s7  }
0x10: {  	[smem:$0x3F9E] =	sst s8  }
0x11: {  	[smem:$0x3F9F] =	sst s9;
	s0 =	simm.s32 @!p0 $0x0  }
0x12: {  	s1 =	sld [smem:$0x3F85];
	s0 =	simm.s32 @p0 $0x1  }
0x13: {  	[smem:$0x3FA0] =	sst s0;
	s0 =	simm.s32 @!p1 $0x0  }
0x14: {  	s2 =	sld [smem:$0x3F84];
	s0 =	simm.s32 @p1 $0x1  }
0x15: {  	[smem:$0x3FA1] =	sst s0;
	s0 =	simm.s32 @!p2 $0x0  }
0x16: {  	s3 =	sld [smem:$0x3FDB];
	s0 =	simm.s32 @p2 $0x1  }
0x17: {  	s4 =	simm.s32 $0x1BF5;
	[smem:$0x3FA3] =	sst s0  }
0x18: {  	s0 =	sld [smem:$0x3F86];
	_ =	swait.ge [sflag:s4], $0x0  }
0x19: {  	s7 =	sld [smem:$0x3F87]  }
0x1a: {  	s8 =	sadd.s32 $0xFFFFE003, lr  }
0x1b: {  	s9 =	sadd.s32 $0xFFFFFEF7, lr;
	s5 =	simm.s32 $0xFFFFFFFF;
	p2 =	slt.u32 s8, $0xFFFFF086  }
0x1c: {  	p1 =	slt.u32 s9, $0xF7A;
	s5 =	simm.s32 @!p2 $0x0  }
0x1d: {  	s5 =	simm.s32 @p1 $0x1;
	p0 =	seq.s32 s7, s2  }
0x1e: {  	s7 =	smul.u32 @!p0 $0xF7A, s2;
	p2 =	seq.s32 @!p0 s5, $0x0  }
0x1f: {  	s9 =	smul.u32 $0xF7A, s1;
	s8 =	simm.s32 @!p0 $0x1BF5;
	p2 =	por !p2, p0  }
0x20: {  	[sflag:s8] =	ssyncset.s32 @!p0 $0xFFFFF086;
	s6 =	sadd.s32 @!p0 s3, s7;
	s7 =	simm.s32 @!p0 $0x108  }
0x21: {  	s3 =	sadd.s32 s3, s9;
	s6 =	sadd.s32 @!p0 $0x88, s6;
	s7 =	simm.s32 @p2 $0x1082  }
0x22: {  	[simem:s7], [sflag:s8] =	dma.local @!p0 [hbm:s6], $0xF7A  }
0x23: {  	s9 =	sor.u32 $0xD0000000, s2;
	s6 =	simm.s32 $0x108;
	_ =	swait.ge @!p0 [sflag:s8], $0x0  }
0x24: {  	s3 =	sadd.s32 $0x88, s3;
	s6 =	simm.s32 @!p1 $0x1082;
	[sflag:s4] =	ssyncset.s32 $0xFFFFF086  }
0x25: {  	[simem:s6], [sflag:s4] =	dma.local [hbm:s3], $0xF7A  }
0x26: {  	[smem:$0x3F87] =	sst s1;
	(tag) =	ssettag s2;
	_ =	strace s9  }
0x27: {  	s1 =	sld [smem:$0x3F97]  }
0x28: {  	s2 =	sld [smem:$0x3F98]  }
0x29: {  	s4 =	sld [smem:$0x3F9A]  }
0x2a: {  	p0 =	seq.s32 s5, $0x0;
	s5 =	sld [smem:$0x3F9B]  }
0x2b: {  	s6 =	sld [smem:$0x3F9C]  }
0x2c: {  	s7 =	sld [smem:$0x3F9D]  }
0x2d: {  	s3 =	simm.s32 $0x108;
	s8 =	sld [smem:$0x3F9E]  }
0x2e: {  	s3 =	simm.s32 @!p0 $0x1082;
	s9 =	sld [smem:$0x3F9F]  }
0x2f: {  	lr =	sadd.s32 s0, s3;
	s0 =	sld [smem:$0x3F96]  }
0x30: {  	s3 =	sld [smem:$0x3F99]  }
0x31: {  	[smem:$0x3FA2] =	sst s10  }
0x32: {  	s10 =	sld [smem:$0x3FA0];
	_ =	sdelay $0x3  }
0x33: {  	p0 =	seq.s32 s10, $0x1;
	s10 =	sld [smem:$0x3FA2];
	_ =	sdelay $0x3  }
0x34: {  	[smem:$0x3FA2] =	sst s10  }
0x35: {  	s10 =	sld [smem:$0x3FA1];
	_ =	sdelay $0x3  }
0x36: {  	p1 =	seq.s32 s10, $0x1;
	s10 =	sld [smem:$0x3FA2];
	_ =	sdelay $0x3  }
0x37: {  	[smem:$0x3FA2] =	sst s10  }
0x38: {  	s10 =	sld [smem:$0x3FA3]  }
0x39: {  	_ = 	snop;
	(pc) =	sbr.ind lr, $3  }
0x3a: {  	_ = 	snop  }
0x3b: {  	_ = 	snop  }
0x3c: {  	p2 =	seq.s32 s10, $0x1;
	s10 =	sld [smem:$0x3FA2]  }
0x3d: {  	_ =	shalt  }
0x3e: {  	_ =	shalt  }
0x3f: {  	_ =	shalt  }
0x40: {  	_ =	shalt  }
0x41: {  	_ =	shalt  }
0x42: {  	_ =	shalt  }
0x43: {  	_ =	shalt  }
0x44: {  	_ =	shalt  }
0x45: {  	_ =	shalt  }
0x46: {  	_ =	shalt  }
0x47: {  	_ =	shalt  }
0x48: {  	_ =	shalt  }
0x49: {  	_ =	shalt  }
0x4a: {  	_ =	shalt  }
0x4b: {  	_ =	shalt  }
0x4c: {  	_ =	shalt  }
0x4d: {  	_ =	shalt  }
0x4e: {  	_ =	shalt  }
0x4f: {  	_ =	shalt  }
0x50: {  	_ =	shalt  }
0x51: {  	_ =	shalt  }
0x52: {  	_ =	shalt  }
0x53: {  	_ =	shalt  }
0x54: {  	_ =	shalt  }
0x55: {  	_ =	shalt  }
0x56: {  	_ =	shalt  }
0x57: {  	_ =	shalt  }
0x58: {  	_ =	shalt  }
0x59: {  	_ =	shalt  }
0x5a: {  	_ =	shalt  }
0x5b: {  	_ =	shalt  }
0x5c: {  	_ =	shalt  }
0x5d: {  	_ =	shalt  }
0x5e: {  	_ =	shalt  }
0x5f: {  	_ =	shalt  }
0x60: {  	_ =	shalt  }
0x61: {  	_ =	shalt  }
0x62: {  	_ =	shalt  }
0x63: {  	_ =	shalt  }
0x64: {  	_ =	shalt  }
0x65: {  	_ =	shalt  }
0x66: {  	_ =	shalt  }
0x67: {  	_ =	shalt  }
0x68: {  	_ =	shalt  }
0x69: {  	_ =	shalt  }
0x6a: {  	_ =	shalt  }
0x6b: {  	_ =	shalt  }
0x6c: {  	_ =	shalt  }
0x6d: {  	_ =	shalt  }
0x6e: {  	_ =	shalt  }
0x6f: {  	_ =	shalt  }
0x70: {  	_ =	shalt  }
0x71: {  	_ =	shalt  }
0x72: {  	_ =	shalt  }
0x73: {  	_ =	shalt  }
0x74: {  	_ =	shalt  }
0x75: {  	_ =	shalt  }
0x76: {  	_ =	shalt  }
0x77: {  	_ =	shalt  }
0x78: {  	_ =	shalt  }
0x79: {  	_ =	shalt  }
0x7a: {  	_ =	shalt  }
0x7b: {  	_ =	shalt  }
0x7c: {  	_ =	shalt  }
0x7d: {  	_ =	shalt  }
0x7e: {  	_ =	shalt  }
0x7f: {  	_ =	shalt  }
0x80: {  	_ =	shalt  }
0x81: {  	_ =	shalt  }
0x82: {  	_ =	shalt  }
0x83: {  	_ =	shalt  }
0x84: {  	_ =	shalt  }
0x85: {  	_ =	shalt  }
0x86: {  	_ =	shalt  }
0x87: {  	_ =	shalt  }
.Lfunc_end0:
.L_simem_size_0:
called_computation.2_lowered:
.L_overlay_start_0:
0x88: {  	s2 =	sld [smem:$0x3FD9]  }
0x89: {  	s3 =	sld [smem:$0x3FFE];
	_ =	sdelay $0x1  }
0x8a: {  	s1 =	srdreg.scid  }
0x8b: {  	s0 =	sand.u32 $0x1, s1  }
0x8c: {  	s16 =	sshll.u32 s0, $0xA;
	s2 =	sadd.s32 s3, s2  }
0x8d: {  	s2 =	sadd.s32 s2, s16  }
0x8e: {  	[smem:$0x3FAE] =	sst s2  }
0x8f: {  	_ = 	snop  }
0x90: {  	(tm) =	ssettm $0x1  }
0x91: {  	s17 =	sld [smem:$0x3FFB];
	_ =	sdelay $0x3  }
0x92: {  	_ =	strace s17  }
0x93: {  	s2 =	sld [smem:$0x3FFC];
	_ =	sdelay $0x3  }
0x94: {  	_ =	strace s2  }
0x95: {  	s2 =	sld [smem:$0x3FFD];
	_ =	sdelay $0x3  }
0x96: {  	_ =	strace s2  }
0x97: {  	_ =	strace $0x8FFFFFFF  }
0x98: {  	s18 =	sld [smem:$0x3FDB];
	_ =	sdelay $0x1  }
0x99: {  	s19 =	simm.s32 $_scs_section_size  }
0x9a: {  	s4 =	simm.s32 $_size__tile_overlayer_lowered;
	s5 =	simm.s32 $_tile_overlayer_lowered  }
0x9b: {  	s22 =	simm.s32 $0x1BFF;
	s21 =	sshll.u32 s5, $0x1;
	s2 =	sadd.s32 s19, s18  }
0x9c: {  	s6 =	simm.s32 $0x0;
	s20 =	sshll.u32 s4, $0x1;
	s4 =	sadd.s32 s21, s2  }
0x9d: {  	[timem:s6], [sflag:s22] =	dma.local [hbm:s4], s20  }
0x9e: {  	_ =	swait.ge [sflag:s22], s20  }
0x9f: {  	s3 =	ssub.s32 $0x0, s20;
	[sflag:s22] =	ssyncset.done $0x0  }
0xa0: {  	[sflag:s22] =	ssyncadd.s32 s3;
	_ =	sdelay $0x1  }
0xa1: {  	s23 =	simm.s32 $0x1B8B  }
0xa2: {  	_ =	swait.ge [sflag:s23], $0x1  }
0xa3: {  	[sflag:s23] =	ssyncset.done $0x0  }
0xa4: {  	s25 =	simm.s32 $0x1B8E;
	s24 =	sld [smem:$0x3FFE];
	[sflag:s23] =	ssyncadd.s32 $0xFFFFFFFF  }
0xa5: {  	s26 =	simm.s32 $execute0_lowered;
	[smem:$0x3FD2] =	sst s25  }
0xa6: {  	s4 =	sshll.u32 s26, $0x1;
	_ =	strace $0x8000004C;
	[dreg:$0x1] =	wrdreg $0xFFFFFFFF  }
0xa7: {  	s28 =	simm.s32 $_size_execute0_lowered;
	s2 =	sadd.s32 s2, s4;
	[dreg:$0x0] =	wrdreg $0x0  }
0xa8: {  	s4 =	sshll.u32 s28, $0x1;
	[dreg:$0x2] =	wrdreg s2  }
0xa9: {  	[dreg:$0x3] =	wrdreg s4  }
0xaa: {  	[dreg:$0x4] =	wrdreg $0xC0  }
0xab: {  	_ =	task [dreg:s6], $0x5FFFF  }
0xac: {  	[dreg:$0x1] =	wrdreg $0xFFFFFFFF  }
0xad: {  	[dreg:$0x0] =	wrdreg $0x60  }
0xae: {  	[dreg:$0x2] =	wrdreg s24  }
0xaf: {  	[dreg:$0x3] =	wrdreg $0xA8000  }
0xb0: {  	[dreg:$0x4] =	wrdreg $0x9  }
0xb1: {  	_ =	task.clear_ibuf [dreg:s6], $0x5FFFF;
	_ =	strace $0x9000004C  }
0xb2: {  	s29 =	simm.s32 $0x9;
	_ =	strace $0x8000004E  }
0xb3: {  	_ =	swait.ge [sflag:s29], $0x1  }
0xb4: {  	[sflag:s29] =	ssyncadd.s32 $0xFFFFFFFF  }
0xb5: {  	_ =	strace $0x9000004E  }
0xb6: {  	_ =	sfence  }
0xb7: {  	s30 =	sld [smem:$0x0];
	_ =	sdelay $0x2  }
0xb8: {  	s31 =	sshll.u32 s1, $0xD;
	s1 =	sshrl.u32 s1, $0x2  }
0xb9: {  	s3 =	sand.u32 $0x4000, s31;
	s1 =	sadd.s32 s1, s30  }
0xba: {  	s0 =	sor.u32 s3, s0;
	s1 =	sshll.u32 s1, $0x11  }
0xbb: {  	s0 =	sor.u32 s1, s0  }
0xbc: {  	s0 =	sadd.s32 $0x8F2B, s0  }
0xbd: {  	[sflag:s0] =	ssyncadd.remote.s32 $0x1  }
0xbe: {  	_ =	sfence.sel $0xFFFF  }
0xbf: {  	[dreg:$0x0] =	wrdreg $0xFFFFFFFF;
	(pc) =	sbr.abs _section_cstart, $3  }
0xc0: {  	[dreg:$0x1] =	wrdreg $0xFFFFFFFF  }
0xc1: {  	_ =	task.clear_ibuf [dreg:s6], $0x2FFFF;
	_ =	strace $0x9FFFFFFF  }
0xc2: {  	(tm) =	ssettm $0x7FFFFFFF  }
0xc3: {  	_ =	shalt  }
tec
execute0_lowered:
.L_overlay_start_1:
0x0: {  	(tag) =	ssettag $0x1  }
0x1: {  	s5 =	rddreg [dreg:$0x0]  }
0x2: {  	s1 =	rddreg [dreg:$0x1];
	s2 =	srdreg.scid  }
0x3: {  	s0 =	rddreg [dreg:$0x2];
	s3 =	simm.s32 $0x0;
	s16 =	simm.s32 $0x80  }
0x4: {  	s17 =	simm.s32 $0x2800;
	s18 =	simm.s32 $0x6800;
	s19 =	simm.s32 $0x1  }
0x5: {  	s20 =	simm.s32 $0x2;
	s21 =	simm.s32 $0x1380;
	s6 =	sand.u32 $0x1, s2  }
0x6: {  	s23 =	simm.s32 $0x2780;
	s2 =	stileid.u32;
	s22 =	smul.u32 $0x2800, s6  }
0x7: {  	s24 =	simm.s32 $0x0;
	[smem:$0x7FF] =	sst s3;
	s7 =	smul.u32 $0x280, s2  }
0x8: {  	s4 =	sadd.s32 $0x5DC00, s5;
	s9 =	sadd.s32 $0x3C00, s5;
	s8 =	smul.u32 $0x50000, s2  }
0x9: {  	s10 =	sadd.s32 $0x8C00, s5;
	_ =	strace $0x8000004D;
	s12 =	smul.u32 $0x2800, s2  }
0xa: {  	s6 =	ssub.s32 $0x2, s6;
	s29 =	sshll.u32 s2, $0x6;
	s30 =	smul.u32 $0x500, s2  }
0xb: {  	s11 =	sshrl.u32 s6, $0x1;
	s7 =	sadd.s32 s7, s22;
	s8 =	sshrl.u32 s8, $0x2  }
0xc: {  	s14 =	ssub.s32 s6, s11;
	s31 =	sshrl.u32 s12, $0x3;
	s6 =	sor.u32 $0x1C03, s29  }
0xd: {  	v0 =	vmov s22;
	s22 =	simm.s32 $0x2700;
	s7 =	sshll.u32 s7, $0x4;
	s15 =	sadd.s32 s8, s1  }
0xe: {  	s11 =	sadd.s32 $0x280, s31;
	s8 =	sadd.s32 s10, s30;
	s12 =	smax.u32 s14, $0x1  }
0xf: {  	s14 =	simm.s32 $0x3;
	s13 =	sadd.s32 s7, s5;
	s5 =	sadd.s32 s4, s7  }
0x10: {  	s7 =	sadd.s32 s9, s30;
	s9 =	sadd.s32 s9, s11;
	s10 =	sadd.s32 s10, s11  }
0x11: {  	s11 =	sadd.s32 $0xADC00, s13;
	s13 =	sshrl.u32 s15, $0x3;
	s15 =	simm.s32 $0x1400  }
.LBB2_1:
0x12: {  	[spmem:s13], [sflag:s6] =	dma.local [hbm:s5], $0x2800  }
0x13: {  	_ =	swait.ge [sflag:s14], $0x2800  }
0x14: {  	[sflag:s14] =	ssyncset.done $0x0  }
0x15: {  	[sflag:s14] =	ssyncadd.s32 $0xFFFFD800  }
0x16: {  	[bflag:$0x0] =	sbarrier.arrive $0xFFFF  }
0x17: {  	[tilespmem:s3], [sflag:$0x3] =	stream.linear.gather [hbm4b:s7+s3], $0x1400, $0x38;
	[tilespmem:$0x1E800] =	vst v63  }
0x18: {  	_ =	swait.ge [sflag:s14], $0x1400  }
0x19: {  	[sflag:s14] =	ssyncset.done $0x0  }
0x1a: {  	[sflag:s14] =	ssyncadd.s32 $0xFFFFEC00  }
0x1b: {  	[tilespmem:s15], [sflag:$0x3] =	stream.linear.gather [hbm4b:s8+s3], $0x1400, $0x38;
	[tilespmem:$0x1E800] =	vst v63  }
0x1c: {  	_ =	swait.ge [sflag:s14], $0x1400  }
0x1d: {  	[sflag:s14] =	ssyncset.done $0x0  }
0x1e: {  	s25 =	simm.s32 $0x70;
	[sflag:s14] =	ssyncadd.s32 $0xFFFFEC00  }
0x1f: {  	v3 =	vld [tilespmem:s25+$0xFFFFFF90]  }
0x20: {  	v5 =	vld [tilespmem:s25+$0xFFFFFFA0]  }
0x21: {  	v4 =	vld [tilespmem:s25+$0xFFFFFFB0]  }
0x22: {  	v2 =	vld [tilespmem:s25+$0xFFFFFFC0]  }
0x23: {  	v1 =	vld [tilespmem:s25+$0xFFFFFFD0]  }
0x24: {  	s26 =	simm.s32 $0x3C0;
	v6 =	vadd.s32 v0, v3;
	v3 =	vld [tilespmem:s25+$0xFFFFFFE0]  }
.LBB2_2:
0x25: {  	p0 =	sne.s32 s26, $0x4FC0;
	[tilespmem:s25+$0xFFFFFF90] =	vst v6;
	v5 =	vadd.s32 v0, v5;
	v6 =	vld [tilespmem:s25+$0x0]  }
0x26: {  	s28 =	sshra.s32 s26, $0x2;
	[tilespmem:s25+$0xFFFFFFA0] =	vst v5;
	v4 =	vadd.s32 v0, v4;
	v7 =	vld [tilespmem:s25+$0xFFFFFFF0]  }
0x27: {  	v8 =	vld [tilespmem:s28+$0xFFFFFF90];
	[tilespmem:s25+$0xFFFFFFB0] =	vst v4;
	v2 =	vadd.s32 v0, v2  }
.Ltmp0:
0x28: {  	v5 =	vld [tilespmem:s28+$0xFFFFFFA0];
	[tilespmem:s25+$0xFFFFFFC0] =	vst v2;
	v1 =	vadd.s32 v0, v1;
	(pc) =	sbr.rel @p0 .LBB2_2-.Ltmp0, $4  }
0x29: {  	v4 =	vld [tilespmem:s28+$0xFFFFFFB0];
	[tilespmem:s25+$0xFFFFFFD0] =	vst v1;
	v1 =	vadd.s32 v0, v3  }
0x2a: {  	v2 =	vld [tilespmem:s28+$0xFFFFFFC0];
	[tilespmem:s25+$0xFFFFFFE0] =	vst v1;
	v3 =	vadd.s32 v0, v6  }
0x2b: {  	v1 =	vld [tilespmem:s28+$0xFFFFFFD0];
	v7 =	vadd.s32 v0, v7;
	[tilespmem:s25+$0x0] =	vst v3  }
0x2c: {  	s26 =	sadd.s32 $0x200, s26;
	v6 =	vadd.s32 v0, v8;
	v3 =	vld [tilespmem:s28+$0xFFFFFFE0];
	[tilespmem:s25+$0xFFFFFFF0] =	vst v7;
	s25 =	smov.u32 s28  }
0x2d: {  	[tilespmem:s25+$0xFFFFFF90] =	vst v6;
	v5 =	vadd.s32 v0, v5;
	v62 =	vld [tilespmem:s25+$0x0]  }
0x2e: {  	v63 =	vld [tilespmem:s25+$0xFFFFFFF0];
	[tilespmem:s25+$0xFFFFFFA0] =	vst v5;
	v4 =	vadd.s32 v0, v4  }
0x2f: {  	[tilespmem:s25+$0xFFFFFFB0] =	vst v4;
	v2 =	vadd.s32 v0, v2  }
0x30: {  	[tilespmem:s25+$0xFFFFFFC0] =	vst v2;
	v1 =	vadd.s32 v0, v1  }
0x31: {  	[tilespmem:s25+$0xFFFFFFD0] =	vst v1;
	v1 =	vadd.s32 v0, v3  }
0x32: {  	[tilespmem:s25+$0xFFFFFFE0] =	vst v1;
	v1 =	vadd.s32 v0, v62  }
0x33: {  	v2 =	vadd.s32 v0, v63;
	[tilespmem:s25+$0x0] =	vst v1  }
0x34: {  	s26 =	simm.s32 $0x0;
	[tilespmem:s25+$0xFFFFFFF0] =	vst v2  }
0x35: {  	[tilespmem:s17], [sflag:$0x1] =	stream.indirect.gather [hbm4b:s4+s16], $0x80, s26, s16, $0xb8;
	[tilespmem:$0x1E800] =	vst v63  }
0x36: {  	s28 =	simm.s32 $0x80  }
0x37: {  	[tilespmem:s18], [sflag:$0x2] =	stream.indirect.gather [hbm4b:s4+s16], $0x80, s28, s16, $0xb8;
	[tilespmem:$0x1E800] =	vst v63  }
0x38: {  	_ =	swait.ge [sflag:s19], $0x4000  }
0x39: {  	[sflag:s19] =	ssyncset.done $0x0  }
0x3a: {  	s29 =	simm.s32 $0x1400;
	[sflag:s19] =	ssyncadd.s32 $0xFFFFC000  }
0x3b: {  	[spmem:s1] =	stream.indirect.scatter.add.f32 [tilespmem:s17], [sflag:$0x3], $0x80, s29, s16, $0xb8;
	[tilespmem:$0x1E800] =	vst v63  }
0x3c: {  	_ =	swait.ge [sflag:s14], $0x4000  }
0x3d: {  	[sflag:s14] =	ssyncset.done $0x0  }
0x3e: {  	s30 =	simm.s32 $0x100;
	[sflag:s14] =	ssyncadd.s32 $0xFFFFC000  }
0x3f: {  	[tilespmem:s17], [sflag:$0x1] =	stream.indirect.gather [hbm4b:s4+s16], $0x80, s30, s16, $0xb8;
	[tilespmem:$0x1E800] =	vst v63  }
0x40: {  	_ =	swait.ge [sflag:s20], $0x4000  }
0x41: {  	[sflag:s20] =	ssyncset.done $0x0  }
0x42: {  	s31 =	simm.s32 $0x1480;
	[sflag:s20] =	ssyncadd.s32 $0xFFFFC000  }
0x43: {  	[spmem:s1] =	stream.indirect.scatter.add.f32 [tilespmem:s18], [sflag:$0x3], $0x80, s31, s16, $0xb8;
	[tilespmem:$0x1E800] =	vst v63  }
0x44: {  	_ =	swait.ge [sflag:s14], $0x4000  }
0x45: {  	s25 =	simm.s32 $0x100;
	s26 =	simm.s32 $0x800;
	[sflag:s14] =	ssyncset.done $0x0  }
.LBB2_4:
0x46: {  	s28 =	sadd.s32 $0x80, s25  }
0x47: {  	[sflag:s14] =	ssyncadd.s32 $0xFFFFC000;
	s29 =	smov.u32 s26;
	s30 =	sadd.s32 $0x400, s26  }
0x48: {  	[tilespmem:s18], [sflag:$0x2] =	stream.indirect.gather [hbm4b:s4+s16], $0x80, s28, s16, $0xb8;
	[tilespmem:$0x1E800] =	vst v63  }
0x49: {  	p0 =	sne.s32 s26, $0x4800;
	_ =	swait.ge [sflag:s19], $0x4000  }
0x4a: {  	[sflag:s19] =	ssyncset.done $0x0  }
0x4b: {  	s26 =	sadd.s32 $0x1400, s25;
	[sflag:s19] =	ssyncadd.s32 $0xFFFFC000  }
0x4c: {  	[spmem:s1] =	stream.indirect.scatter.add.f32 [tilespmem:s17], [sflag:$0x3], $0x80, s26, s16, $0xb8;
	[tilespmem:$0x1E800] =	vst v63  }
0x4d: {  	_ =	swait.ge [sflag:s14], $0x4000  }
0x4e: {  	[sflag:s14] =	ssyncset.done $0x0  }
0x4f: {  	s26 =	sadd.s32 $0x100, s25;
	[sflag:s14] =	ssyncadd.s32 $0xFFFFC000  }
0x50: {  	[tilespmem:s17], [sflag:$0x1] =	stream.indirect.gather [hbm4b:s4+s16], $0x80, s26, s16, $0xb8;
	[tilespmem:$0x1E800] =	vst v63  }
0x51: {  	_ =	swait.ge [sflag:s20], $0x4000  }
.Ltmp1:
0x52: {  	[sflag:s20] =	ssyncset.done $0x0;
	(pc) =	sbr.rel @p0 .LBB2_4-.Ltmp1, $4  }
0x53: {  	s25 =	sadd.s32 $0x1480, s25;
	[sflag:s20] =	ssyncadd.s32 $0xFFFFC000  }
0x54: {  	[spmem:s1] =	stream.indirect.scatter.add.f32 [tilespmem:s18], [sflag:$0x3], $0x80, s25, s16, $0xb8;
	[tilespmem:$0x1E800] =	vst v63  }
0x55: {  	_ =	swait.ge [sflag:s14], $0x4000  }
0x56: {  	s26 =	smov.u32 s30;
	s25 =	sshra.s32 s29, $0x2;
	[sflag:s14] =	ssyncset.done $0x0  }
0x57: {  	s26 =	sadd.s32 $0x80, s25;
	[sflag:s14] =	ssyncadd.s32 $0xFFFFC000  }
0x58: {  	[tilespmem:s18], [sflag:$0x2] =	stream.indirect.gather [hbm4b:s4+s16], $0x80, s26, s16, $0xb8;
	[tilespmem:$0x1E800] =	vst v63  }
0x59: {  	_ =	swait.ge [sflag:s19], $0x4000  }
0x5a: {  	[sflag:s19] =	ssyncset.done $0x0  }
0x5b: {  	s29 =	sadd.s32 $0x1400, s25;
	[sflag:s19] =	ssyncadd.s32 $0xFFFFC000  }
0x5c: {  	[spmem:s1] =	stream.indirect.scatter.add.f32 [tilespmem:s17], [sflag:$0x3], $0x80, s29, s16, $0xb8;
	[tilespmem:$0x1E800] =	vst v63  }
0x5d: {  	_ =	swait.ge [sflag:s14], $0x4000  }
0x5e: {  	[sflag:s14] =	ssyncset.done $0x0  }
0x5f: {  	s30 =	sadd.s32 $0x100, s25;
	[sflag:s14] =	ssyncadd.s32 $0xFFFFC000  }
0x60: {  	[tilespmem:s17], [sflag:$0x1] =	stream.indirect.gather [hbm4b:s4+s16], $0x80, s30, s16, $0xb8;
	[tilespmem:$0x1E800] =	vst v63  }
0x61: {  	_ =	swait.ge [sflag:s20], $0x4000  }
0x62: {  	[sflag:s20] =	ssyncset.done $0x0  }
0x63: {  	s31 =	sadd.s32 $0x1480, s25;
	[sflag:s20] =	ssyncadd.s32 $0xFFFFC000  }
0x64: {  	[spmem:s1] =	stream.indirect.scatter.add.f32 [tilespmem:s18], [sflag:$0x3], $0x80, s31, s16, $0xb8;
	[tilespmem:$0x1E800] =	vst v63  }
0x65: {  	_ =	swait.ge [sflag:s14], $0x4000  }
0x66: {  	[sflag:s14] =	ssyncset.done $0x0  }
0x67: {  	[sflag:s14] =	ssyncadd.s32 $0xFFFFC000  }
0x68: {  	[tilespmem:s18], [sflag:$0x2] =	stream.indirect.gather [hbm4b:s4+s16], $0x80, s21, s16, $0xb8;
	[tilespmem:$0x1E800] =	vst v63  }
0x69: {  	_ =	swait.ge [sflag:s19], $0x4000  }
0x6a: {  	[sflag:s19] =	ssyncset.done $0x0  }
0x6b: {  	[sflag:s19] =	ssyncadd.s32 $0xFFFFC000  }
0x6c: {  	[spmem:s1] =	stream.indirect.scatter.add.f32 [tilespmem:s17], [sflag:$0x3], $0x80, s22, s16, $0xb8;
	[tilespmem:$0x1E800] =	vst v63  }
0x6d: {  	_ =	swait.ge [sflag:s14], $0x4000  }
0x6e: {  	[sflag:s14] =	ssyncset.done $0x0  }
0x6f: {  	[sflag:s14] =	ssyncadd.s32 $0xFFFFC000  }
0x70: {  	_ =	swait.ge [sflag:s20], $0x4000  }
0x71: {  	[sflag:s20] =	ssyncset.done $0x0  }
0x72: {  	[sflag:s20] =	ssyncadd.s32 $0xFFFFC000  }
0x73: {  	[spmem:s1] =	stream.indirect.scatter.add.f32 [tilespmem:s18], [sflag:$0x3], $0x80, s23, s16, $0xb8;
	[tilespmem:$0x1E800] =	vst v63  }
0x74: {  	_ =	swait.ge [sflag:s14], $0x4000  }
0x75: {  	[sflag:s14] =	ssyncset.done $0x0  }
0x76: {  	[sflag:s14] =	ssyncadd.s32 $0xFFFFC000  }
0x77: {  	[tilespmem:s3], [sflag:$0x3] =	stream.linear.gather [hbm4b:s9+s3], $0x1400, $0x38;
	[tilespmem:$0x1E800] =	vst v63  }
0x78: {  	_ =	swait.ge [sflag:s14], $0x1400  }
0x79: {  	[sflag:s14] =	ssyncset.done $0x0  }
0x7a: {  	[sflag:s14] =	ssyncadd.s32 $0xFFFFEC00  }
0x7b: {  	[tilespmem:s15], [sflag:$0x3] =	stream.linear.gather [hbm4b:s10+s3], $0x1400, $0x38;
	[tilespmem:$0x1E800] =	vst v63  }
0x7c: {  	_ =	swait.ge [sflag:s14], $0x1400  }
0x7d: {  	[sflag:s14] =	ssyncset.done $0x0  }
0x7e: {  	s25 =	simm.s32 $0x70;
	[sflag:s14] =	ssyncadd.s32 $0xFFFFEC00  }
0x7f: {  	v3 =	vld [tilespmem:s25+$0xFFFFFF90]  }
0x80: {  	v5 =	vld [tilespmem:s25+$0xFFFFFFA0]  }
0x81: {  	v4 =	vld [tilespmem:s25+$0xFFFFFFB0]  }
0x82: {  	v2 =	vld [tilespmem:s25+$0xFFFFFFC0]  }
0x83: {  	v1 =	vld [tilespmem:s25+$0xFFFFFFD0]  }
0x84: {  	s26 =	simm.s32 $0x3C0;
	v6 =	vadd.s32 v0, v3;
	v3 =	vld [tilespmem:s25+$0xFFFFFFE0]  }
.LBB2_6:
0x85: {  	p0 =	sne.s32 s26, $0x4FC0;
	[tilespmem:s25+$0xFFFFFF90] =	vst v6;
	v5 =	vadd.s32 v0, v5;
	v6 =	vld [tilespmem:s25+$0x0]  }
0x86: {  	s28 =	sshra.s32 s26, $0x2;
	[tilespmem:s25+$0xFFFFFFA0] =	vst v5;
	v4 =	vadd.s32 v0, v4;
	v7 =	vld [tilespmem:s25+$0xFFFFFFF0]  }
0x87: {  	v8 =	vld [tilespmem:s28+$0xFFFFFF90];
	[tilespmem:s25+$0xFFFFFFB0] =	vst v4;
	v2 =	vadd.s32 v0, v2  }
.Ltmp2:
0x88: {  	v5 =	vld [tilespmem:s28+$0xFFFFFFA0];
	[tilespmem:s25+$0xFFFFFFC0] =	vst v2;
	v1 =	vadd.s32 v0, v1;
	(pc) =	sbr.rel @p0 .LBB2_6-.Ltmp2, $4  }
0x89: {  	v4 =	vld [tilespmem:s28+$0xFFFFFFB0];
	[tilespmem:s25+$0xFFFFFFD0] =	vst v1;
	v1 =	vadd.s32 v0, v3  }
0x8a: {  	v2 =	vld [tilespmem:s28+$0xFFFFFFC0];
	[tilespmem:s25+$0xFFFFFFE0] =	vst v1;
	v3 =	vadd.s32 v0, v6  }
0x8b: {  	v1 =	vld [tilespmem:s28+$0xFFFFFFD0];
	v7 =	vadd.s32 v0, v7;
	[tilespmem:s25+$0x0] =	vst v3  }
0x8c: {  	s26 =	sadd.s32 $0x200, s26;
	v6 =	vadd.s32 v0, v8;
	v3 =	vld [tilespmem:s28+$0xFFFFFFE0];
	[tilespmem:s25+$0xFFFFFFF0] =	vst v7;
	s25 =	smov.u32 s28  }
0x8d: {  	[tilespmem:s25+$0xFFFFFF90] =	vst v6;
	v5 =	vadd.s32 v0, v5;
	v62 =	vld [tilespmem:s25+$0x0]  }
0x8e: {  	v63 =	vld [tilespmem:s25+$0xFFFFFFF0];
	[tilespmem:s25+$0xFFFFFFA0] =	vst v5;
	v4 =	vadd.s32 v0, v4  }
0x8f: {  	[tilespmem:s25+$0xFFFFFFB0] =	vst v4;
	v2 =	vadd.s32 v0, v2  }
0x90: {  	[tilespmem:s25+$0xFFFFFFC0] =	vst v2;
	v1 =	vadd.s32 v0, v1  }
0x91: {  	[tilespmem:s25+$0xFFFFFFD0] =	vst v1;
	v1 =	vadd.s32 v0, v3  }
0x92: {  	[tilespmem:s25+$0xFFFFFFE0] =	vst v1;
	v1 =	vadd.s32 v0, v62  }
0x93: {  	v2 =	vadd.s32 v0, v63;
	[tilespmem:s25+$0x0] =	vst v1  }
0x94: {  	s26 =	simm.s32 $0x0;
	[tilespmem:s25+$0xFFFFFFF0] =	vst v2  }
0x95: {  	[tilespmem:s17], [sflag:$0x1] =	stream.indirect.gather [hbm4b:s4+s16], $0x80, s26, s16, $0xb8;
	[tilespmem:$0x1E800] =	vst v63  }
0x96: {  	s28 =	simm.s32 $0x80  }
0x97: {  	[tilespmem:s18], [sflag:$0x2] =	stream.indirect.gather [hbm4b:s4+s16], $0x80, s28, s16, $0xb8;
	[tilespmem:$0x1E800] =	vst v63  }
0x98: {  	_ =	swait.ge [sflag:s19], $0x4000  }
0x99: {  	[sflag:s19] =	ssyncset.done $0x0  }
0x9a: {  	s29 =	simm.s32 $0x1400;
	[sflag:s19] =	ssyncadd.s32 $0xFFFFC000  }
0x9b: {  	[spmem:s1] =	stream.indirect.scatter.add.f32 [tilespmem:s17], [sflag:$0x3], $0x80, s29, s16, $0xb8;
	[tilespmem:$0x1E800] =	vst v63  }
0x9c: {  	_ =	swait.ge [sflag:s14], $0x4000  }
0x9d: {  	[sflag:s14] =	ssyncset.done $0x0  }
0x9e: {  	s30 =	simm.s32 $0x100;
	[sflag:s14] =	ssyncadd.s32 $0xFFFFC000  }
0x9f: {  	[tilespmem:s17], [sflag:$0x1] =	stream.indirect.gather [hbm4b:s4+s16], $0x80, s30, s16, $0xb8;
	[tilespmem:$0x1E800] =	vst v63  }
0xa0: {  	_ =	swait.ge [sflag:s20], $0x4000  }
0xa1: {  	[sflag:s20] =	ssyncset.done $0x0  }
0xa2: {  	s31 =	simm.s32 $0x1480;
	[sflag:s20] =	ssyncadd.s32 $0xFFFFC000  }
0xa3: {  	[spmem:s1] =	stream.indirect.scatter.add.f32 [tilespmem:s18], [sflag:$0x3], $0x80, s31, s16, $0xb8;
	[tilespmem:$0x1E800] =	vst v63  }
0xa4: {  	_ =	swait.ge [sflag:s14], $0x4000  }
0xa5: {  	s25 =	simm.s32 $0x100;
	s26 =	simm.s32 $0x800;
	[sflag:s14] =	ssyncset.done $0x0  }
.LBB2_8:
0xa6: {  	s28 =	sadd.s32 $0x80, s25  }
0xa7: {  	[sflag:s14] =	ssyncadd.s32 $0xFFFFC000;
	s29 =	smov.u32 s26;
	s30 =	sadd.s32 $0x400, s26  }
0xa8: {  	[tilespmem:s18], [sflag:$0x2] =	stream.indirect.gather [hbm4b:s4+s16], $0x80, s28, s16, $0xb8;
	[tilespmem:$0x1E800] =	vst v63  }
0xa9: {  	p0 =	sne.s32 s26, $0x4800;
	_ =	swait.ge [sflag:s19], $0x4000  }
0xaa: {  	[sflag:s19] =	ssyncset.done $0x0  }
0xab: {  	s26 =	sadd.s32 $0x1400, s25;
	[sflag:s19] =	ssyncadd.s32 $0xFFFFC000  }
0xac: {  	[spmem:s1] =	stream.indirect.scatter.add.f32 [tilespmem:s17], [sflag:$0x3], $0x80, s26, s16, $0xb8;
	[tilespmem:$0x1E800] =	vst v63  }
0xad: {  	_ =	swait.ge [sflag:s14], $0x4000  }
0xae: {  	[sflag:s14] =	ssyncset.done $0x0  }
0xaf: {  	s26 =	sadd.s32 $0x100, s25;
	[sflag:s14] =	ssyncadd.s32 $0xFFFFC000  }
0xb0: {  	[tilespmem:s17], [sflag:$0x1] =	stream.indirect.gather [hbm4b:s4+s16], $0x80, s26, s16, $0xb8;
	[tilespmem:$0x1E800] =	vst v63  }
0xb1: {  	_ =	swait.ge [sflag:s20], $0x4000  }
.Ltmp3:
0xb2: {  	[sflag:s20] =	ssyncset.done $0x0;
	(pc) =	sbr.rel @p0 .LBB2_8-.Ltmp3, $4  }
0xb3: {  	s25 =	sadd.s32 $0x1480, s25;
	[sflag:s20] =	ssyncadd.s32 $0xFFFFC000  }
0xb4: {  	[spmem:s1] =	stream.indirect.scatter.add.f32 [tilespmem:s18], [sflag:$0x3], $0x80, s25, s16, $0xb8;
	[tilespmem:$0x1E800] =	vst v63  }
0xb5: {  	_ =	swait.ge [sflag:s14], $0x4000  }
0xb6: {  	s26 =	smov.u32 s30;
	s25 =	sshra.s32 s29, $0x2;
	[sflag:s14] =	ssyncset.done $0x0  }
0xb7: {  	s26 =	sadd.s32 $0x80, s25;
	[sflag:s14] =	ssyncadd.s32 $0xFFFFC000  }
0xb8: {  	[tilespmem:s18], [sflag:$0x2] =	stream.indirect.gather [hbm4b:s4+s16], $0x80, s26, s16, $0xb8;
	[tilespmem:$0x1E800] =	vst v63  }
0xb9: {  	_ =	swait.ge [sflag:s19], $0x4000  }
0xba: {  	[sflag:s19] =	ssyncset.done $0x0  }
0xbb: {  	s29 =	sadd.s32 $0x1400, s25;
	[sflag:s19] =	ssyncadd.s32 $0xFFFFC000  }
0xbc: {  	[spmem:s1] =	stream.indirect.scatter.add.f32 [tilespmem:s17], [sflag:$0x3], $0x80, s29, s16, $0xb8;
	[tilespmem:$0x1E800] =	vst v63  }
0xbd: {  	_ =	swait.ge [sflag:s14], $0x4000  }
0xbe: {  	[sflag:s14] =	ssyncset.done $0x0  }
0xbf: {  	s30 =	sadd.s32 $0x100, s25;
	[sflag:s14] =	ssyncadd.s32 $0xFFFFC000  }
0xc0: {  	[tilespmem:s17], [sflag:$0x1] =	stream.indirect.gather [hbm4b:s4+s16], $0x80, s30, s16, $0xb8;
	[tilespmem:$0x1E800] =	vst v63  }
0xc1: {  	_ =	swait.ge [sflag:s20], $0x4000  }
0xc2: {  	[sflag:s20] =	ssyncset.done $0x0  }
0xc3: {  	s31 =	sadd.s32 $0x1480, s25;
	[sflag:s20] =	ssyncadd.s32 $0xFFFFC000  }
0xc4: {  	[spmem:s1] =	stream.indirect.scatter.add.f32 [tilespmem:s18], [sflag:$0x3], $0x80, s31, s16, $0xb8;
	[tilespmem:$0x1E800] =	vst v63  }
0xc5: {  	_ =	swait.ge [sflag:s14], $0x4000  }
0xc6: {  	[sflag:s14] =	ssyncset.done $0x0  }
0xc7: {  	[sflag:s14] =	ssyncadd.s32 $0xFFFFC000  }
0xc8: {  	[tilespmem:s18], [sflag:$0x2] =	stream.indirect.gather [hbm4b:s4+s16], $0x80, s21, s16, $0xb8;
	[tilespmem:$0x1E800] =	vst v63  }
0xc9: {  	_ =	swait.ge [sflag:s19], $0x4000  }
0xca: {  	[sflag:s19] =	ssyncset.done $0x0  }
0xcb: {  	[sflag:s19] =	ssyncadd.s32 $0xFFFFC000  }
0xcc: {  	[spmem:s1] =	stream.indirect.scatter.add.f32 [tilespmem:s17], [sflag:$0x3], $0x80, s22, s16, $0xb8;
	[tilespmem:$0x1E800] =	vst v63  }
0xcd: {  	_ =	swait.ge [sflag:s14], $0x4000  }
0xce: {  	[sflag:s14] =	ssyncset.done $0x0  }
0xcf: {  	[sflag:s14] =	ssyncadd.s32 $0xFFFFC000  }
0xd0: {  	_ =	swait.ge [sflag:s20], $0x4000  }
0xd1: {  	[sflag:s20] =	ssyncset.done $0x0  }
0xd2: {  	[sflag:s20] =	ssyncadd.s32 $0xFFFFC000  }
0xd3: {  	[spmem:s1] =	stream.indirect.scatter.add.f32 [tilespmem:s18], [sflag:$0x3], $0x80, s23, s16, $0xb8;
	[tilespmem:$0x1E800] =	vst v63  }
0xd4: {  	_ =	swait.ge [sflag:s14], $0x4000  }
0xd5: {  	s24 =	sadd.s32 $0x1, s24;
	[sflag:s14] =	ssyncset.done $0x0  }
0xd6: {  	p0 =	sne.s32 s24, s12;
	[sflag:s14] =	ssyncadd.s32 $0xFFFFC000  }
.Ltmp4:
0xd7: {  	[bflag:$0x0] =	sbarrier.arrive $0xFFFF;
	(pc) =	sbr.rel @p0 .LBB2_1-.Ltmp4, $4  }
0xd8: {  	[hbm:s11], [sflag:s6] =	dma.local [spmem:s13], $0x2800  }
0xd9: {  	_ =	swait.ge [sflag:s14], $0x2800  }
0xda: {  	[sflag:s14] =	ssyncset.done $0x0  }
0xdb: {  	[sflag:s14] =	ssyncadd.s32 $0xFFFFD800  }
0xdc: {  	_ =	sfence.sel $0x180000  }
0xdd: {  	[bflag:$0x0] =	sbarrier.arrive $0xFFFF  }
0xde: {  	p0 =	sne.s32 s2, $0x0;
	_ =	strace $0x9000004D  }
0xdf: {  	s0 =	sadd.s32 @!p0 $0x100000, s0;
	[bflag:$0x2] =	sbarrier.arrive $0xFFFF  }
0xe0: {  	[sflag:s0] =	ssyncadd.tile.s32 @!p0 $0x1;
	_ =	shalt  }
.Lfunc_end2:
_tile_overlayer_lowered:
.L_overlay_start_2:
0xe1: {  	(tag) =	ssettag $0x2  }
0xe2: {  	s0 =	rddreg [dreg:$0x0];
	s2 =	stileid.u32  }
0xe3: {  	s1 =	rddreg [dreg:$0x1];
	p0 =	sne.s32 s2, $0x0  }
0xe4: {  	s3 =	rddreg [dreg:$0x2];
	[bflag:$0x3] =	sbarrier.arrive $0xFFFF;
	s2 =	simm.s32 @!p0 $0x1C03  }
0xe5: {  	[timem:s3], [sflag:s2] =	dma.local @!p0 [hbm:s0], s1  }
0xe6: {  	s0 =	simm.s32 @!p0 $0x3  }
0xe7: {  	_ =	swait.ge @!p0 [sflag:s0], s1  }
0xe8: {  	s1 =	ssub.s32 @!p0 $0x0, s1;
	[sflag:s0] =	ssyncset.done @!p0 $0x0  }
0xe9: {  	[sflag:s0] =	ssyncadd.s32 @!p0 s1  }
0xea: {  	[bflag:$0x3] =	sbarrier.arrive $0xFFFF  }
0xeb: {  	_ =	shalt  }

// kernel: kernel.9.cloned.1.call-start
scs
__scs_entry_jumppad:
0x0: {  	(pc) =	sbr.rel $0x88, $3  }
0x1: {  	(tag) =	ssettag $0x0;
	lr =	simm.s32 $0x1  }
0x2: {  	[smem:$0x3F87] =	sst lr;
	_ =	strace $0xD0000000  }
0x3: {  	_ = 	snop  }
0x4: {  	_ = 	snop  }
0x5: {  	_ = 	snop  }
0x6: {  	_ = 	snop  }
0x7: {  	_ = 	snop  }
__scs_overlays_trampoline_lowered:
0x8: {  	[smem:$0x3F96] =	sst s0  }
0x9: {  	[smem:$0x3F97] =	sst s1  }
0xa: {  	[smem:$0x3F98] =	sst s2  }
0xb: {  	[smem:$0x3F99] =	sst s3  }
0xc: {  	[smem:$0x3F9A] =	sst s4  }
0xd: {  	[smem:$0x3F9B] =	sst s5  }
0xe: {  	[smem:$0x3F9C] =	sst s6  }
0xf: {  	[smem:$0x3F9D] =	sst s7  }
0x10: {  	[smem:$0x3F9E] =	sst s8  }
0x11: {  	[smem:$0x3F9F] =	sst s9;
	s0 =	simm.s32 @!p0 $0x0  }
0x12: {  	s1 =	sld [smem:$0x3F85];
	s0 =	simm.s32 @p0 $0x1  }
0x13: {  	[smem:$0x3FA0] =	sst s0;
	s0 =	simm.s32 @!p1 $0x0  }
0x14: {  	s2 =	sld [smem:$0x3F84];
	s0 =	simm.s32 @p1 $0x1  }
0x15: {  	[smem:$0x3FA1] =	sst s0;
	s0 =	simm.s32 @!p2 $0x0  }
0x16: {  	s3 =	sld [smem:$0x3FDB];
	s0 =	simm.s32 @p2 $0x1  }
0x17: {  	s4 =	simm.s32 $0x1BF5;
	[smem:$0x3FA3] =	sst s0  }
0x18: {  	s0 =	sld [smem:$0x3F86];
	_ =	swait.ge [sflag:s4], $0x0  }
0x19: {  	s7 =	sld [smem:$0x3F87]  }
0x1a: {  	s8 =	sadd.s32 $0xFFFFE003, lr  }
0x1b: {  	s9 =	sadd.s32 $0xFFFFFEF7, lr;
	s5 =	simm.s32 $0xFFFFFFFF;
	p2 =	slt.u32 s8, $0xFFFFF086  }
0x1c: {  	p1 =	slt.u32 s9, $0xF7A;
	s5 =	simm.s32 @!p2 $0x0  }
0x1d: {  	s5 =	simm.s32 @p1 $0x1;
	p0 =	seq.s32 s7, s2  }
0x1e: {  	s7 =	smul.u32 @!p0 $0xF7A, s2;
	p2 =	seq.s32 @!p0 s5, $0x0  }
0x1f: {  	s9 =	smul.u32 $0xF7A, s1;
	s8 =	simm.s32 @!p0 $0x1BF5;
	p2 =	por !p2, p0  }
0x20: {  	[sflag:s8] =	ssyncset.s32 @!p0 $0xFFFFF086;
	s6 =	sadd.s32 @!p0 s3, s7;
	s7 =	simm.s32 @!p0 $0x108  }
0x21: {  	s3 =	sadd.s32 s3, s9;
	s6 =	sadd.s32 @!p0 $0x88, s6;
	s7 =	simm.s32 @p2 $0x1082  }
0x22: {  	[simem:s7], [sflag:s8] =	dma.local @!p0 [hbm:s6], $0xF7A  }
0x23: {  	s9 =	sor.u32 $0xD0000000, s2;
	s6 =	simm.s32 $0x108;
	_ =	swait.ge @!p0 [sflag:s8], $0x0  }
0x24: {  	s3 =	sadd.s32 $0x88, s3;
	s6 =	simm.s32 @!p1 $0x1082;
	[sflag:s4] =	ssyncset.s32 $0xFFFFF086  }
0x25: {  	[simem:s6], [sflag:s4] =	dma.local [hbm:s3], $0xF7A  }
0x26: {  	[smem:$0x3F87] =	sst s1;
	(tag) =	ssettag s2;
	_ =	strace s9  }
0x27: {  	s1 =	sld [smem:$0x3F97]  }
0x28: {  	s2 =	sld [smem:$0x3F98]  }
0x29: {  	s4 =	sld [smem:$0x3F9A]  }
0x2a: {  	p0 =	seq.s32 s5, $0x0;
	s5 =	sld [smem:$0x3F9B]  }
0x2b: {  	s6 =	sld [smem:$0x3F9C]  }
0x2c: {  	s7 =	sld [smem:$0x3F9D]  }
0x2d: {  	s3 =	simm.s32 $0x108;
	s8 =	sld [smem:$0x3F9E]  }
0x2e: {  	s3 =	simm.s32 @!p0 $0x1082;
	s9 =	sld [smem:$0x3F9F]  }
0x2f: {  	lr =	sadd.s32 s0, s3;
	s0 =	sld [smem:$0x3F96]  }
0x30: {  	s3 =	sld [smem:$0x3F99]  }
0x31: {  	[smem:$0x3FA2] =	sst s10  }
0x32: {  	s10 =	sld [smem:$0x3FA0];
	_ =	sdelay $0x3  }
0x33: {  	p0 =	seq.s32 s10, $0x1;
	s10 =	sld [smem:$0x3FA2];
	_ =	sdelay $0x3  }
0x34: {  	[smem:$0x3FA2] =	sst s10  }
0x35: {  	s10 =	sld [smem:$0x3FA1];
	_ =	sdelay $0x3  }
0x36: {  	p1 =	seq.s32 s10, $0x1;
	s10 =	sld [smem:$0x3FA2];
	_ =	sdelay $0x3  }
0x37: {  	[smem:$0x3FA2] =	sst s10  }
0x38: {  	s10 =	sld [smem:$0x3FA3]  }
0x39: {  	_ = 	snop;
	(pc) =	sbr.ind lr, $3  }
0x3a: {  	_ = 	snop  }
0x3b: {  	_ = 	snop  }
0x3c: {  	p2 =	seq.s32 s10, $0x1;
	s10 =	sld [smem:$0x3FA2]  }
0x3d: {  	_ =	shalt  }
0x3e: {  	_ =	shalt  }
0x3f: {  	_ =	shalt  }
0x40: {  	_ =	shalt  }
0x41: {  	_ =	shalt  }
0x42: {  	_ =	shalt  }
0x43: {  	_ =	shalt  }
0x44: {  	_ =	shalt  }
0x45: {  	_ =	shalt  }
0x46: {  	_ =	shalt  }
0x47: {  	_ =	shalt  }
0x48: {  	_ =	shalt  }
0x49: {  	_ =	shalt  }
0x4a: {  	_ =	shalt  }
0x4b: {  	_ =	shalt  }
0x4c: {  	_ =	shalt  }
0x4d: {  	_ =	shalt  }
0x4e: {  	_ =	shalt  }
0x4f: {  	_ =	shalt  }
0x50: {  	_ =	shalt  }
0x51: {  	_ =	shalt  }
0x52: {  	_ =	shalt  }
0x53: {  	_ =	shalt  }
0x54: {  	_ =	shalt  }
0x55: {  	_ =	shalt  }
0x56: {  	_ =	shalt  }
0x57: {  	_ =	shalt  }
0x58: {  	_ =	shalt  }
0x59: {  	_ =	shalt  }
0x5a: {  	_ =	shalt  }
0x5b: {  	_ =	shalt  }
0x5c: {  	_ =	shalt  }
0x5d: {  	_ =	shalt  }
0x5e: {  	_ =	shalt  }
0x5f: {  	_ =	shalt  }
0x60: {  	_ =	shalt  }
0x61: {  	_ =	shalt  }
0x62: {  	_ =	shalt  }
0x63: {  	_ =	shalt  }
0x64: {  	_ =	shalt  }
0x65: {  	_ =	shalt  }
0x66: {  	_ =	shalt  }
0x67: {  	_ =	shalt  }
0x68: {  	_ =	shalt  }
0x69: {  	_ =	shalt  }
0x6a: {  	_ =	shalt  }
0x6b: {  	_ =	shalt  }
0x6c: {  	_ =	shalt  }
0x6d: {  	_ =	shalt  }
0x6e: {  	_ =	shalt  }
0x6f: {  	_ =	shalt  }
0x70: {  	_ =	shalt  }
0x71: {  	_ =	shalt  }
0x72: {  	_ =	shalt  }
0x73: {  	_ =	shalt  }
0x74: {  	_ =	shalt  }
0x75: {  	_ =	shalt  }
0x76: {  	_ =	shalt  }
0x77: {  	_ =	shalt  }
0x78: {  	_ =	shalt  }
0x79: {  	_ =	shalt  }
0x7a: {  	_ =	shalt  }
0x7b: {  	_ =	shalt  }
0x7c: {  	_ =	shalt  }
0x7d: {  	_ =	shalt  }
0x7e: {  	_ =	shalt  }
0x7f: {  	_ =	shalt  }
0x80: {  	_ =	shalt  }
0x81: {  	_ =	shalt  }
0x82: {  	_ =	shalt  }
0x83: {  	_ =	shalt  }
0x84: {  	_ =	shalt  }
0x85: {  	_ =	shalt  }
0x86: {  	_ =	shalt  }
0x87: {  	_ =	shalt  }
.Lfunc_end0:
.L_simem_size_0:
called_computation_lowered:
.L_overlay_start_0:
0x88: {  	s2 =	sld [smem:$0x3FD9]  }
0x89: {  	s3 =	sld [smem:$0x3FFE];
	_ =	sdelay $0x1  }
0x8a: {  	s1 =	srdreg.scid  }
0x8b: {  	s0 =	sand.u32 $0x1, s1  }
0x8c: {  	s16 =	sshll.u32 s0, $0xA;
	s2 =	sadd.s32 s3, s2  }
0x8d: {  	s2 =	sadd.s32 s2, s16  }
0x8e: {  	[smem:$0x3FAE] =	sst s2  }
0x8f: {  	_ = 	snop  }
0x90: {  	(tm) =	ssettm $0x1  }
0x91: {  	s17 =	sld [smem:$0x3FFB];
	_ =	sdelay $0x3  }
0x92: {  	_ =	strace s17  }
0x93: {  	s2 =	sld [smem:$0x3FFC];
	_ =	sdelay $0x3  }
0x94: {  	_ =	strace s2  }
0x95: {  	s2 =	sld [smem:$0x3FFD];
	_ =	sdelay $0x3  }
0x96: {  	_ =	strace s2  }
0x97: {  	_ =	strace $0x8FFFFFFF  }
0x98: {  	s18 =	sld [smem:$0x3FDB];
	_ =	sdelay $0x1  }
0x99: {  	s19 =	simm.s32 $_scs_section_size  }
0x9a: {  	s4 =	simm.s32 $_size__tile_overlayer_lowered;
	s5 =	simm.s32 $_tile_overlayer_lowered  }
0x9b: {  	s22 =	simm.s32 $0x1BFF;
	s21 =	sshll.u32 s5, $0x1;
	s2 =	sadd.s32 s19, s18  }
0x9c: {  	s6 =	simm.s32 $0x0;
	s20 =	sshll.u32 s4, $0x1;
	s4 =	sadd.s32 s21, s2  }
0x9d: {  	[timem:s6], [sflag:s22] =	dma.local [hbm:s4], s20  }
0x9e: {  	_ =	swait.ge [sflag:s22], s20  }
0x9f: {  	s3 =	ssub.s32 $0x0, s20;
	[sflag:s22] =	ssyncset.done $0x0  }
0xa0: {  	[sflag:s22] =	ssyncadd.s32 s3;
	_ =	sdelay $0x1  }
0xa1: {  	s23 =	simm.s32 $0x1B8B  }
0xa2: {  	_ =	swait.ge [sflag:s23], $0x1  }
0xa3: {  	[sflag:s23] =	ssyncset.done $0x0  }
0xa4: {  	s25 =	simm.s32 $0x1B8E;
	s24 =	sld [smem:$0x3FFE];
	[sflag:s23] =	ssyncadd.s32 $0xFFFFFFFF  }
0xa5: {  	s26 =	simm.s32 $execute0_lowered;
	[smem:$0x3FD2] =	sst s25  }
0xa6: {  	s4 =	sshll.u32 s26, $0x1;
	_ =	strace $0x80000046;
	[dreg:$0x1] =	wrdreg $0xFFFFFFFF  }
0xa7: {  	s28 =	simm.s32 $_size_execute0_lowered;
	s2 =	sadd.s32 s2, s4;
	[dreg:$0x0] =	wrdreg $0x0  }
0xa8: {  	s4 =	sshll.u32 s28, $0x1;
	[dreg:$0x2] =	wrdreg s2  }
0xa9: {  	[dreg:$0x3] =	wrdreg s4  }
0xaa: {  	[dreg:$0x4] =	wrdreg $0xC0  }
0xab: {  	_ =	task [dreg:s6], $0x5FFFF  }
0xac: {  	[dreg:$0x1] =	wrdreg $0xFFFFFFFF  }
0xad: {  	[dreg:$0x0] =	wrdreg $0x60  }
0xae: {  	[dreg:$0x2] =	wrdreg s24  }
0xaf: {  	[dreg:$0x3] =	wrdreg $0xA8000  }
0xb0: {  	[dreg:$0x4] =	wrdreg $0x9  }
0xb1: {  	_ =	task.clear_ibuf [dreg:s6], $0x5FFFF;
	_ =	strace $0x90000046  }
0xb2: {  	s29 =	simm.s32 $0x9;
	_ =	strace $0x80000048  }
0xb3: {  	_ =	swait.ge [sflag:s29], $0x1  }
0xb4: {  	[sflag:s29] =	ssyncadd.s32 $0xFFFFFFFF  }
0xb5: {  	_ =	strace $0x90000048  }
0xb6: {  	_ =	sfence  }
0xb7: {  	s30 =	sld [smem:$0x0];
	_ =	sdelay $0x2  }
0xb8: {  	s31 =	sshll.u32 s1, $0xD;
	s1 =	sshrl.u32 s1, $0x2  }
0xb9: {  	s3 =	sand.u32 $0x4000, s31;
	s1 =	sadd.s32 s1, s30  }
0xba: {  	s0 =	sor.u32 s3, s0;
	s1 =	sshll.u32 s1, $0x11  }
0xbb: {  	s0 =	sor.u32 s1, s0  }
0xbc: {  	s0 =	sadd.s32 $0x8F2B, s0  }
0xbd: {  	[sflag:s0] =	ssyncadd.remote.s32 $0x1  }
0xbe: {  	_ =	sfence.sel $0xFFFF  }
0xbf: {  	[dreg:$0x0] =	wrdreg $0xFFFFFFFF;
	(pc) =	sbr.abs _section_cstart, $3  }
0xc0: {  	[dreg:$0x1] =	wrdreg $0xFFFFFFFF  }
0xc1: {  	_ =	task.clear_ibuf [dreg:s6], $0x2FFFF;
	_ =	strace $0x9FFFFFFF  }
0xc2: {  	(tm) =	ssettm $0x7FFFFFFF  }
0xc3: {  	_ =	shalt  }
tec
execute0_lowered:
.L_overlay_start_1:
0x0: {  	(tag) =	ssettag $0x1  }
0x1: {  	s5 =	rddreg [dreg:$0x0]  }
0x2: {  	s1 =	rddreg [dreg:$0x1];
	s2 =	srdreg.scid  }
0x3: {  	s0 =	rddreg [dreg:$0x2];
	s3 =	simm.s32 $0x0;
	s16 =	simm.s32 $0x80  }
0x4: {  	s17 =	simm.s32 $0x2800;
	s18 =	simm.s32 $0x6800;
	s19 =	simm.s32 $0x1  }
0x5: {  	s20 =	simm.s32 $0x2;
	s21 =	simm.s32 $0x1380;
	s6 =	sand.u32 $0x1, s2  }
0x6: {  	s23 =	simm.s32 $0x2780;
	s2 =	stileid.u32;
	s22 =	smul.u32 $0x2800, s6  }
0x7: {  	s24 =	simm.s32 $0x0;
	[smem:$0x7FF] =	sst s3;
	s7 =	smul.u32 $0x280, s2  }
0x8: {  	s4 =	sadd.s32 $0xDC00, s5;
	s9 =	sadd.s32 $0x3C00, s5;
	s8 =	smul.u32 $0x50000, s2  }
0x9: {  	s10 =	sadd.s32 $0x8C00, s5;
	_ =	strace $0x80000047;
	s12 =	smul.u32 $0x2800, s2  }
0xa: {  	s6 =	ssub.s32 $0x2, s6;
	s29 =	sshll.u32 s2, $0x6;
	s30 =	smul.u32 $0x500, s2  }
0xb: {  	s11 =	sshrl.u32 s6, $0x1;
	s7 =	sadd.s32 s7, s22;
	s8 =	sshrl.u32 s8, $0x2  }
0xc: {  	s14 =	ssub.s32 s6, s11;
	s31 =	sshrl.u32 s12, $0x3;
	s6 =	sor.u32 $0x1C03, s29  }
0xd: {  	v0 =	vmov s22;
	s22 =	simm.s32 $0x2700;
	s7 =	sshll.u32 s7, $0x4;
	s15 =	sadd.s32 s8, s1  }
0xe: {  	s11 =	sadd.s32 $0x280, s31;
	s8 =	sadd.s32 s10, s30;
	s12 =	smax.u32 s14, $0x1  }
0xf: {  	s14 =	simm.s32 $0x3;
	s13 =	sadd.s32 s7, s5;
	s5 =	sadd.s32 s4, s7  }
0x10: {  	s7 =	sadd.s32 s9, s30;
	s9 =	sadd.s32 s9, s11;
	s10 =	sadd.s32 s10, s11  }
0x11: {  	s11 =	sadd.s32 $0x5DC00, s13;
	s13 =	sshrl.u32 s15, $0x3;
	s15 =	simm.s32 $0x1400  }
.LBB2_1:
0x12: {  	[spmem:s13], [sflag:s6] =	dma.local [hbm:s5], $0x2800  }
0x13: {  	_ =	swait.ge [sflag:s14], $0x2800  }
0x14: {  	[sflag:s14] =	ssyncset.done $0x0  }
0x15: {  	[sflag:s14] =	ssyncadd.s32 $0xFFFFD800  }
0x16: {  	[bflag:$0x0] =	sbarrier.arrive $0xFFFF  }
0x17: {  	[tilespmem:s3], [sflag:$0x3] =	stream.linear.gather [hbm4b:s7+s3], $0x1400, $0x38;
	[tilespmem:$0x1E800] =	vst v63  }
0x18: {  	_ =	swait.ge [sflag:s14], $0x1400  }
0x19: {  	[sflag:s14] =	ssyncset.done $0x0  }
0x1a: {  	[sflag:s14] =	ssyncadd.s32 $0xFFFFEC00  }
0x1b: {  	[tilespmem:s15], [sflag:$0x3] =	stream.linear.gather [hbm4b:s8+s3], $0x1400, $0x38;
	[tilespmem:$0x1E800] =	vst v63  }
0x1c: {  	_ =	swait.ge [sflag:s14], $0x1400  }
0x1d: {  	[sflag:s14] =	ssyncset.done $0x0  }
0x1e: {  	s25 =	simm.s32 $0x70;
	[sflag:s14] =	ssyncadd.s32 $0xFFFFEC00  }
0x1f: {  	v3 =	vld [tilespmem:s25+$0xFFFFFF90]  }
0x20: {  	v5 =	vld [tilespmem:s25+$0xFFFFFFA0]  }
0x21: {  	v4 =	vld [tilespmem:s25+$0xFFFFFFB0]  }
0x22: {  	v2 =	vld [tilespmem:s25+$0xFFFFFFC0]  }
0x23: {  	v1 =	vld [tilespmem:s25+$0xFFFFFFD0]  }
0x24: {  	s26 =	simm.s32 $0x3C0;
	v6 =	vadd.s32 v0, v3;
	v3 =	vld [tilespmem:s25+$0xFFFFFFE0]  }
.LBB2_2:
0x25: {  	p0 =	sne.s32 s26, $0x4FC0;
	[tilespmem:s25+$0xFFFFFF90] =	vst v6;
	v5 =	vadd.s32 v0, v5;
	v6 =	vld [tilespmem:s25+$0x0]  }
0x26: {  	s28 =	sshra.s32 s26, $0x2;
	[tilespmem:s25+$0xFFFFFFA0] =	vst v5;
	v4 =	vadd.s32 v0, v4;
	v7 =	vld [tilespmem:s25+$0xFFFFFFF0]  }
0x27: {  	v8 =	vld [tilespmem:s28+$0xFFFFFF90];
	[tilespmem:s25+$0xFFFFFFB0] =	vst v4;
	v2 =	vadd.s32 v0, v2  }
.Ltmp0:
0x28: {  	v5 =	vld [tilespmem:s28+$0xFFFFFFA0];
	[tilespmem:s25+$0xFFFFFFC0] =	vst v2;
	v1 =	vadd.s32 v0, v1;
	(pc) =	sbr.rel @p0 .LBB2_2-.Ltmp0, $4  }
0x29: {  	v4 =	vld [tilespmem:s28+$0xFFFFFFB0];
	[tilespmem:s25+$0xFFFFFFD0] =	vst v1;
	v1 =	vadd.s32 v0, v3  }
0x2a: {  	v2 =	vld [tilespmem:s28+$0xFFFFFFC0];
	[tilespmem:s25+$0xFFFFFFE0] =	vst v1;
	v3 =	vadd.s32 v0, v6  }
0x2b: {  	v1 =	vld [tilespmem:s28+$0xFFFFFFD0];
	v7 =	vadd.s32 v0, v7;
	[tilespmem:s25+$0x0] =	vst v3  }
0x2c: {  	s26 =	sadd.s32 $0x200, s26;
	v6 =	vadd.s32 v0, v8;
	v3 =	vld [tilespmem:s28+$0xFFFFFFE0];
	[tilespmem:s25+$0xFFFFFFF0] =	vst v7;
	s25 =	smov.u32 s28  }
0x2d: {  	[tilespmem:s25+$0xFFFFFF90] =	vst v6;
	v5 =	vadd.s32 v0, v5;
	v62 =	vld [tilespmem:s25+$0x0]  }
0x2e: {  	v63 =	vld [tilespmem:s25+$0xFFFFFFF0];
	[tilespmem:s25+$0xFFFFFFA0] =	vst v5;
	v4 =	vadd.s32 v0, v4  }
0x2f: {  	[tilespmem:s25+$0xFFFFFFB0] =	vst v4;
	v2 =	vadd.s32 v0, v2  }
0x30: {  	[tilespmem:s25+$0xFFFFFFC0] =	vst v2;
	v1 =	vadd.s32 v0, v1  }
0x31: {  	[tilespmem:s25+$0xFFFFFFD0] =	vst v1;
	v1 =	vadd.s32 v0, v3  }
0x32: {  	[tilespmem:s25+$0xFFFFFFE0] =	vst v1;
	v1 =	vadd.s32 v0, v62  }
0x33: {  	v2 =	vadd.s32 v0, v63;
	[tilespmem:s25+$0x0] =	vst v1  }
0x34: {  	s26 =	simm.s32 $0x0;
	[tilespmem:s25+$0xFFFFFFF0] =	vst v2  }
0x35: {  	[tilespmem:s17], [sflag:$0x1] =	stream.indirect.gather [hbm4b:s4+s16], $0x80, s26, s16, $0xb8;
	[tilespmem:$0x1E800] =	vst v63  }
0x36: {  	s28 =	simm.s32 $0x80  }
0x37: {  	[tilespmem:s18], [sflag:$0x2] =	stream.indirect.gather [hbm4b:s4+s16], $0x80, s28, s16, $0xb8;
	[tilespmem:$0x1E800] =	vst v63  }
0x38: {  	_ =	swait.ge [sflag:s19], $0x4000  }
0x39: {  	[sflag:s19] =	ssyncset.done $0x0  }
0x3a: {  	s29 =	simm.s32 $0x1400;
	[sflag:s19] =	ssyncadd.s32 $0xFFFFC000  }
0x3b: {  	[spmem:s1] =	stream.indirect.scatter.add.f32 [tilespmem:s17], [sflag:$0x3], $0x80, s29, s16, $0xb8;
	[tilespmem:$0x1E800] =	vst v63  }
0x3c: {  	_ =	swait.ge [sflag:s14], $0x4000  }
0x3d: {  	[sflag:s14] =	ssyncset.done $0x0  }
0x3e: {  	s30 =	simm.s32 $0x100;
	[sflag:s14] =	ssyncadd.s32 $0xFFFFC000  }
0x3f: {  	[tilespmem:s17], [sflag:$0x1] =	stream.indirect.gather [hbm4b:s4+s16], $0x80, s30, s16, $0xb8;
	[tilespmem:$0x1E800] =	vst v63  }
0x40: {  	_ =	swait.ge [sflag:s20], $0x4000  }
0x41: {  	[sflag:s20] =	ssyncset.done $0x0  }
0x42: {  	s31 =	simm.s32 $0x1480;
	[sflag:s20] =	ssyncadd.s32 $0xFFFFC000  }
0x43: {  	[spmem:s1] =	stream.indirect.scatter.add.f32 [tilespmem:s18], [sflag:$0x3], $0x80, s31, s16, $0xb8;
	[tilespmem:$0x1E800] =	vst v63  }
0x44: {  	_ =	swait.ge [sflag:s14], $0x4000  }
0x45: {  	s25 =	simm.s32 $0x100;
	s26 =	simm.s32 $0x800;
	[sflag:s14] =	ssyncset.done $0x0  }
.LBB2_4:
0x46: {  	s28 =	sadd.s32 $0x80, s25  }
0x47: {  	[sflag:s14] =	ssyncadd.s32 $0xFFFFC000;
	s29 =	smov.u32 s26;
	s30 =	sadd.s32 $0x400, s26  }
0x48: {  	[tilespmem:s18], [sflag:$0x2] =	stream.indirect.gather [hbm4b:s4+s16], $0x80, s28, s16, $0xb8;
	[tilespmem:$0x1E800] =	vst v63  }
0x49: {  	p0 =	sne.s32 s26, $0x4800;
	_ =	swait.ge [sflag:s19], $0x4000  }
0x4a: {  	[sflag:s19] =	ssyncset.done $0x0  }
0x4b: {  	s26 =	sadd.s32 $0x1400, s25;
	[sflag:s19] =	ssyncadd.s32 $0xFFFFC000  }
0x4c: {  	[spmem:s1] =	stream.indirect.scatter.add.f32 [tilespmem:s17], [sflag:$0x3], $0x80, s26, s16, $0xb8;
	[tilespmem:$0x1E800] =	vst v63  }
0x4d: {  	_ =	swait.ge [sflag:s14], $0x4000  }
0x4e: {  	[sflag:s14] =	ssyncset.done $0x0  }
0x4f: {  	s26 =	sadd.s32 $0x100, s25;
	[sflag:s14] =	ssyncadd.s32 $0xFFFFC000  }
0x50: {  	[tilespmem:s17], [sflag:$0x1] =	stream.indirect.gather [hbm4b:s4+s16], $0x80, s26, s16, $0xb8;
	[tilespmem:$0x1E800] =	vst v63  }
0x51: {  	_ =	swait.ge [sflag:s20], $0x4000  }
.Ltmp1:
0x52: {  	[sflag:s20] =	ssyncset.done $0x0;
	(pc) =	sbr.rel @p0 .LBB2_4-.Ltmp1, $4  }
0x53: {  	s25 =	sadd.s32 $0x1480, s25;
	[sflag:s20] =	ssyncadd.s32 $0xFFFFC000  }
0x54: {  	[spmem:s1] =	stream.indirect.scatter.add.f32 [tilespmem:s18], [sflag:$0x3], $0x80, s25, s16, $0xb8;
	[tilespmem:$0x1E800] =	vst v63  }
0x55: {  	_ =	swait.ge [sflag:s14], $0x4000  }
0x56: {  	s26 =	smov.u32 s30;
	s25 =	sshra.s32 s29, $0x2;
	[sflag:s14] =	ssyncset.done $0x0  }
0x57: {  	s26 =	sadd.s32 $0x80, s25;
	[sflag:s14] =	ssyncadd.s32 $0xFFFFC000  }
0x58: {  	[tilespmem:s18], [sflag:$0x2] =	stream.indirect.gather [hbm4b:s4+s16], $0x80, s26, s16, $0xb8;
	[tilespmem:$0x1E800] =	vst v63  }
0x59: {  	_ =	swait.ge [sflag:s19], $0x4000  }
0x5a: {  	[sflag:s19] =	ssyncset.done $0x0  }
0x5b: {  	s29 =	sadd.s32 $0x1400, s25;
	[sflag:s19] =	ssyncadd.s32 $0xFFFFC000  }
0x5c: {  	[spmem:s1] =	stream.indirect.scatter.add.f32 [tilespmem:s17], [sflag:$0x3], $0x80, s29, s16, $0xb8;
	[tilespmem:$0x1E800] =	vst v63  }
0x5d: {  	_ =	swait.ge [sflag:s14], $0x4000  }
0x5e: {  	[sflag:s14] =	ssyncset.done $0x0  }
0x5f: {  	s30 =	sadd.s32 $0x100, s25;
	[sflag:s14] =	ssyncadd.s32 $0xFFFFC000  }
0x60: {  	[tilespmem:s17], [sflag:$0x1] =	stream.indirect.gather [hbm4b:s4+s16], $0x80, s30, s16, $0xb8;
	[tilespmem:$0x1E800] =	vst v63  }
0x61: {  	_ =	swait.ge [sflag:s20], $0x4000  }
0x62: {  	[sflag:s20] =	ssyncset.done $0x0  }
0x63: {  	s31 =	sadd.s32 $0x1480, s25;
	[sflag:s20] =	ssyncadd.s32 $0xFFFFC000  }
0x64: {  	[spmem:s1] =	stream.indirect.scatter.add.f32 [tilespmem:s18], [sflag:$0x3], $0x80, s31, s16, $0xb8;
	[tilespmem:$0x1E800] =	vst v63  }
0x65: {  	_ =	swait.ge [sflag:s14], $0x4000  }
0x66: {  	[sflag:s14] =	ssyncset.done $0x0  }
0x67: {  	[sflag:s14] =	ssyncadd.s32 $0xFFFFC000  }
0x68: {  	[tilespmem:s18], [sflag:$0x2] =	stream.indirect.gather [hbm4b:s4+s16], $0x80, s21, s16, $0xb8;
	[tilespmem:$0x1E800] =	vst v63  }
0x69: {  	_ =	swait.ge [sflag:s19], $0x4000  }
0x6a: {  	[sflag:s19] =	ssyncset.done $0x0  }
0x6b: {  	[sflag:s19] =	ssyncadd.s32 $0xFFFFC000  }
0x6c: {  	[spmem:s1] =	stream.indirect.scatter.add.f32 [tilespmem:s17], [sflag:$0x3], $0x80, s22, s16, $0xb8;
	[tilespmem:$0x1E800] =	vst v63  }
0x6d: {  	_ =	swait.ge [sflag:s14], $0x4000  }
0x6e: {  	[sflag:s14] =	ssyncset.done $0x0  }
0x6f: {  	[sflag:s14] =	ssyncadd.s32 $0xFFFFC000  }
0x70: {  	_ =	swait.ge [sflag:s20], $0x4000  }
0x71: {  	[sflag:s20] =	ssyncset.done $0x0  }
0x72: {  	[sflag:s20] =	ssyncadd.s32 $0xFFFFC000  }
0x73: {  	[spmem:s1] =	stream.indirect.scatter.add.f32 [tilespmem:s18], [sflag:$0x3], $0x80, s23, s16, $0xb8;
	[tilespmem:$0x1E800] =	vst v63  }
0x74: {  	_ =	swait.ge [sflag:s14], $0x4000  }
0x75: {  	[sflag:s14] =	ssyncset.done $0x0  }
0x76: {  	[sflag:s14] =	ssyncadd.s32 $0xFFFFC000  }
0x77: {  	[tilespmem:s3], [sflag:$0x3] =	stream.linear.gather [hbm4b:s9+s3], $0x1400, $0x38;
	[tilespmem:$0x1E800] =	vst v63  }
0x78: {  	_ =	swait.ge [sflag:s14], $0x1400  }
0x79: {  	[sflag:s14] =	ssyncset.done $0x0  }
0x7a: {  	[sflag:s14] =	ssyncadd.s32 $0xFFFFEC00  }
0x7b: {  	[tilespmem:s15], [sflag:$0x3] =	stream.linear.gather [hbm4b:s10+s3], $0x1400, $0x38;
	[tilespmem:$0x1E800] =	vst v63  }
0x7c: {  	_ =	swait.ge [sflag:s14], $0x1400  }
0x7d: {  	[sflag:s14] =	ssyncset.done $0x0  }
0x7e: {  	s25 =	simm.s32 $0x70;
	[sflag:s14] =	ssyncadd.s32 $0xFFFFEC00  }
0x7f: {  	v3 =	vld [tilespmem:s25+$0xFFFFFF90]  }
0x80: {  	v5 =	vld [tilespmem:s25+$0xFFFFFFA0]  }
0x81: {  	v4 =	vld [tilespmem:s25+$0xFFFFFFB0]  }
0x82: {  	v2 =	vld [tilespmem:s25+$0xFFFFFFC0]  }
0x83: {  	v1 =	vld [tilespmem:s25+$0xFFFFFFD0]  }
0x84: {  	s26 =	simm.s32 $0x3C0;
	v6 =	vadd.s32 v0, v3;
	v3 =	vld [tilespmem:s25+$0xFFFFFFE0]  }
.LBB2_6:
0x85: {  	p0 =	sne.s32 s26, $0x4FC0;
	[tilespmem:s25+$0xFFFFFF90] =	vst v6;
	v5 =	vadd.s32 v0, v5;
	v6 =	vld [tilespmem:s25+$0x0]  }
0x86: {  	s28 =	sshra.s32 s26, $0x2;
	[tilespmem:s25+$0xFFFFFFA0] =	vst v5;
	v4 =	vadd.s32 v0, v4;
	v7 =	vld [tilespmem:s25+$0xFFFFFFF0]  }
0x87: {  	v8 =	vld [tilespmem:s28+$0xFFFFFF90];
	[tilespmem:s25+$0xFFFFFFB0] =	vst v4;
	v2 =	vadd.s32 v0, v2  }
.Ltmp2:
0x88: {  	v5 =	vld [tilespmem:s28+$0xFFFFFFA0];
	[tilespmem:s25+$0xFFFFFFC0] =	vst v2;
	v1 =	vadd.s32 v0, v1;
	(pc) =	sbr.rel @p0 .LBB2_6-.Ltmp2, $4  }
0x89: {  	v4 =	vld [tilespmem:s28+$0xFFFFFFB0];
	[tilespmem:s25+$0xFFFFFFD0] =	vst v1;
	v1 =	vadd.s32 v0, v3  }
0x8a: {  	v2 =	vld [tilespmem:s28+$0xFFFFFFC0];
	[tilespmem:s25+$0xFFFFFFE0] =	vst v1;
	v3 =	vadd.s32 v0, v6  }
0x8b: {  	v1 =	vld [tilespmem:s28+$0xFFFFFFD0];
	v7 =	vadd.s32 v0, v7;
	[tilespmem:s25+$0x0] =	vst v3  }
0x8c: {  	s26 =	sadd.s32 $0x200, s26;
	v6 =	vadd.s32 v0, v8;
	v3 =	vld [tilespmem:s28+$0xFFFFFFE0];
	[tilespmem:s25+$0xFFFFFFF0] =	vst v7;
	s25 =	smov.u32 s28  }
0x8d: {  	[tilespmem:s25+$0xFFFFFF90] =	vst v6;
	v5 =	vadd.s32 v0, v5;
	v62 =	vld [tilespmem:s25+$0x0]  }
0x8e: {  	v63 =	vld [tilespmem:s25+$0xFFFFFFF0];
	[tilespmem:s25+$0xFFFFFFA0] =	vst v5;
	v4 =	vadd.s32 v0, v4  }
0x8f: {  	[tilespmem:s25+$0xFFFFFFB0] =	vst v4;
	v2 =	vadd.s32 v0, v2  }
0x90: {  	[tilespmem:s25+$0xFFFFFFC0] =	vst v2;
	v1 =	vadd.s32 v0, v1  }
0x91: {  	[tilespmem:s25+$0xFFFFFFD0] =	vst v1;
	v1 =	vadd.s32 v0, v3  }
0x92: {  	[tilespmem:s25+$0xFFFFFFE0] =	vst v1;
	v1 =	vadd.s32 v0, v62  }
0x93: {  	v2 =	vadd.s32 v0, v63;
	[tilespmem:s25+$0x0] =	vst v1  }
0x94: {  	s26 =	simm.s32 $0x0;
	[tilespmem:s25+$0xFFFFFFF0] =	vst v2  }
0x95: {  	[tilespmem:s17], [sflag:$0x1] =	stream.indirect.gather [hbm4b:s4+s16], $0x80, s26, s16, $0xb8;
	[tilespmem:$0x1E800] =	vst v63  }
0x96: {  	s28 =	simm.s32 $0x80  }
0x97: {  	[tilespmem:s18], [sflag:$0x2] =	stream.indirect.gather [hbm4b:s4+s16], $0x80, s28, s16, $0xb8;
	[tilespmem:$0x1E800] =	vst v63  }
0x98: {  	_ =	swait.ge [sflag:s19], $0x4000  }
0x99: {  	[sflag:s19] =	ssyncset.done $0x0  }
0x9a: {  	s29 =	simm.s32 $0x1400;
	[sflag:s19] =	ssyncadd.s32 $0xFFFFC000  }
0x9b: {  	[spmem:s1] =	stream.indirect.scatter.add.f32 [tilespmem:s17], [sflag:$0x3], $0x80, s29, s16, $0xb8;
	[tilespmem:$0x1E800] =	vst v63  }
0x9c: {  	_ =	swait.ge [sflag:s14], $0x4000  }
0x9d: {  	[sflag:s14] =	ssyncset.done $0x0  }
0x9e: {  	s30 =	simm.s32 $0x100;
	[sflag:s14] =	ssyncadd.s32 $0xFFFFC000  }
0x9f: {  	[tilespmem:s17], [sflag:$0x1] =	stream.indirect.gather [hbm4b:s4+s16], $0x80, s30, s16, $0xb8;
	[tilespmem:$0x1E800] =	vst v63  }
0xa0: {  	_ =	swait.ge [sflag:s20], $0x4000  }
0xa1: {  	[sflag:s20] =	ssyncset.done $0x0  }
0xa2: {  	s31 =	simm.s32 $0x1480;
	[sflag:s20] =	ssyncadd.s32 $0xFFFFC000  }
0xa3: {  	[spmem:s1] =	stream.indirect.scatter.add.f32 [tilespmem:s18], [sflag:$0x3], $0x80, s31, s16, $0xb8;
	[tilespmem:$0x1E800] =	vst v63  }
0xa4: {  	_ =	swait.ge [sflag:s14], $0x4000  }
0xa5: {  	s25 =	simm.s32 $0x100;
	s26 =	simm.s32 $0x800;
	[sflag:s14] =	ssyncset.done $0x0  }
.LBB2_8:
0xa6: {  	s28 =	sadd.s32 $0x80, s25  }
0xa7: {  	[sflag:s14] =	ssyncadd.s32 $0xFFFFC000;
	s29 =	smov.u32 s26;
	s30 =	sadd.s32 $0x400, s26  }
0xa8: {  	[tilespmem:s18], [sflag:$0x2] =	stream.indirect.gather [hbm4b:s4+s16], $0x80, s28, s16, $0xb8;
	[tilespmem:$0x1E800] =	vst v63  }
0xa9: {  	p0 =	sne.s32 s26, $0x4800;
	_ =	swait.ge [sflag:s19], $0x4000  }
0xaa: {  	[sflag:s19] =	ssyncset.done $0x0  }
0xab: {  	s26 =	sadd.s32 $0x1400, s25;
	[sflag:s19] =	ssyncadd.s32 $0xFFFFC000  }
0xac: {  	[spmem:s1] =	stream.indirect.scatter.add.f32 [tilespmem:s17], [sflag:$0x3], $0x80, s26, s16, $0xb8;
	[tilespmem:$0x1E800] =	vst v63  }
0xad: {  	_ =	swait.ge [sflag:s14], $0x4000  }
0xae: {  	[sflag:s14] =	ssyncset.done $0x0  }
0xaf: {  	s26 =	sadd.s32 $0x100, s25;
	[sflag:s14] =	ssyncadd.s32 $0xFFFFC000  }
0xb0: {  	[tilespmem:s17], [sflag:$0x1] =	stream.indirect.gather [hbm4b:s4+s16], $0x80, s26, s16, $0xb8;
	[tilespmem:$0x1E800] =	vst v63  }
0xb1: {  	_ =	swait.ge [sflag:s20], $0x4000  }
.Ltmp3:
0xb2: {  	[sflag:s20] =	ssyncset.done $0x0;
	(pc) =	sbr.rel @p0 .LBB2_8-.Ltmp3, $4  }
0xb3: {  	s25 =	sadd.s32 $0x1480, s25;
	[sflag:s20] =	ssyncadd.s32 $0xFFFFC000  }
0xb4: {  	[spmem:s1] =	stream.indirect.scatter.add.f32 [tilespmem:s18], [sflag:$0x3], $0x80, s25, s16, $0xb8;
	[tilespmem:$0x1E800] =	vst v63  }
0xb5: {  	_ =	swait.ge [sflag:s14], $0x4000  }
0xb6: {  	s26 =	smov.u32 s30;
	s25 =	sshra.s32 s29, $0x2;
	[sflag:s14] =	ssyncset.done $0x0  }
0xb7: {  	s26 =	sadd.s32 $0x80, s25;
	[sflag:s14] =	ssyncadd.s32 $0xFFFFC000  }
0xb8: {  	[tilespmem:s18], [sflag:$0x2] =	stream.indirect.gather [hbm4b:s4+s16], $0x80, s26, s16, $0xb8;
	[tilespmem:$0x1E800] =	vst v63  }
0xb9: {  	_ =	swait.ge [sflag:s19], $0x4000  }
0xba: {  	[sflag:s19] =	ssyncset.done $0x0  }
0xbb: {  	s29 =	sadd.s32 $0x1400, s25;
	[sflag:s19] =	ssyncadd.s32 $0xFFFFC000  }
0xbc: {  	[spmem:s1] =	stream.indirect.scatter.add.f32 [tilespmem:s17], [sflag:$0x3], $0x80, s29, s16, $0xb8;
	[tilespmem:$0x1E800] =	vst v63  }
0xbd: {  	_ =	swait.ge [sflag:s14], $0x4000  }
0xbe: {  	[sflag:s14] =	ssyncset.done $0x0  }
0xbf: {  	s30 =	sadd.s32 $0x100, s25;
	[sflag:s14] =	ssyncadd.s32 $0xFFFFC000  }
0xc0: {  	[tilespmem:s17], [sflag:$0x1] =	stream.indirect.gather [hbm4b:s4+s16], $0x80, s30, s16, $0xb8;
	[tilespmem:$0x1E800] =	vst v63  }
0xc1: {  	_ =	swait.ge [sflag:s20], $0x4000  }
0xc2: {  	[sflag:s20] =	ssyncset.done $0x0  }
0xc3: {  	s31 =	sadd.s32 $0x1480, s25;
	[sflag:s20] =	ssyncadd.s32 $0xFFFFC000  }
0xc4: {  	[spmem:s1] =	stream.indirect.scatter.add.f32 [tilespmem:s18], [sflag:$0x3], $0x80, s31, s16, $0xb8;
	[tilespmem:$0x1E800] =	vst v63  }
0xc5: {  	_ =	swait.ge [sflag:s14], $0x4000  }
0xc6: {  	[sflag:s14] =	ssyncset.done $0x0  }
0xc7: {  	[sflag:s14] =	ssyncadd.s32 $0xFFFFC000  }
0xc8: {  	[tilespmem:s18], [sflag:$0x2] =	stream.indirect.gather [hbm4b:s4+s16], $0x80, s21, s16, $0xb8;
	[tilespmem:$0x1E800] =	vst v63  }
0xc9: {  	_ =	swait.ge [sflag:s19], $0x4000  }
0xca: {  	[sflag:s19] =	ssyncset.done $0x0  }
0xcb: {  	[sflag:s19] =	ssyncadd.s32 $0xFFFFC000  }
0xcc: {  	[spmem:s1] =	stream.indirect.scatter.add.f32 [tilespmem:s17], [sflag:$0x3], $0x80, s22, s16, $0xb8;
	[tilespmem:$0x1E800] =	vst v63  }
0xcd: {  	_ =	swait.ge [sflag:s14], $0x4000  }
0xce: {  	[sflag:s14] =	ssyncset.done $0x0  }
0xcf: {  	[sflag:s14] =	ssyncadd.s32 $0xFFFFC000  }
0xd0: {  	_ =	swait.ge [sflag:s20], $0x4000  }
0xd1: {  	[sflag:s20] =	ssyncset.done $0x0  }
0xd2: {  	[sflag:s20] =	ssyncadd.s32 $0xFFFFC000  }
0xd3: {  	[spmem:s1] =	stream.indirect.scatter.add.f32 [tilespmem:s18], [sflag:$0x3], $0x80, s23, s16, $0xb8;
	[tilespmem:$0x1E800] =	vst v63  }
0xd4: {  	_ =	swait.ge [sflag:s14], $0x4000  }
0xd5: {  	s24 =	sadd.s32 $0x1, s24;
	[sflag:s14] =	ssyncset.done $0x0  }
0xd6: {  	p0 =	sne.s32 s24, s12;
	[sflag:s14] =	ssyncadd.s32 $0xFFFFC000  }
.Ltmp4:
0xd7: {  	[bflag:$0x0] =	sbarrier.arrive $0xFFFF;
	(pc) =	sbr.rel @p0 .LBB2_1-.Ltmp4, $4  }
0xd8: {  	[hbm:s11], [sflag:s6] =	dma.local [spmem:s13], $0x2800  }
0xd9: {  	_ =	swait.ge [sflag:s14], $0x2800  }
0xda: {  	[sflag:s14] =	ssyncset.done $0x0  }
0xdb: {  	[sflag:s14] =	ssyncadd.s32 $0xFFFFD800  }
0xdc: {  	_ =	sfence.sel $0x180000  }
0xdd: {  	[bflag:$0x0] =	sbarrier.arrive $0xFFFF  }
0xde: {  	p0 =	sne.s32 s2, $0x0;
	_ =	strace $0x90000047  }
0xdf: {  	s0 =	sadd.s32 @!p0 $0x100000, s0;
	[bflag:$0x2] =	sbarrier.arrive $0xFFFF  }
0xe0: {  	[sflag:s0] =	ssyncadd.tile.s32 @!p0 $0x1;
	_ =	shalt  }
.Lfunc_end2:
_tile_overlayer_lowered:
.L_overlay_start_2:
0xe1: {  	(tag) =	ssettag $0x2  }
0xe2: {  	s0 =	rddreg [dreg:$0x0];
	s2 =	stileid.u32  }
0xe3: {  	s1 =	rddreg [dreg:$0x1];
	p0 =	sne.s32 s2, $0x0  }
0xe4: {  	s3 =	rddreg [dreg:$0x2];
	[bflag:$0x3] =	sbarrier.arrive $0xFFFF;
	s2 =	simm.s32 @!p0 $0x1C03  }
0xe5: {  	[timem:s3], [sflag:s2] =	dma.local @!p0 [hbm:s0], s1  }
0xe6: {  	s0 =	simm.s32 @!p0 $0x3  }
0xe7: {  	_ =	swait.ge @!p0 [sflag:s0], s1  }
0xe8: {  	s1 =	ssub.s32 @!p0 $0x0, s1;
	[sflag:s0] =	ssyncset.done @!p0 $0x0  }
0xe9: {  	[sflag:s0] =	ssyncadd.s32 @!p0 s1  }
0xea: {  	[bflag:$0x3] =	sbarrier.arrive $0xFFFF  }
0xeb: {  	_ =	shalt  }

</sc_bundles>
